<compile_context>
chip_gen: v7x
topology: tpu7x:2x2x1
jax: 0.10.2.dev20260603
libtpu: 0.0.44.dev20260713+nightly
codegen_flags: <defaults>
</compile_context>

<pallas_src>
import functools

import jax
import jax.numpy as jnp
from jax import lax
from jax.experimental import pallas as pl
from jax.experimental.pallas import tpu as pltpu
from jax.experimental.pallas import tpu_sc as plsc

_N = 1048576
_K = 64
_ALPHA = 0.1
_NC = 2
_NS = 16
_NW = _NC * _NS
_L = 16
_C = _N // _NW


_NCHUNK = 8
_S = _C // _NCHUNK


def _sc_body(dist_hbm, assign_hbm, sums_hbm, hist_hbm,
             a_v, lut_v, idx0_v, idx1_v, vals0_v, vals1_v, hist_v, out16_v,
             sem0, sem1):
    cid = lax.axis_index("c")
    sid = lax.axis_index("s")
    wid = sid * _NC + cid
    base = wid * _C

    pltpu.sync_copy(assign_hbm.at[pl.ds(base, _C)], a_v)

    iota16 = lax.iota(jnp.int32, _L)
    ones16 = jnp.ones((_L,), jnp.float32)
    bufs = ((idx0_v, vals0_v, sem0), (idx1_v, vals1_v, sem1))

    zero16 = jnp.zeros((_L,), jnp.float32)
    for j in range(_K // _L):
        hist_v[pl.ds(j * _L, _L)] = zero16
        k_vec = j * _L + iota16
        lut_v[pl.ds(j * _L, _L)] = ((k_vec >> 3) << 23) + ((k_vec & 7) << 7)

    def build_chunk(t):
        idx_v, vals_v, sem = bufs[t % 2]
        blk0 = (base + t * _S) >> 7

        def build_block(b, carry):
            ip = ((blk0 + b) << 10) + iota16
            off = b << 7
            for j2 in range(128 // _L):
                a_sl = a_v[pl.ds(t * _S + off + j2 * _L, _L)]
                ap = plsc.load_gather(lut_v, [a_sl])
                idx_v[pl.ds(off + j2 * _L, _L)] = ap + ip
                plsc.addupdate_scatter(hist_v, [a_sl], ones16)
                ip = ip + _L
            return carry

        lax.fori_loop(0, _S // 128, build_block, 0)
        return pltpu.async_copy(dist_hbm.at[idx_v], vals_v, sem)

    def accum_chunk(t, acc):
        _, vals_v, _ = bufs[t % 2]

        def accum(j, a):
            a0, a1 = a
            off = j << 7
            for j2 in range(0, 128 // _L, 2):
                a0 = a0 + vals_v[pl.ds(off + j2 * _L, _L)]
                a1 = a1 + vals_v[pl.ds(off + (j2 + 1) * _L, _L)]
            return (a0, a1)

        return lax.fori_loop(0, _S // 128, accum, acc)

    acc = (jnp.zeros((_L,), jnp.float32), jnp.zeros((_L,), jnp.float32))
    copies = [None, None]
    copies[0] = build_chunk(0)
    for t in range(1, _NCHUNK):
        copies[t % 2] = build_chunk(t)
        copies[(t - 1) % 2].wait()
        acc = accum_chunk(t - 1, acc)
    copies[(_NCHUNK - 1) % 2].wait()
    acc = accum_chunk(_NCHUNK - 1, acc)

    out16_v[...] = acc[0] + acc[1]
    pltpu.sync_copy(out16_v, sums_hbm.at[wid])
    pltpu.sync_copy(hist_v, hist_hbm.at[wid])


_sc_call = pl.kernel(
    _sc_body,
    out_type=[
        jax.ShapeDtypeStruct((_NW, _L), jnp.float32),
        jax.ShapeDtypeStruct((_NW, _K), jnp.float32),
    ],
    mesh=plsc.VectorSubcoreMesh(
        core_axis_name="c", subcore_axis_name="s",
        num_cores=_NC, num_subcores=_NS,
    ),
    compiler_params=pltpu.CompilerParams(needs_layout_passes=False),
    scratch_types=[
        pltpu.VMEM((_C,), jnp.int32),
        pltpu.VMEM((_K,), jnp.int32),
        pltpu.VMEM((_S,), jnp.int32),
        pltpu.VMEM((_S,), jnp.int32),
        pltpu.VMEM((_S,), jnp.float32),
        pltpu.VMEM((_S,), jnp.float32),
        pltpu.VMEM((_K,), jnp.float32),
        pltpu.VMEM((_L,), jnp.float32),
        pltpu.SemaphoreType.DMA,
        pltpu.SemaphoreType.DMA,
    ],
)


def _tc_body(sums_ref, hist_ref, out_ref):
    total = jnp.sum(sums_ref[...])
    counts = jnp.sum(hist_ref[...], axis=0)
    probs = counts * (1.0 / _N)
    entropy = -jnp.sum(probs * jnp.log(probs + 1e-8))
    out_ref[0, 0] = total * (1.0 / _N) - _ALPHA * entropy


_tc_call = pl.pallas_call(
    _tc_body,
    out_shape=jax.ShapeDtypeStruct((1, 1), jnp.float32),
    out_specs=pl.BlockSpec(memory_space=pltpu.SMEM),
)


@jax.jit
def _impl(distances, assignments):
    dist_phys = (
        distances.reshape(8192, 128, 8, 8).transpose(2, 0, 3, 1).reshape(-1)
    )
    sums, hists = _sc_call(dist_phys, assignments.astype(jnp.int32))
    return _tc_call(sums, hists)[0, 0]


def kernel(distances, assignments):
    return _impl(distances, assignments)

# --- scband reference (transcript-rebuilt; emitter-appended) ---
"""Pipeline reference for scband-entropy-regularized-loss-83915071029272 (READ-ONLY COPY).

The authoritative reference and input builder live on the scoring server;
editing this copy changes nothing except your own understanding.
"""

import jax, jax.numpy as jnp
import numpy as np

N = 1048576
K = 64
ALPHA = 0.1

def setup_inputs(seed: int = 0) -> dict:
    key = jax.random.key(seed)
    k1, k2 = jax.random.split(key)
    distances = jax.random.uniform(k1, (N, K), dtype=jnp.float32)
    assignments = jax.random.randint(k2, (N,), 0, K)
    return {"distances": distances, "assignments": assignments}

def reference(distances, assignments):
    n, k = distances.shape
    # gather the distance of each point to its assigned cluster
    min_distances = jnp.take_along_axis(distances, assignments[:, None], axis=1).squeeze(1)
    main_loss = jnp.mean(min_distances)
    # cluster occupancy probabilities (equivalent to the per-k loop with (assignments == k).mean())
    cluster_probs = jnp.bincount(assignments, length=k).astype(jnp.float32) / n
    entropy = -jnp.sum(cluster_probs * jnp.log(cluster_probs + 1e-08))
    return main_loss - ALPHA * entropy

if __name__ == "__main__":
    import jax
    _d = setup_inputs()
    print(jax.jit(kernel)(*tuple(_d.values())))

</pallas_src>

<mosaic_0001>
#map = affine_map<(d0, d1) -> (0)>
#map1 = affine_map<(d0, d1) -> (0, 0)>
module attributes {stable_mosaic.version = 14 : i64} {
  func.func @_sc_body(%arg0: i32, %arg1: i32, %arg2: memref<67108864xf32, #tpu.memory_space<hbm>>, %arg3: memref<1048576xi32, #tpu.memory_space<hbm>>, %arg4: memref<32x16xf32, #tpu.memory_space<hbm>>, %arg5: memref<32x64xf32, #tpu.memory_space<hbm>>, %arg6: memref<32768xi32, #tpu.memory_space<vmem>>, %arg7: memref<64xi32, #tpu.memory_space<vmem>>, %arg8: memref<4096xi32, #tpu.memory_space<vmem>>, %arg9: memref<4096xi32, #tpu.memory_space<vmem>>, %arg10: memref<4096xf32, #tpu.memory_space<vmem>>, %arg11: memref<4096xf32, #tpu.memory_space<vmem>>, %arg12: memref<64xf32, #tpu.memory_space<vmem>>, %arg13: memref<16xf32, #tpu.memory_space<vmem>>, %arg14: memref<!tpu.dma_semaphore, #tpu.memory_space<semaphore_mem>>, %arg15: memref<!tpu.dma_semaphore, #tpu.memory_space<semaphore_mem>>) attributes {dimension_semantics = [#tpu.dimension_semantics<core_parallel>, #tpu.dimension_semantics<subcore_parallel>], iteration_bounds = array<i64: 2, 16>, scalar_prefetch = 0 : i64, scratch_operands = 10 : i64, tpu.core_type = #tpu.core_type<sc_vector_subcore>, window_params = [{transform_indices = #map}, {transform_indices = #map}, {transform_indices = #map1}, {transform_indices = #map1}]} {
    %mul3A = arith.constant 2 : i32
    %mul3A_0 = arith.muli %arg1, %mul3A : i32
    %add3A = arith.addi %mul3A_0, %arg0 : i32
    %mul3A_1 = arith.constant 32768 : i32
    %mul3A_2 = arith.muli %add3A, %mul3A_1 : i32
    "tpu.region"() ({
      %run_scoped3A = tpu.sem_alloc : memref<!tpu.dma_semaphore, #tpu.memory_space<semaphore_mem>>
      %dma_start3A_246 = tpu.memref_slice %arg3[%mul3A_2] : memref<1048576xi32, #tpu.memory_space<hbm>> -> memref<32768xi32, #tpu.memory_space<hbm>>
      %dma_start3A_247 = tpu.memref_slice %arg3[%mul3A_2] : memref<1048576xi32, #tpu.memory_space<hbm>> -> memref<32768xi32, #tpu.memory_space<hbm>>
      tpu.enqueue_dma source(%dma_start3A_247 : memref<32768xi32, #tpu.memory_space<hbm>>) target(%arg6 : memref<32768xi32, #tpu.memory_space<vmem>>) target_semaphore(%run_scoped3A : memref<!tpu.dma_semaphore, #tpu.memory_space<semaphore_mem>>)
      %dma_wait3A_248 = tpu.memref_slice %arg3[%mul3A_2] : memref<1048576xi32, #tpu.memory_space<hbm>> -> memref<32768xi32, #tpu.memory_space<hbm>>
      %dma_wait3A_249 = tpu.memref_slice %arg3[%mul3A_2] : memref<1048576xi32, #tpu.memory_space<hbm>> -> memref<32768xi32, #tpu.memory_space<hbm>>
      tpu.wait_dma2 semaphore(%run_scoped3A : memref<!tpu.dma_semaphore, #tpu.memory_space<semaphore_mem>>) src(%dma_wait3A_249 : memref<32768xi32, #tpu.memory_space<hbm>>) dst(%arg6 : memref<32768xi32, #tpu.memory_space<vmem>>)
      tpu.yield
    }) : () -> ()
    %iota3A = tpu.iota {dimensions = array<i32: 0>} : vector<16xi32>
    %broadcast_in_dim3A = arith.constant 1.000000e+00 : f32
    %broadcast_in_dim3A_3 = vector.broadcast %broadcast_in_dim3A : f32 to vector<16xf32>
    %broadcast_in_dim3A_4 = arith.constant 0.000000e+00 : f32
    %broadcast_in_dim3A_5 = vector.broadcast %broadcast_in_dim3A_4 : f32 to vector<16xf32>
    %swap3A = arith.constant 0 : index
    %swap3A_6 = tpu.vector_load %arg12[%swap3A] {strides = array<i32>} : memref<64xf32, #tpu.memory_space<vmem>>, vector<16xf32>,
    tpu.vector_store %arg12[%swap3A], %broadcast_in_dim3A_5 {strides = array<i32>} : memref<64xf32, #tpu.memory_space<vmem>>, vector<16xf32>,
    %add3A_7 = arith.constant 0 : i32
    %add3A_8 = vector.broadcast %add3A_7 : i32 to vector<16xi32>
    %add3A_9 = arith.addi %add3A_8, %iota3A : vector<16xi32>
    %shift_right_arithmetic3A = arith.constant 3 : i32
    %shift_right_arithmetic3A_10 = vector.broadcast %shift_right_arithmetic3A : i32 to vector<16xi32>
    %shift_right_arithmetic3A_11 = arith.shrsi %add3A_9, %shift_right_arithmetic3A_10 : vector<16xi32>
    %shift_left3A = arith.constant 23 : i32
    %shift_left3A_12 = vector.broadcast %shift_left3A : i32 to vector<16xi32>
    %shift_left3A_13 = arith.shli %shift_right_arithmetic3A_11, %shift_left3A_12 : vector<16xi32>
    %and3A = arith.constant 7 : i32
    %and3A_14 = vector.broadcast %and3A : i32 to vector<16xi32>
    %and3A_15 = arith.andi %add3A_9, %and3A_14 : vector<16xi32>
    %shift_left3A_16 = arith.constant 7 : i32
    %shift_left3A_17 = vector.broadcast %shift_left3A_16 : i32 to vector<16xi32>
    %shift_left3A_18 = arith.shli %and3A_15, %shift_left3A_17 : vector<16xi32>
    %add3A_19 = arith.addi %shift_left3A_13, %shift_left3A_18 : vector<16xi32>
    %swap3A_20 = arith.constant 0 : index
    %swap3A_21 = tpu.vector_load %arg7[%swap3A_20] {strides = array<i32>} : memref<64xi32, #tpu.memory_space<vmem>>, vector<16xi32>,
    tpu.vector_store %arg7[%swap3A_20], %add3A_19 {strides = array<i32>} : memref<64xi32, #tpu.memory_space<vmem>>, vector<16xi32>,
    %swap3A_22 = arith.constant 16 : index
    %swap3A_23 = tpu.vector_load %arg12[%swap3A_22] {strides = array<i32>} : memref<64xf32, #tpu.memory_space<vmem>>, vector<16xf32>,
    tpu.vector_store %arg12[%swap3A_22], %broadcast_in_dim3A_5 {strides = array<i32>} : memref<64xf32, #tpu.memory_space<vmem>>, vector<16xf32>,
    %add3A_24 = arith.constant 16 : i32
    %add3A_25 = vector.broadcast %add3A_24 : i32 to vector<16xi32>
    %add3A_26 = arith.addi %add3A_25, %iota3A : vector<16xi32>
    %shift_right_arithmetic3A_27 = arith.constant 3 : i32
    %shift_right_arithmetic3A_28 = vector.broadcast %shift_right_arithmetic3A_27 : i32 to vector<16xi32>
    %shift_right_arithmetic3A_29 = arith.shrsi %add3A_26, %shift_right_arithmetic3A_28 : vector<16xi32>
    %shift_left3A_30 = arith.constant 23 : i32
    %shift_left3A_31 = vector.broadcast %shift_left3A_30 : i32 to vector<16xi32>
    %shift_left3A_32 = arith.shli %shift_right_arithmetic3A_29, %shift_left3A_31 : vector<16xi32>
    %and3A_33 = arith.constant 7 : i32
    %and3A_34 = vector.broadcast %and3A_33 : i32 to vector<16xi32>
    %and3A_35 = arith.andi %add3A_26, %and3A_34 : vector<16xi32>
    %shift_left3A_36 = arith.constant 7 : i32
    %shift_left3A_37 = vector.broadcast %shift_left3A_36 : i32 to vector<16xi32>
    %shift_left3A_38 = arith.shli %and3A_35, %shift_left3A_37 : vector<16xi32>
    %add3A_39 = arith.addi %shift_left3A_32, %shift_left3A_38 : vector<16xi32>
    %swap3A_40 = arith.constant 16 : index
    %swap3A_41 = tpu.vector_load %arg7[%swap3A_40] {strides = array<i32>} : memref<64xi32, #tpu.memory_space<vmem>>, vector<16xi32>,
    tpu.vector_store %arg7[%swap3A_40], %add3A_39 {strides = array<i32>} : memref<64xi32, #tpu.memory_space<vmem>>, vector<16xi32>,
    %swap3A_42 = arith.constant 32 : index
    %swap3A_43 = tpu.vector_load %arg12[%swap3A_42] {strides = array<i32>} : memref<64xf32, #tpu.memory_space<vmem>>, vector<16xf32>,
    tpu.vector_store %arg12[%swap3A_42], %broadcast_in_dim3A_5 {strides = array<i32>} : memref<64xf32, #tpu.memory_space<vmem>>, vector<16xf32>,
    %add3A_44 = arith.constant 32 : i32
    %add3A_45 = vector.broadcast %add3A_44 : i32 to vector<16xi32>
    %add3A_46 = arith.addi %add3A_45, %iota3A : vector<16xi32>
    %shift_right_arithmetic3A_47 = arith.constant 3 : i32
    %shift_right_arithmetic3A_48 = vector.broadcast %shift_right_arithmetic3A_47 : i32 to vector<16xi32>
    %shift_right_arithmetic3A_49 = arith.shrsi %add3A_46, %shift_right_arithmetic3A_48 : vector<16xi32>
    %shift_left3A_50 = arith.constant 23 : i32
    %shift_left3A_51 = vector.broadcast %shift_left3A_50 : i32 to vector<16xi32>
    %shift_left3A_52 = arith.shli %shift_right_arithmetic3A_49, %shift_left3A_51 : vector<16xi32>
    %and3A_53 = arith.constant 7 : i32
    %and3A_54 = vector.broadcast %and3A_53 : i32 to vector<16xi32>
    %and3A_55 = arith.andi %add3A_46, %and3A_54 : vector<16xi32>
    %shift_left3A_56 = arith.constant 7 : i32
    %shift_left3A_57 = vector.broadcast %shift_left3A_56 : i32 to vector<16xi32>
    %shift_left3A_58 = arith.shli %and3A_55, %shift_left3A_57 : vector<16xi32>
    %add3A_59 = arith.addi %shift_left3A_52, %shift_left3A_58 : vector<16xi32>
    %swap3A_60 = arith.constant 32 : index
    %swap3A_61 = tpu.vector_load %arg7[%swap3A_60] {strides = array<i32>} : memref<64xi32, #tpu.memory_space<vmem>>, vector<16xi32>,
    tpu.vector_store %arg7[%swap3A_60], %add3A_59 {strides = array<i32>} : memref<64xi32, #tpu.memory_space<vmem>>, vector<16xi32>,
    %swap3A_62 = arith.constant 48 : index
    %swap3A_63 = tpu.vector_load %arg12[%swap3A_62] {strides = array<i32>} : memref<64xf32, #tpu.memory_space<vmem>>, vector<16xf32>,
    tpu.vector_store %arg12[%swap3A_62], %broadcast_in_dim3A_5 {strides = array<i32>} : memref<64xf32, #tpu.memory_space<vmem>>, vector<16xf32>,
    %add3A_64 = arith.constant 48 : i32
    %add3A_65 = vector.broadcast %add3A_64 : i32 to vector<16xi32>
    %add3A_66 = arith.addi %add3A_65, %iota3A : vector<16xi32>
    %shift_right_arithmetic3A_67 = arith.constant 3 : i32
    %shift_right_arithmetic3A_68 = vector.broadcast %shift_right_arithmetic3A_67 : i32 to vector<16xi32>
    %shift_right_arithmetic3A_69 = arith.shrsi %add3A_66, %shift_right_arithmetic3A_68 : vector<16xi32>
    %shift_left3A_70 = arith.constant 23 : i32
    %shift_left3A_71 = vector.broadcast %shift_left3A_70 : i32 to vector<16xi32>
    %shift_left3A_72 = arith.shli %shift_right_arithmetic3A_69, %shift_left3A_71 : vector<16xi32>
    %and3A_73 = arith.constant 7 : i32
    %and3A_74 = vector.broadcast %and3A_73 : i32 to vector<16xi32>
    %and3A_75 = arith.andi %add3A_66, %and3A_74 : vector<16xi32>
    %shift_left3A_76 = arith.constant 7 : i32
    %shift_left3A_77 = vector.broadcast %shift_left3A_76 : i32 to vector<16xi32>
    %shift_left3A_78 = arith.shli %and3A_75, %shift_left3A_77 : vector<16xi32>
    %add3A_79 = arith.addi %shift_left3A_72, %shift_left3A_78 : vector<16xi32>
    %swap3A_80 = arith.constant 48 : index
    %swap3A_81 = tpu.vector_load %arg7[%swap3A_80] {strides = array<i32>} : memref<64xi32, #tpu.memory_space<vmem>>, vector<16xi32>,
    tpu.vector_store %arg7[%swap3A_80], %add3A_79 {strides = array<i32>} : memref<64xi32, #tpu.memory_space<vmem>>, vector<16xi32>,
    %broadcast_in_dim3A_82 = arith.constant 0.000000e+00 : f32
    %broadcast_in_dim3A_83 = vector.broadcast %broadcast_in_dim3A_82 : f32 to vector<16xf32>
    %broadcast_in_dim3A_84 = arith.constant 0.000000e+00 : f32
    %broadcast_in_dim3A_85 = vector.broadcast %broadcast_in_dim3A_84 : f32 to vector<16xf32>
    %add3A_86 = arith.constant 0 : i32
    %add3A_87 = arith.addi %mul3A_2, %add3A_86 : i32
    %shift_right_arithmetic3A_88 = arith.constant 7 : i32
    %shift_right_arithmetic3A_89 = arith.shrsi %add3A_87, %shift_right_arithmetic3A_88 : i32
    %scan3A = arith.constant 0 : i32
    %scan3A_90 = arith.constant 0 : i32
    %scan3A_91 = arith.constant 32 : i32
    %scan3A_92 = arith.addi %scan3A_90, %scan3A_91 : i32
    %scan3A_93 = arith.constant 1 : i32
    scf.for %scan3A_246 = %scan3A_90 to %scan3A_92 step %scan3A_93  : i32 {
      %add3A_247 = arith.addi %shift_right_arithmetic3A_89, %scan3A_246 : i32
      %shift_left3A_248 = arith.constant 10 : i32
      %shift_left3A_249 = arith.shli %add3A_247, %shift_left3A_248 : i32
      %add3A_250 = vector.broadcast %shift_left3A_249 : i32 to vector<16xi32>
      %add3A_251 = arith.addi %add3A_250, %iota3A : vector<16xi32>
      %shift_left3A_252 = arith.constant 7 : i32
      %shift_left3A_253 = arith.shli %scan3A_246, %shift_left3A_252 : i32
      %add3A_254 = arith.constant 0 : i32
      %add3A_255 = arith.addi %add3A_254, %shift_left3A_253 : i32
      %add3A_256 = arith.constant 0 : i32
      %add3A_257 = arith.addi %add3A_255, %add3A_256 : i32
      %get3A = arith.index_cast %add3A_257 : i32 to index
      %get3A_258 = tpu.vector_load %arg6[%get3A] {strides = array<i32>} : memref<32768xi32, #tpu.memory_space<vmem>>, vector<16xi32>,
      %gather3A = tpu.vector_load_idx %arg7[%get3A_258] : memref<64xi32, #tpu.memory_space<vmem>>[vector<16xi32>], vector<16xi32>,
      %add3A_259 = arith.addi %gather3A, %add3A_251 : vector<16xi32>
      %add3A_260 = arith.constant 0 : i32
      %add3A_261 = arith.addi %shift_left3A_253, %add3A_260 : i32
      %swap3A_262 = arith.index_cast %add3A_261 : i32 to index
      %swap3A_263 = tpu.vector_load %arg8[%swap3A_262] {strides = array<i32>} : memref<4096xi32, #tpu.memory_space<vmem>>, vector<16xi32>,
      tpu.vector_store %arg8[%swap3A_262], %add3A_259 {strides = array<i32>} : memref<4096xi32, #tpu.memory_space<vmem>>, vector<16xi32>,
      tpu.vector_store_idx %arg12[%get3A_258], %broadcast_in_dim3A_3 {add = true} : memref<64xf32, #tpu.memory_space<vmem>>[vector<16xi32>], vector<16xf32>,
      %add3A_264 = arith.constant 16 : i32
      %add3A_265 = vector.broadcast %add3A_264 : i32 to vector<16xi32>
      %add3A_266 = arith.addi %add3A_251, %add3A_265 : vector<16xi32>
      %add3A_267 = arith.constant 0 : i32
      %add3A_268 = arith.addi %add3A_267, %shift_left3A_253 : i32
      %add3A_269 = arith.constant 16 : i32
      %add3A_270 = arith.addi %add3A_268, %add3A_269 : i32
      %get3A_271 = arith.index_cast %add3A_270 : i32 to index
      %get3A_272 = tpu.vector_load %arg6[%get3A_271] {strides = array<i32>} : memref<32768xi32, #tpu.memory_space<vmem>>, vector<16xi32>,
      %gather3A_273 = tpu.vector_load_idx %arg7[%get3A_272] : memref<64xi32, #tpu.memory_space<vmem>>[vector<16xi32>], vector<16xi32>,
      %add3A_274 = arith.addi %gather3A_273, %add3A_266 : vector<16xi32>
      %add3A_275 = arith.constant 16 : i32
      %add3A_276 = arith.addi %shift_left3A_253, %add3A_275 : i32
      %swap3A_277 = arith.index_cast %add3A_276 : i32 to index
      %swap3A_278 = tpu.vector_load %arg8[%swap3A_277] {strides = array<i32>} : memref<4096xi32, #tpu.memory_space<vmem>>, vector<16xi32>,
      tpu.vector_store %arg8[%swap3A_277], %add3A_274 {strides = array<i32>} : memref<4096xi32, #tpu.memory_space<vmem>>, vector<16xi32>,
      tpu.vector_store_idx %arg12[%get3A_272], %broadcast_in_dim3A_3 {add = true} : memref<64xf32, #tpu.memory_space<vmem>>[vector<16xi32>], vector<16xf32>,
      %add3A_279 = arith.constant 16 : i32
      %add3A_280 = vector.broadcast %add3A_279 : i32 to vector<16xi32>
      %add3A_281 = arith.addi %add3A_266, %add3A_280 : vector<16xi32>
      %add3A_282 = arith.constant 0 : i32
      %add3A_283 = arith.addi %add3A_282, %shift_left3A_253 : i32
      %add3A_284 = arith.constant 32 : i32
      %add3A_285 = arith.addi %add3A_283, %add3A_284 : i32
      %get3A_286 = arith.index_cast %add3A_285 : i32 to index
      %get3A_287 = tpu.vector_load %arg6[%get3A_286] {strides = array<i32>} : memref<32768xi32, #tpu.memory_space<vmem>>, vector<16xi32>,
      %gather3A_288 = tpu.vector_load_idx %arg7[%get3A_287] : memref<64xi32, #tpu.memory_space<vmem>>[vector<16xi32>], vector<16xi32>,
      %add3A_289 = arith.addi %gather3A_288, %add3A_281 : vector<16xi32>
      %add3A_290 = arith.constant 32 : i32
      %add3A_291 = arith.addi %shift_left3A_253, %add3A_290 : i32
      %swap3A_292 = arith.index_cast %add3A_291 : i32 to index
      %swap3A_293 = tpu.vector_load %arg8[%swap3A_292] {strides = array<i32>} : memref<4096xi32, #tpu.memory_space<vmem>>, vector<16xi32>,
      tpu.vector_store %arg8[%swap3A_292], %add3A_289 {strides = array<i32>} : memref<4096xi32, #tpu.memory_space<vmem>>, vector<16xi32>,
      tpu.vector_store_idx %arg12[%get3A_287], %broadcast_in_dim3A_3 {add = true} : memref<64xf32, #tpu.memory_space<vmem>>[vector<16xi32>], vector<16xf32>,
      %add3A_294 = arith.constant 16 : i32
      %add3A_295 = vector.broadcast %add3A_294 : i32 to vector<16xi32>
      %add3A_296 = arith.addi %add3A_281, %add3A_295 : vector<16xi32>
      %add3A_297 = arith.constant 0 : i32
      %add3A_298 = arith.addi %add3A_297, %shift_left3A_253 : i32
      %add3A_299 = arith.constant 48 : i32
      %add3A_300 = arith.addi %add3A_298, %add3A_299 : i32
      %get3A_301 = arith.index_cast %add3A_300 : i32 to index
      %get3A_302 = tpu.vector_load %arg6[%get3A_301] {strides = array<i32>} : memref<32768xi32, #tpu.memory_space<vmem>>, vector<16xi32>,
      %gather3A_303 = tpu.vector_load_idx %arg7[%get3A_302] : memref<64xi32, #tpu.memory_space<vmem>>[vector<16xi32>], vector<16xi32>,
      %add3A_304 = arith.addi %gather3A_303, %add3A_296 : vector<16xi32>
      %add3A_305 = arith.constant 48 : i32
      %add3A_306 = arith.addi %shift_left3A_253, %add3A_305 : i32
      %swap3A_307 = arith.index_cast %add3A_306 : i32 to index
      %swap3A_308 = tpu.vector_load %arg8[%swap3A_307] {strides = array<i32>} : memref<4096xi32, #tpu.memory_space<vmem>>, vector<16xi32>,
      tpu.vector_store %arg8[%swap3A_307], %add3A_304 {strides = array<i32>} : memref<4096xi32, #tpu.memory_space<vmem>>, vector<16xi32>,
      tpu.vector_store_idx %arg12[%get3A_302], %broadcast_in_dim3A_3 {add = true} : memref<64xf32, #tpu.memory_space<vmem>>[vector<16xi32>], vector<16xf32>,
      %add3A_309 = arith.constant 16 : i32
      %add3A_310 = vector.broadcast %add3A_309 : i32 to vector<16xi32>
      %add3A_311 = arith.addi %add3A_296, %add3A_310 : vector<16xi32>
      %add3A_312 = arith.constant 0 : i32
      %add3A_313 = arith.addi %add3A_312, %shift_left3A_253 : i32
      %add3A_314 = arith.constant 64 : i32
      %add3A_315 = arith.addi %add3A_313, %add3A_314 : i32
      %get3A_316 = arith.index_cast %add3A_315 : i32 to index
      %get3A_317 = tpu.vector_load %arg6[%get3A_316] {strides = array<i32>} : memref<32768xi32, #tpu.memory_space<vmem>>, vector<16xi32>,
      %gather3A_318 = tpu.vector_load_idx %arg7[%get3A_317] : memref<64xi32, #tpu.memory_space<vmem>>[vector<16xi32>], vector<16xi32>,
      %add3A_319 = arith.addi %gather3A_318, %add3A_311 : vector<16xi32>
      %add3A_320 = arith.constant 64 : i32
      %add3A_321 = arith.addi %shift_left3A_253, %add3A_320 : i32
      %swap3A_322 = arith.index_cast %add3A_321 : i32 to index
      %swap3A_323 = tpu.vector_load %arg8[%swap3A_322] {strides = array<i32>} : memref<4096xi32, #tpu.memory_space<vmem>>, vector<16xi32>,
      tpu.vector_store %arg8[%swap3A_322], %add3A_319 {strides = array<i32>} : memref<4096xi32, #tpu.memory_space<vmem>>, vector<16xi32>,
      tpu.vector_store_idx %arg12[%get3A_317], %broadcast_in_dim3A_3 {add = true} : memref<64xf32, #tpu.memory_space<vmem>>[vector<16xi32>], vector<16xf32>,
      %add3A_324 = arith.constant 16 : i32
      %add3A_325 = vector.broadcast %add3A_324 : i32 to vector<16xi32>
      %add3A_326 = arith.addi %add3A_311, %add3A_325 : vector<16xi32>
      %add3A_327 = arith.constant 0 : i32
      %add3A_328 = arith.addi %add3A_327, %shift_left3A_253 : i32
      %add3A_329 = arith.constant 80 : i32
      %add3A_330 = arith.addi %add3A_328, %add3A_329 : i32
      %get3A_331 = arith.index_cast %add3A_330 : i32 to index
      %get3A_332 = tpu.vector_load %arg6[%get3A_331] {strides = array<i32>} : memref<32768xi32, #tpu.memory_space<vmem>>, vector<16xi32>,
      %gather3A_333 = tpu.vector_load_idx %arg7[%get3A_332] : memref<64xi32, #tpu.memory_space<vmem>>[vector<16xi32>], vector<16xi32>,
      %add3A_334 = arith.addi %gather3A_333, %add3A_326 : vector<16xi32>
      %add3A_335 = arith.constant 80 : i32
      %add3A_336 = arith.addi %shift_left3A_253, %add3A_335 : i32
      %swap3A_337 = arith.index_cast %add3A_336 : i32 to index
      %swap3A_338 = tpu.vector_load %arg8[%swap3A_337] {strides = array<i32>} : memref<4096xi32, #tpu.memory_space<vmem>>, vector<16xi32>,
      tpu.vector_store %arg8[%swap3A_337], %add3A_334 {strides = array<i32>} : memref<4096xi32, #tpu.memory_space<vmem>>, vector<16xi32>,
      tpu.vector_store_idx %arg12[%get3A_332], %broadcast_in_dim3A_3 {add = true} : memref<64xf32, #tpu.memory_space<vmem>>[vector<16xi32>], vector<16xf32>,
      %add3A_339 = arith.constant 16 : i32
      %add3A_340 = vector.broadcast %add3A_339 : i32 to vector<16xi32>
      %add3A_341 = arith.addi %add3A_326, %add3A_340 : vector<16xi32>
      %add3A_342 = arith.constant 0 : i32
      %add3A_343 = arith.addi %add3A_342, %shift_left3A_253 : i32
      %add3A_344 = arith.constant 96 : i32
      %add3A_345 = arith.addi %add3A_343, %add3A_344 : i32
      %get3A_346 = arith.index_cast %add3A_345 : i32 to index
      %get3A_347 = tpu.vector_load %arg6[%get3A_346] {strides = array<i32>} : memref<32768xi32, #tpu.memory_space<vmem>>, vector<16xi32>,
      %gather3A_348 = tpu.vector_load_idx %arg7[%get3A_347] : memref<64xi32, #tpu.memory_space<vmem>>[vector<16xi32>], vector<16xi32>,
      %add3A_349 = arith.addi %gather3A_348, %add3A_341 : vector<16xi32>
      %add3A_350 = arith.constant 96 : i32
      %add3A_351 = arith.addi %shift_left3A_253, %add3A_350 : i32
      %swap3A_352 = arith.index_cast %add3A_351 : i32 to index
      %swap3A_353 = tpu.vector_load %arg8[%swap3A_352] {strides = array<i32>} : memref<4096xi32, #tpu.memory_space<vmem>>, vector<16xi32>,
      tpu.vector_store %arg8[%swap3A_352], %add3A_349 {strides = array<i32>} : memref<4096xi32, #tpu.memory_space<vmem>>, vector<16xi32>,
      tpu.vector_store_idx %arg12[%get3A_347], %broadcast_in_dim3A_3 {add = true} : memref<64xf32, #tpu.memory_space<vmem>>[vector<16xi32>], vector<16xf32>,
      %add3A_354 = arith.constant 16 : i32
      %add3A_355 = vector.broadcast %add3A_354 : i32 to vector<16xi32>
      %add3A_356 = arith.addi %add3A_341, %add3A_355 : vector<16xi32>
      %add3A_357 = arith.constant 0 : i32
      %add3A_358 = arith.addi %add3A_357, %shift_left3A_253 : i32
      %add3A_359 = arith.constant 112 : i32
      %add3A_360 = arith.addi %add3A_358, %add3A_359 : i32
      %get3A_361 = arith.index_cast %add3A_360 : i32 to index
      %get3A_362 = tpu.vector_load %arg6[%get3A_361] {strides = array<i32>} : memref<32768xi32, #tpu.memory_space<vmem>>, vector<16xi32>,
      %gather3A_363 = tpu.vector_load_idx %arg7[%get3A_362] : memref<64xi32, #tpu.memory_space<vmem>>[vector<16xi32>], vector<16xi32>,
      %add3A_364 = arith.addi %gather3A_363, %add3A_356 : vector<16xi32>
      %add3A_365 = arith.constant 112 : i32
      %add3A_366 = arith.addi %shift_left3A_253, %add3A_365 : i32
      %swap3A_367 = arith.index_cast %add3A_366 : i32 to index
      %swap3A_368 = tpu.vector_load %arg8[%swap3A_367] {strides = array<i32>} : memref<4096xi32, #tpu.memory_space<vmem>>, vector<16xi32>,
      tpu.vector_store %arg8[%swap3A_367], %add3A_364 {strides = array<i32>} : memref<4096xi32, #tpu.memory_space<vmem>>, vector<16xi32>,
      tpu.vector_store_idx %arg12[%get3A_362], %broadcast_in_dim3A_3 {add = true} : memref<64xf32, #tpu.memory_space<vmem>>[vector<16xi32>], vector<16xf32>,
      %add3A_369 = arith.constant 16 : i32
      %add3A_370 = vector.broadcast %add3A_369 : i32 to vector<16xi32>
      %add3A_371 = arith.addi %add3A_356, %add3A_370 : vector<16xi32>
    }
    %scan3A_94 = arith.constant 32 : i32
    %dma_start3A = arith.constant 0 : i32
    %dma_start3A_95 = tpu.memref_slice %arg2[%dma_start3A] : memref<67108864xf32, #tpu.memory_space<hbm>> -> memref<67108864xf32, #tpu.memory_space<hbm>>
    tpu.enqueue_indirect_dma source(%dma_start3A_95 : memref<67108864xf32, #tpu.memory_space<hbm>>) target(%arg10 : memref<4096xf32, #tpu.memory_space<vmem>>) offsets(%arg8 : memref<4096xi32, #tpu.memory_space<vmem>>) semaphore(%arg14 : memref<!tpu.dma_semaphore, #tpu.memory_space<semaphore_mem>>)
    %add3A_96 = arith.constant 4096 : i32
    %add3A_97 = arith.addi %mul3A_2, %add3A_96 : i32
    %shift_right_arithmetic3A_98 = arith.constant 7 : i32
    %shift_right_arithmetic3A_99 = arith.shrsi %add3A_97, %shift_right_arithmetic3A_98 : i32
    %scan3A_100 = arith.constant 0 : i32
    %scan3A_101 = arith.constant 0 : i32
    %scan3A_102 = arith.constant 32 : i32
    %scan3A_103 = arith.addi %scan3A_101, %scan3A_102 : i32
    %scan3A_104 = arith.constant 1 : i32
    scf.for %scan3A_246 = %scan3A_101 to %scan3A_103 step %scan3A_104  : i32 {
      %add3A_247 = arith.addi %shift_right_arithmetic3A_99, %scan3A_246 : i32
      %shift_left3A_248 = arith.constant 10 : i32
      %shift_left3A_249 = arith.shli %add3A_247, %shift_left3A_248 : i32
      %add3A_250 = vector.broadcast %shift_left3A_249 : i32 to vector<16xi32>
      %add3A_251 = arith.addi %add3A_250, %iota3A : vector<16xi32>
      %shift_left3A_252 = arith.constant 7 : i32
      %shift_left3A_253 = arith.shli %scan3A_246, %shift_left3A_252 : i32
      %add3A_254 = arith.constant 4096 : i32
      %add3A_255 = arith.addi %add3A_254, %shift_left3A_253 : i32
      %add3A_256 = arith.constant 0 : i32
      %add3A_257 = arith.addi %add3A_255, %add3A_256 : i32
      %get3A = arith.index_cast %add3A_257 : i32 to index
      %get3A_258 = tpu.vector_load %arg6[%get3A] {strides = array<i32>} : memref<32768xi32, #tpu.memory_space<vmem>>, vector<16xi32>,
      %gather3A = tpu.vector_load_idx %arg7[%get3A_258] : memref<64xi32, #tpu.memory_space<vmem>>[vector<16xi32>], vector<16xi32>,
      %add3A_259 = arith.addi %gather3A, %add3A_251 : vector<16xi32>
      %add3A_260 = arith.constant 0 : i32
      %add3A_261 = arith.addi %shift_left3A_253, %add3A_260 : i32
      %swap3A_262 = arith.index_cast %add3A_261 : i32 to index
      %swap3A_263 = tpu.vector_load %arg9[%swap3A_262] {strides = array<i32>} : memref<4096xi32, #tpu.memory_space<vmem>>, vector<16xi32>,
      tpu.vector_store %arg9[%swap3A_262], %add3A_259 {strides = array<i32>} : memref<4096xi32, #tpu.memory_space<vmem>>, vector<16xi32>,
      tpu.vector_store_idx %arg12[%get3A_258], %broadcast_in_dim3A_3 {add = true} : memref<64xf32, #tpu.memory_space<vmem>>[vector<16xi32>], vector<16xf32>,
      %add3A_264 = arith.constant 16 : i32
      %add3A_265 = vector.broadcast %add3A_264 : i32 to vector<16xi32>
      %add3A_266 = arith.addi %add3A_251, %add3A_265 : vector<16xi32>
      %add3A_267 = arith.constant 4096 : i32
      %add3A_268 = arith.addi %add3A_267, %shift_left3A_253 : i32
      %add3A_269 = arith.constant 16 : i32
      %add3A_270 = arith.addi %add3A_268, %add3A_269 : i32
      %get3A_271 = arith.index_cast %add3A_270 : i32 to index
      %get3A_272 = tpu.vector_load %arg6[%get3A_271] {strides = array<i32>} : memref<32768xi32, #tpu.memory_space<vmem>>, vector<16xi32>,
      %gather3A_273 = tpu.vector_load_idx %arg7[%get3A_272] : memref<64xi32, #tpu.memory_space<vmem>>[vector<16xi32>], vector<16xi32>,
      %add3A_274 = arith.addi %gather3A_273, %add3A_266 : vector<16xi32>
      %add3A_275 = arith.constant 16 : i32
      %add3A_276 = arith.addi %shift_left3A_253, %add3A_275 : i32
      %swap3A_277 = arith.index_cast %add3A_276 : i32 to index
      %swap3A_278 = tpu.vector_load %arg9[%swap3A_277] {strides = array<i32>} : memref<4096xi32, #tpu.memory_space<vmem>>, vector<16xi32>,
      tpu.vector_store %arg9[%swap3A_277], %add3A_274 {strides = array<i32>} : memref<4096xi32, #tpu.memory_space<vmem>>, vector<16xi32>,
      tpu.vector_store_idx %arg12[%get3A_272], %broadcast_in_dim3A_3 {add = true} : memref<64xf32, #tpu.memory_space<vmem>>[vector<16xi32>], vector<16xf32>,
      %add3A_279 = arith.constant 16 : i32
      %add3A_280 = vector.broadcast %add3A_279 : i32 to vector<16xi32>
      %add3A_281 = arith.addi %add3A_266, %add3A_280 : vector<16xi32>
      %add3A_282 = arith.constant 4096 : i32
      %add3A_283 = arith.addi %add3A_282, %shift_left3A_253 : i32
      %add3A_284 = arith.constant 32 : i32
      %add3A_285 = arith.addi %add3A_283, %add3A_284 : i32
      %get3A_286 = arith.index_cast %add3A_285 : i32 to index
      %get3A_287 = tpu.vector_load %arg6[%get3A_286] {strides = array<i32>} : memref<32768xi32, #tpu.memory_space<vmem>>, vector<16xi32>,
      %gather3A_288 = tpu.vector_load_idx %arg7[%get3A_287] : memref<64xi32, #tpu.memory_space<vmem>>[vector<16xi32>], vector<16xi32>,
      %add3A_289 = arith.addi %gather3A_288, %add3A_281 : vector<16xi32>
      %add3A_290 = arith.constant 32 : i32
      %add3A_291 = arith.addi %shift_left3A_253, %add3A_290 : i32
      %swap3A_292 = arith.index_cast %add3A_291 : i32 to index
      %swap3A_293 = tpu.vector_load %arg9[%swap3A_292] {strides = array<i32>} : memref<4096xi32, #tpu.memory_space<vmem>>, vector<16xi32>,
      tpu.vector_store %arg9[%swap3A_292], %add3A_289 {strides = array<i32>} : memref<4096xi32, #tpu.memory_space<vmem>>, vector<16xi32>,
      tpu.vector_store_idx %arg12[%get3A_287], %broadcast_in_dim3A_3 {add = true} : memref<64xf32, #tpu.memory_space<vmem>>[vector<16xi32>], vector<16xf32>,
      %add3A_294 = arith.constant 16 : i32
      %add3A_295 = vector.broadcast %add3A_294 : i32 to vector<16xi32>
      %add3A_296 = arith.addi %add3A_281, %add3A_295 : vector<16xi32>
      %add3A_297 = arith.constant 4096 : i32
      %add3A_298 = arith.addi %add3A_297, %shift_left3A_253 : i32
      %add3A_299 = arith.constant 48 : i32
      %add3A_300 = arith.addi %add3A_298, %add3A_299 : i32
      %get3A_301 = arith.index_cast %add3A_300 : i32 to index
      %get3A_302 = tpu.vector_load %arg6[%get3A_301] {strides = array<i32>} : memref<32768xi32, #tpu.memory_space<vmem>>, vector<16xi32>,
      %gather3A_303 = tpu.vector_load_idx %arg7[%get3A_302] : memref<64xi32, #tpu.memory_space<vmem>>[vector<16xi32>], vector<16xi32>,
      %add3A_304 = arith.addi %gather3A_303, %add3A_296 : vector<16xi32>
      %add3A_305 = arith.constant 48 : i32
      %add3A_306 = arith.addi %shift_left3A_253, %add3A_305 : i32
      %swap3A_307 = arith.index_cast %add3A_306 : i32 to index
      %swap3A_308 = tpu.vector_load %arg9[%swap3A_307] {strides = array<i32>} : memref<4096xi32, #tpu.memory_space<vmem>>, vector<16xi32>,
      tpu.vector_store %arg9[%swap3A_307], %add3A_304 {strides = array<i32>} : memref<4096xi32, #tpu.memory_space<vmem>>, vector<16xi32>,
      tpu.vector_store_idx %arg12[%get3A_302], %broadcast_in_dim3A_3 {add = true} : memref<64xf32, #tpu.memory_space<vmem>>[vector<16xi32>], vector<16xf32>,
      %add3A_309 = arith.constant 16 : i32
      %add3A_310 = vector.broadcast %add3A_309 : i32 to vector<16xi32>
      %add3A_311 = arith.addi %add3A_296, %add3A_310 : vector<16xi32>
      %add3A_312 = arith.constant 4096 : i32
      %add3A_313 = arith.addi %add3A_312, %shift_left3A_253 : i32
      %add3A_314 = arith.constant 64 : i32
      %add3A_315 = arith.addi %add3A_313, %add3A_314 : i32
      %get3A_316 = arith.index_cast %add3A_315 : i32 to index
      %get3A_317 = tpu.vector_load %arg6[%get3A_316] {strides = array<i32>} : memref<32768xi32, #tpu.memory_space<vmem>>, vector<16xi32>,
      %gather3A_318 = tpu.vector_load_idx %arg7[%get3A_317] : memref<64xi32, #tpu.memory_space<vmem>>[vector<16xi32>], vector<16xi32>,
      %add3A_319 = arith.addi %gather3A_318, %add3A_311 : vector<16xi32>
      %add3A_320 = arith.constant 64 : i32
      %add3A_321 = arith.addi %shift_left3A_253, %add3A_320 : i32
      %swap3A_322 = arith.index_cast %add3A_321 : i32 to index
      %swap3A_323 = tpu.vector_load %arg9[%swap3A_322] {strides = array<i32>} : memref<4096xi32, #tpu.memory_space<vmem>>, vector<16xi32>,
      tpu.vector_store %arg9[%swap3A_322], %add3A_319 {strides = array<i32>} : memref<4096xi32, #tpu.memory_space<vmem>>, vector<16xi32>,
      tpu.vector_store_idx %arg12[%get3A_317], %broadcast_in_dim3A_3 {add = true} : memref<64xf32, #tpu.memory_space<vmem>>[vector<16xi32>], vector<16xf32>,
      %add3A_324 = arith.constant 16 : i32
      %add3A_325 = vector.broadcast %add3A_324 : i32 to vector<16xi32>
      %add3A_326 = arith.addi %add3A_311, %add3A_325 : vector<16xi32>
      %add3A_327 = arith.constant 4096 : i32
      %add3A_328 = arith.addi %add3A_327, %shift_left3A_253 : i32
      %add3A_329 = arith.constant 80 : i32
      %add3A_330 = arith.addi %add3A_328, %add3A_329 : i32
      %get3A_331 = arith.index_cast %add3A_330 : i32 to index
      %get3A_332 = tpu.vector_load %arg6[%get3A_331] {strides = array<i32>} : memref<32768xi32, #tpu.memory_space<vmem>>, vector<16xi32>,
      %gather3A_333 = tpu.vector_load_idx %arg7[%get3A_332] : memref<64xi32, #tpu.memory_space<vmem>>[vector<16xi32>], vector<16xi32>,
      %add3A_334 = arith.addi %gather3A_333, %add3A_326 : vector<16xi32>
      %add3A_335 = arith.constant 80 : i32
      %add3A_336 = arith.addi %shift_left3A_253, %add3A_335 : i32
      %swap3A_337 = arith.index_cast %add3A_336 : i32 to index
      %swap3A_338 = tpu.vector_load %arg9[%swap3A_337] {strides = array<i32>} : memref<4096xi32, #tpu.memory_space<vmem>>, vector<16xi32>,
      tpu.vector_store %arg9[%swap3A_337], %add3A_334 {strides = array<i32>} : memref<4096xi32, #tpu.memory_space<vmem>>, vector<16xi32>,
      tpu.vector_store_idx %arg12[%get3A_332], %broadcast_in_dim3A_3 {add = true} : memref<64xf32, #tpu.memory_space<vmem>>[vector<16xi32>], vector<16xf32>,
      %add3A_339 = arith.constant 16 : i32
      %add3A_340 = vector.broadcast %add3A_339 : i32 to vector<16xi32>
      %add3A_341 = arith.addi %add3A_326, %add3A_340 : vector<16xi32>
      %add3A_342 = arith.constant 4096 : i32
      %add3A_343 = arith.addi %add3A_342, %shift_left3A_253 : i32
      %add3A_344 = arith.constant 96 : i32
      %add3A_345 = arith.addi %add3A_343, %add3A_344 : i32
      %get3A_346 = arith.index_cast %add3A_345 : i32 to index
      %get3A_347 = tpu.vector_load %arg6[%get3A_346] {strides = array<i32>} : memref<32768xi32, #tpu.memory_space<vmem>>, vector<16xi32>,
      %gather3A_348 = tpu.vector_load_idx %arg7[%get3A_347] : memref<64xi32, #tpu.memory_space<vmem>>[vector<16xi32>], vector<16xi32>,
      %add3A_349 = arith.addi %gather3A_348, %add3A_341 : vector<16xi32>
      %add3A_350 = arith.constant 96 : i32
      %add3A_351 = arith.addi %shift_left3A_253, %add3A_350 : i32
      %swap3A_352 = arith.index_cast %add3A_351 : i32 to index
      %swap3A_353 = tpu.vector_load %arg9[%swap3A_352] {strides = array<i32>} : memref<4096xi32, #tpu.memory_space<vmem>>, vector<16xi32>,
      tpu.vector_store %arg9[%swap3A_352], %add3A_349 {strides = array<i32>} : memref<4096xi32, #tpu.memory_space<vmem>>, vector<16xi32>,
      tpu.vector_store_idx %arg12[%get3A_347], %broadcast_in_dim3A_3 {add = true} : memref<64xf32, #tpu.memory_space<vmem>>[vector<16xi32>], vector<16xf32>,
      %add3A_354 = arith.constant 16 : i32
      %add3A_355 = vector.broadcast %add3A_354 : i32 to vector<16xi32>
      %add3A_356 = arith.addi %add3A_341, %add3A_355 : vector<16xi32>
      %add3A_357 = arith.constant 4096 : i32
      %add3A_358 = arith.addi %add3A_357, %shift_left3A_253 : i32
      %add3A_359 = arith.constant 112 : i32
      %add3A_360 = arith.addi %add3A_358, %add3A_359 : i32
      %get3A_361 = arith.index_cast %add3A_360 : i32 to index
      %get3A_362 = tpu.vector_load %arg6[%get3A_361] {strides = array<i32>} : memref<32768xi32, #tpu.memory_space<vmem>>, vector<16xi32>,
      %gather3A_363 = tpu.vector_load_idx %arg7[%get3A_362] : memref<64xi32, #tpu.memory_space<vmem>>[vector<16xi32>], vector<16xi32>,
      %add3A_364 = arith.addi %gather3A_363, %add3A_356 : vector<16xi32>
      %add3A_365 = arith.constant 112 : i32
      %add3A_366 = arith.addi %shift_left3A_253, %add3A_365 : i32
      %swap3A_367 = arith.index_cast %add3A_366 : i32 to index
      %swap3A_368 = tpu.vector_load %arg9[%swap3A_367] {strides = array<i32>} : memref<4096xi32, #tpu.memory_space<vmem>>, vector<16xi32>,
      tpu.vector_store %arg9[%swap3A_367], %add3A_364 {strides = array<i32>} : memref<4096xi32, #tpu.memory_space<vmem>>, vector<16xi32>,
      tpu.vector_store_idx %arg12[%get3A_362], %broadcast_in_dim3A_3 {add = true} : memref<64xf32, #tpu.memory_space<vmem>>[vector<16xi32>], vector<16xf32>,
      %add3A_369 = arith.constant 16 : i32
      %add3A_370 = vector.broadcast %add3A_369 : i32 to vector<16xi32>
      %add3A_371 = arith.addi %add3A_356, %add3A_370 : vector<16xi32>
    }
    %scan3A_105 = arith.constant 32 : i32
    %dma_start3A_106 = arith.constant 0 : i32
    %dma_start3A_107 = tpu.memref_slice %arg2[%dma_start3A_106] : memref<67108864xf32, #tpu.memory_space<hbm>> -> memref<67108864xf32, #tpu.memory_space<hbm>>
    tpu.enqueue_indirect_dma source(%dma_start3A_107 : memref<67108864xf32, #tpu.memory_space<hbm>>) target(%arg11 : memref<4096xf32, #tpu.memory_space<vmem>>) offsets(%arg9 : memref<4096xi32, #tpu.memory_space<vmem>>) semaphore(%arg15 : memref<!tpu.dma_semaphore, #tpu.memory_space<semaphore_mem>>)
    %dma_wait3A = arith.constant 0 : i32
    %dma_wait3A_108 = tpu.memref_slice %arg2[%dma_wait3A] : memref<67108864xf32, #tpu.memory_space<hbm>> -> memref<67108864xf32, #tpu.memory_space<hbm>>
    tpu.wait_indirect_dma semaphore(%arg14 : memref<!tpu.dma_semaphore, #tpu.memory_space<semaphore_mem>>) src(%dma_wait3A_108 : memref<67108864xf32, #tpu.memory_space<hbm>>) dst(%arg10 : memref<4096xf32, #tpu.memory_space<vmem>>)
    %scan3A_109 = arith.constant 0 : i32
    %scan3A_110 = arith.constant 32 : i32
    %scan3A_111 = arith.addi %scan3A_109, %scan3A_110 : i32
    %scan3A_112 = arith.constant 1 : i32
    %scan3A_113:2 = scf.for %scan3A_246 = %scan3A_109 to %scan3A_111 step %scan3A_112 iter_args(%scan3A_247 = %broadcast_in_dim3A_83, %scan3A_248 = %broadcast_in_dim3A_85) -> (vector<16xf32>, vector<16xf32>)  : i32 {
      %shift_left3A_249 = arith.constant 7 : i32
      %shift_left3A_250 = arith.shli %scan3A_246, %shift_left3A_249 : i32
      %add3A_251 = arith.constant 0 : i32
      %add3A_252 = arith.addi %shift_left3A_250, %add3A_251 : i32
      %get3A = arith.index_cast %add3A_252 : i32 to index
      %get3A_253 = tpu.vector_load %arg10[%get3A] {strides = array<i32>} : memref<4096xf32, #tpu.memory_space<vmem>>, vector<16xf32>,
      %add3A_254 = arith.addf %scan3A_247, %get3A_253 : vector<16xf32>
      %add3A_255 = arith.constant 16 : i32
      %add3A_256 = arith.addi %shift_left3A_250, %add3A_255 : i32
      %get3A_257 = arith.index_cast %add3A_256 : i32 to index
      %get3A_258 = tpu.vector_load %arg10[%get3A_257] {strides = array<i32>} : memref<4096xf32, #tpu.memory_space<vmem>>, vector<16xf32>,
      %add3A_259 = arith.addf %scan3A_248, %get3A_258 : vector<16xf32>
      %add3A_260 = arith.constant 32 : i32
      %add3A_261 = arith.addi %shift_left3A_250, %add3A_260 : i32
      %get3A_262 = arith.index_cast %add3A_261 : i32 to index
      %get3A_263 = tpu.vector_load %arg10[%get3A_262] {strides = array<i32>} : memref<4096xf32, #tpu.memory_space<vmem>>, vector<16xf32>,
      %add3A_264 = arith.addf %add3A_254, %get3A_263 : vector<16xf32>
      %add3A_265 = arith.constant 48 : i32
      %add3A_266 = arith.addi %shift_left3A_250, %add3A_265 : i32
      %get3A_267 = arith.index_cast %add3A_266 : i32 to index
      %get3A_268 = tpu.vector_load %arg10[%get3A_267] {strides = array<i32>} : memref<4096xf32, #tpu.memory_space<vmem>>, vector<16xf32>,
      %add3A_269 = arith.addf %add3A_259, %get3A_268 : vector<16xf32>
      %add3A_270 = arith.constant 64 : i32
      %add3A_271 = arith.addi %shift_left3A_250, %add3A_270 : i32
      %get3A_272 = arith.index_cast %add3A_271 : i32 to index
      %get3A_273 = tpu.vector_load %arg10[%get3A_272] {strides = array<i32>} : memref<4096xf32, #tpu.memory_space<vmem>>, vector<16xf32>,
      %add3A_274 = arith.addf %add3A_264, %get3A_273 : vector<16xf32>
      %add3A_275 = arith.constant 80 : i32
      %add3A_276 = arith.addi %shift_left3A_250, %add3A_275 : i32
      %get3A_277 = arith.index_cast %add3A_276 : i32 to index
      %get3A_278 = tpu.vector_load %arg10[%get3A_277] {strides = array<i32>} : memref<4096xf32, #tpu.memory_space<vmem>>, vector<16xf32>,
      %add3A_279 = arith.addf %add3A_269, %get3A_278 : vector<16xf32>
      %add3A_280 = arith.constant 96 : i32
      %add3A_281 = arith.addi %shift_left3A_250, %add3A_280 : i32
      %get3A_282 = arith.index_cast %add3A_281 : i32 to index
      %get3A_283 = tpu.vector_load %arg10[%get3A_282] {strides = array<i32>} : memref<4096xf32, #tpu.memory_space<vmem>>, vector<16xf32>,
      %add3A_284 = arith.addf %add3A_274, %get3A_283 : vector<16xf32>
      %add3A_285 = arith.constant 112 : i32
      %add3A_286 = arith.addi %shift_left3A_250, %add3A_285 : i32
      %get3A_287 = arith.index_cast %add3A_286 : i32 to index
      %get3A_288 = tpu.vector_load %arg10[%get3A_287] {strides = array<i32>} : memref<4096xf32, #tpu.memory_space<vmem>>, vector<16xf32>,
      %add3A_289 = arith.addf %add3A_279, %get3A_288 : vector<16xf32>
      scf.yield %add3A_284, %add3A_289 : vector<16xf32>, vector<16xf32>
    }
    %scan3A_114 = arith.constant 32 : i32
    %add3A_115 = arith.constant 8192 : i32
    %add3A_116 = arith.addi %mul3A_2, %add3A_115 : i32
    %shift_right_arithmetic3A_117 = arith.constant 7 : i32
    %shift_right_arithmetic3A_118 = arith.shrsi %add3A_116, %shift_right_arithmetic3A_117 : i32
    %scan3A_119 = arith.constant 0 : i32
    %scan3A_120 = arith.constant 0 : i32
    %scan3A_121 = arith.constant 32 : i32
    %scan3A_122 = arith.addi %scan3A_120, %scan3A_121 : i32
    %scan3A_123 = arith.constant 1 : i32
    scf.for %scan3A_246 = %scan3A_120 to %scan3A_122 step %scan3A_123  : i32 {
      %add3A_247 = arith.addi %shift_right_arithmetic3A_118, %scan3A_246 : i32
      %shift_left3A_248 = arith.constant 10 : i32
      %shift_left3A_249 = arith.shli %add3A_247, %shift_left3A_248 : i32
      %add3A_250 = vector.broadcast %shift_left3A_249 : i32 to vector<16xi32>
      %add3A_251 = arith.addi %add3A_250, %iota3A : vector<16xi32>
      %shift_left3A_252 = arith.constant 7 : i32
      %shift_left3A_253 = arith.shli %scan3A_246, %shift_left3A_252 : i32
      %add3A_254 = arith.constant 8192 : i32
      %add3A_255 = arith.addi %add3A_254, %shift_left3A_253 : i32
      %add3A_256 = arith.constant 0 : i32
      %add3A_257 = arith.addi %add3A_255, %add3A_256 : i32
      %get3A = arith.index_cast %add3A_257 : i32 to index
      %get3A_258 = tpu.vector_load %arg6[%get3A] {strides = array<i32>} : memref<32768xi32, #tpu.memory_space<vmem>>, vector<16xi32>,
      %gather3A = tpu.vector_load_idx %arg7[%get3A_258] : memref<64xi32, #tpu.memory_space<vmem>>[vector<16xi32>], vector<16xi32>,
      %add3A_259 = arith.addi %gather3A, %add3A_251 : vector<16xi32>
      %add3A_260 = arith.constant 0 : i32
      %add3A_261 = arith.addi %shift_left3A_253, %add3A_260 : i32
      %swap3A_262 = arith.index_cast %add3A_261 : i32 to index
      %swap3A_263 = tpu.vector_load %arg8[%swap3A_262] {strides = array<i32>} : memref<4096xi32, #tpu.memory_space<vmem>>, vector<16xi32>,
      tpu.vector_store %arg8[%swap3A_262], %add3A_259 {strides = array<i32>} : memref<4096xi32, #tpu.memory_space<vmem>>, vector<16xi32>,
      tpu.vector_store_idx %arg12[%get3A_258], %broadcast_in_dim3A_3 {add = true} : memref<64xf32, #tpu.memory_space<vmem>>[vector<16xi32>], vector<16xf32>,
      %add3A_264 = arith.constant 16 : i32
      %add3A_265 = vector.broadcast %add3A_264 : i32 to vector<16xi32>
      %add3A_266 = arith.addi %add3A_251, %add3A_265 : vector<16xi32>
      %add3A_267 = arith.constant 8192 : i32
      %add3A_268 = arith.addi %add3A_267, %shift_left3A_253 : i32
      %add3A_269 = arith.constant 16 : i32
      %add3A_270 = arith.addi %add3A_268, %add3A_269 : i32
      %get3A_271 = arith.index_cast %add3A_270 : i32 to index
      %get3A_272 = tpu.vector_load %arg6[%get3A_271] {strides = array<i32>} : memref<32768xi32, #tpu.memory_space<vmem>>, vector<16xi32>,
      %gather3A_273 = tpu.vector_load_idx %arg7[%get3A_272] : memref<64xi32, #tpu.memory_space<vmem>>[vector<16xi32>], vector<16xi32>,
      %add3A_274 = arith.addi %gather3A_273, %add3A_266 : vector<16xi32>
      %add3A_275 = arith.constant 16 : i32
      %add3A_276 = arith.addi %shift_left3A_253, %add3A_275 : i32
      %swap3A_277 = arith.index_cast %add3A_276 : i32 to index
      %swap3A_278 = tpu.vector_load %arg8[%swap3A_277] {strides = array<i32>} : memref<4096xi32, #tpu.memory_space<vmem>>, vector<16xi32>,
      tpu.vector_store %arg8[%swap3A_277], %add3A_274 {strides = array<i32>} : memref<4096xi32, #tpu.memory_space<vmem>>, vector<16xi32>,
      tpu.vector_store_idx %arg12[%get3A_272], %broadcast_in_dim3A_3 {add = true} : memref<64xf32, #tpu.memory_space<vmem>>[vector<16xi32>], vector<16xf32>,
      %add3A_279 = arith.constant 16 : i32
      %add3A_280 = vector.broadcast %add3A_279 : i32 to vector<16xi32>
      %add3A_281 = arith.addi %add3A_266, %add3A_280 : vector<16xi32>
      %add3A_282 = arith.constant 8192 : i32
      %add3A_283 = arith.addi %add3A_282, %shift_left3A_253 : i32
      %add3A_284 = arith.constant 32 : i32
      %add3A_285 = arith.addi %add3A_283, %add3A_284 : i32
      %get3A_286 = arith.index_cast %add3A_285 : i32 to index
      %get3A_287 = tpu.vector_load %arg6[%get3A_286] {strides = array<i32>} : memref<32768xi32, #tpu.memory_space<vmem>>, vector<16xi32>,
      %gather3A_288 = tpu.vector_load_idx %arg7[%get3A_287] : memref<64xi32, #tpu.memory_space<vmem>>[vector<16xi32>], vector<16xi32>,
      %add3A_289 = arith.addi %gather3A_288, %add3A_281 : vector<16xi32>
      %add3A_290 = arith.constant 32 : i32
      %add3A_291 = arith.addi %shift_left3A_253, %add3A_290 : i32
      %swap3A_292 = arith.index_cast %add3A_291 : i32 to index
      %swap3A_293 = tpu.vector_load %arg8[%swap3A_292] {strides = array<i32>} : memref<4096xi32, #tpu.memory_space<vmem>>, vector<16xi32>,
      tpu.vector_store %arg8[%swap3A_292], %add3A_289 {strides = array<i32>} : memref<4096xi32, #tpu.memory_space<vmem>>, vector<16xi32>,
      tpu.vector_store_idx %arg12[%get3A_287], %broadcast_in_dim3A_3 {add = true} : memref<64xf32, #tpu.memory_space<vmem>>[vector<16xi32>], vector<16xf32>,
      %add3A_294 = arith.constant 16 : i32
      %add3A_295 = vector.broadcast %add3A_294 : i32 to vector<16xi32>
      %add3A_296 = arith.addi %add3A_281, %add3A_295 : vector<16xi32>
      %add3A_297 = arith.constant 8192 : i32
      %add3A_298 = arith.addi %add3A_297, %shift_left3A_253 : i32
      %add3A_299 = arith.constant 48 : i32
      %add3A_300 = arith.addi %add3A_298, %add3A_299 : i32
      %get3A_301 = arith.index_cast %add3A_300 : i32 to index
      %get3A_302 = tpu.vector_load %arg6[%get3A_301] {strides = array<i32>} : memref<32768xi32, #tpu.memory_space<vmem>>, vector<16xi32>,
      %gather3A_303 = tpu.vector_load_idx %arg7[%get3A_302] : memref<64xi32, #tpu.memory_space<vmem>>[vector<16xi32>], vector<16xi32>,
      %add3A_304 = arith.addi %gather3A_303, %add3A_296 : vector<16xi32>
      %add3A_305 = arith.constant 48 : i32
      %add3A_306 = arith.addi %shift_left3A_253, %add3A_305 : i32
      %swap3A_307 = arith.index_cast %add3A_306 : i32 to index
      %swap3A_308 = tpu.vector_load %arg8[%swap3A_307] {strides = array<i32>} : memref<4096xi32, #tpu.memory_space<vmem>>, vector<16xi32>,
      tpu.vector_store %arg8[%swap3A_307], %add3A_304 {strides = array<i32>} : memref<4096xi32, #tpu.memory_space<vmem>>, vector<16xi32>,
      tpu.vector_store_idx %arg12[%get3A_302], %broadcast_in_dim3A_3 {add = true} : memref<64xf32, #tpu.memory_space<vmem>>[vector<16xi32>], vector<16xf32>,
      %add3A_309 = arith.constant 16 : i32
      %add3A_310 = vector.broadcast %add3A_309 : i32 to vector<16xi32>
      %add3A_311 = arith.addi %add3A_296, %add3A_310 : vector<16xi32>
      %add3A_312 = arith.constant 8192 : i32
      %add3A_313 = arith.addi %add3A_312, %shift_left3A_253 : i32
      %add3A_314 = arith.constant 64 : i32
      %add3A_315 = arith.addi %add3A_313, %add3A_314 : i32
      %get3A_316 = arith.index_cast %add3A_315 : i32 to index
      %get3A_317 = tpu.vector_load %arg6[%get3A_316] {strides = array<i32>} : memref<32768xi32, #tpu.memory_space<vmem>>, vector<16xi32>,
      %gather3A_318 = tpu.vector_load_idx %arg7[%get3A_317] : memref<64xi32, #tpu.memory_space<vmem>>[vector<16xi32>], vector<16xi32>,
      %add3A_319 = arith.addi %gather3A_318, %add3A_311 : vector<16xi32>
      %add3A_320 = arith.constant 64 : i32
      %add3A_321 = arith.addi %shift_left3A_253, %add3A_320 : i32
      %swap3A_322 = arith.index_cast %add3A_321 : i32 to index
      %swap3A_323 = tpu.vector_load %arg8[%swap3A_322] {strides = array<i32>} : memref<4096xi32, #tpu.memory_space<vmem>>, vector<16xi32>,
      tpu.vector_store %arg8[%swap3A_322], %add3A_319 {strides = array<i32>} : memref<4096xi32, #tpu.memory_space<vmem>>, vector<16xi32>,
      tpu.vector_store_idx %arg12[%get3A_317], %broadcast_in_dim3A_3 {add = true} : memref<64xf32, #tpu.memory_space<vmem>>[vector<16xi32>], vector<16xf32>,
      %add3A_324 = arith.constant 16 : i32
      %add3A_325 = vector.broadcast %add3A_324 : i32 to vector<16xi32>
      %add3A_326 = arith.addi %add3A_311, %add3A_325 : vector<16xi32>
      %add3A_327 = arith.constant 8192 : i32
      %add3A_328 = arith.addi %add3A_327, %shift_left3A_253 : i32
      %add3A_329 = arith.constant 80 : i32
      %add3A_330 = arith.addi %add3A_328, %add3A_329 : i32
      %get3A_331 = arith.index_cast %add3A_330 : i32 to index
      %get3A_332 = tpu.vector_load %arg6[%get3A_331] {strides = array<i32>} : memref<32768xi32, #tpu.memory_space<vmem>>, vector<16xi32>,
      %gather3A_333 = tpu.vector_load_idx %arg7[%get3A_332] : memref<64xi32, #tpu.memory_space<vmem>>[vector<16xi32>], vector<16xi32>,
      %add3A_334 = arith.addi %gather3A_333, %add3A_326 : vector<16xi32>
      %add3A_335 = arith.constant 80 : i32
      %add3A_336 = arith.addi %shift_left3A_253, %add3A_335 : i32
      %swap3A_337 = arith.index_cast %add3A_336 : i32 to index
      %swap3A_338 = tpu.vector_load %arg8[%swap3A_337] {strides = array<i32>} : memref<4096xi32, #tpu.memory_space<vmem>>, vector<16xi32>,
      tpu.vector_store %arg8[%swap3A_337], %add3A_334 {strides = array<i32>} : memref<4096xi32, #tpu.memory_space<vmem>>, vector<16xi32>,
      tpu.vector_store_idx %arg12[%get3A_332], %broadcast_in_dim3A_3 {add = true} : memref<64xf32, #tpu.memory_space<vmem>>[vector<16xi32>], vector<16xf32>,
      %add3A_339 = arith.constant 16 : i32
      %add3A_340 = vector.broadcast %add3A_339 : i32 to vector<16xi32>
      %add3A_341 = arith.addi %add3A_326, %add3A_340 : vector<16xi32>
      %add3A_342 = arith.constant 8192 : i32
      %add3A_343 = arith.addi %add3A_342, %shift_left3A_253 : i32
      %add3A_344 = arith.constant 96 : i32
      %add3A_345 = arith.addi %add3A_343, %add3A_344 : i32
      %get3A_346 = arith.index_cast %add3A_345 : i32 to index
      %get3A_347 = tpu.vector_load %arg6[%get3A_346] {strides = array<i32>} : memref<32768xi32, #tpu.memory_space<vmem>>, vector<16xi32>,
      %gather3A_348 = tpu.vector_load_idx %arg7[%get3A_347] : memref<64xi32, #tpu.memory_space<vmem>>[vector<16xi32>], vector<16xi32>,
      %add3A_349 = arith.addi %gather3A_348, %add3A_341 : vector<16xi32>
      %add3A_350 = arith.constant 96 : i32
      %add3A_351 = arith.addi %shift_left3A_253, %add3A_350 : i32
      %swap3A_352 = arith.index_cast %add3A_351 : i32 to index
      %swap3A_353 = tpu.vector_load %arg8[%swap3A_352] {strides = array<i32>} : memref<4096xi32, #tpu.memory_space<vmem>>, vector<16xi32>,
      tpu.vector_store %arg8[%swap3A_352], %add3A_349 {strides = array<i32>} : memref<4096xi32, #tpu.memory_space<vmem>>, vector<16xi32>,
      tpu.vector_store_idx %arg12[%get3A_347], %broadcast_in_dim3A_3 {add = true} : memref<64xf32, #tpu.memory_space<vmem>>[vector<16xi32>], vector<16xf32>,
      %add3A_354 = arith.constant 16 : i32
      %add3A_355 = vector.broadcast %add3A_354 : i32 to vector<16xi32>
      %add3A_356 = arith.addi %add3A_341, %add3A_355 : vector<16xi32>
      %add3A_357 = arith.constant 8192 : i32
      %add3A_358 = arith.addi %add3A_357, %shift_left3A_253 : i32
      %add3A_359 = arith.constant 112 : i32
      %add3A_360 = arith.addi %add3A_358, %add3A_359 : i32
      %get3A_361 = arith.index_cast %add3A_360 : i32 to index
      %get3A_362 = tpu.vector_load %arg6[%get3A_361] {strides = array<i32>} : memref<32768xi32, #tpu.memory_space<vmem>>, vector<16xi32>,
      %gather3A_363 = tpu.vector_load_idx %arg7[%get3A_362] : memref<64xi32, #tpu.memory_space<vmem>>[vector<16xi32>], vector<16xi32>,
      %add3A_364 = arith.addi %gather3A_363, %add3A_356 : vector<16xi32>
      %add3A_365 = arith.constant 112 : i32
      %add3A_366 = arith.addi %shift_left3A_253, %add3A_365 : i32
      %swap3A_367 = arith.index_cast %add3A_366 : i32 to index
      %swap3A_368 = tpu.vector_load %arg8[%swap3A_367] {strides = array<i32>} : memref<4096xi32, #tpu.memory_space<vmem>>, vector<16xi32>,
      tpu.vector_store %arg8[%swap3A_367], %add3A_364 {strides = array<i32>} : memref<4096xi32, #tpu.memory_space<vmem>>, vector<16xi32>,
      tpu.vector_store_idx %arg12[%get3A_362], %broadcast_in_dim3A_3 {add = true} : memref<64xf32, #tpu.memory_space<vmem>>[vector<16xi32>], vector<16xf32>,
      %add3A_369 = arith.constant 16 : i32
      %add3A_370 = vector.broadcast %add3A_369 : i32 to vector<16xi32>
      %add3A_371 = arith.addi %add3A_356, %add3A_370 : vector<16xi32>
    }
    %scan3A_124 = arith.constant 32 : i32
    %dma_start3A_125 = arith.constant 0 : i32
    %dma_start3A_126 = tpu.memref_slice %arg2[%dma_start3A_125] : memref<67108864xf32, #tpu.memory_space<hbm>> -> memref<67108864xf32, #tpu.memory_space<hbm>>
    tpu.enqueue_indirect_dma source(%dma_start3A_126 : memref<67108864xf32, #tpu.memory_space<hbm>>) target(%arg10 : memref<4096xf32, #tpu.memory_space<vmem>>) offsets(%arg8 : memref<4096xi32, #tpu.memory_space<vmem>>) semaphore(%arg14 : memref<!tpu.dma_semaphore, #tpu.memory_space<semaphore_mem>>)
    %dma_wait3A_127 = arith.constant 0 : i32
    %dma_wait3A_128 = tpu.memref_slice %arg2[%dma_wait3A_127] : memref<67108864xf32, #tpu.memory_space<hbm>> -> memref<67108864xf32, #tpu.memory_space<hbm>>
    tpu.wait_indirect_dma semaphore(%arg15 : memref<!tpu.dma_semaphore, #tpu.memory_space<semaphore_mem>>) src(%dma_wait3A_128 : memref<67108864xf32, #tpu.memory_space<hbm>>) dst(%arg11 : memref<4096xf32, #tpu.memory_space<vmem>>)
    %scan3A_129 = arith.constant 0 : i32
    %scan3A_130 = arith.constant 32 : i32
    %scan3A_131 = arith.addi %scan3A_129, %scan3A_130 : i32
    %scan3A_132 = arith.constant 1 : i32
    %scan3A_133:2 = scf.for %scan3A_246 = %scan3A_129 to %scan3A_131 step %scan3A_132 iter_args(%scan3A_247 = %scan3A_113#0, %scan3A_248 = %scan3A_113#1) -> (vector<16xf32>, vector<16xf32>)  : i32 {
      %shift_left3A_249 = arith.constant 7 : i32
      %shift_left3A_250 = arith.shli %scan3A_246, %shift_left3A_249 : i32
      %add3A_251 = arith.constant 0 : i32
      %add3A_252 = arith.addi %shift_left3A_250, %add3A_251 : i32
      %get3A = arith.index_cast %add3A_252 : i32 to index
      %get3A_253 = tpu.vector_load %arg11[%get3A] {strides = array<i32>} : memref<4096xf32, #tpu.memory_space<vmem>>, vector<16xf32>,
      %add3A_254 = arith.addf %scan3A_247, %get3A_253 : vector<16xf32>
      %add3A_255 = arith.constant 16 : i32
      %add3A_256 = arith.addi %shift_left3A_250, %add3A_255 : i32
      %get3A_257 = arith.index_cast %add3A_256 : i32 to index
      %get3A_258 = tpu.vector_load %arg11[%get3A_257] {strides = array<i32>} : memref<4096xf32, #tpu.memory_space<vmem>>, vector<16xf32>,
      %add3A_259 = arith.addf %scan3A_248, %get3A_258 : vector<16xf32>
      %add3A_260 = arith.constant 32 : i32
      %add3A_261 = arith.addi %shift_left3A_250, %add3A_260 : i32
      %get3A_262 = arith.index_cast %add3A_261 : i32 to index
      %get3A_263 = tpu.vector_load %arg11[%get3A_262] {strides = array<i32>} : memref<4096xf32, #tpu.memory_space<vmem>>, vector<16xf32>,
      %add3A_264 = arith.addf %add3A_254, %get3A_263 : vector<16xf32>
      %add3A_265 = arith.constant 48 : i32
      %add3A_266 = arith.addi %shift_left3A_250, %add3A_265 : i32
      %get3A_267 = arith.index_cast %add3A_266 : i32 to index
      %get3A_268 = tpu.vector_load %arg11[%get3A_267] {strides = array<i32>} : memref<4096xf32, #tpu.memory_space<vmem>>, vector<16xf32>,
      %add3A_269 = arith.addf %add3A_259, %get3A_268 : vector<16xf32>
      %add3A_270 = arith.constant 64 : i32
      %add3A_271 = arith.addi %shift_left3A_250, %add3A_270 : i32
      %get3A_272 = arith.index_cast %add3A_271 : i32 to index
      %get3A_273 = tpu.vector_load %arg11[%get3A_272] {strides = array<i32>} : memref<4096xf32, #tpu.memory_space<vmem>>, vector<16xf32>,
      %add3A_274 = arith.addf %add3A_264, %get3A_273 : vector<16xf32>
      %add3A_275 = arith.constant 80 : i32
      %add3A_276 = arith.addi %shift_left3A_250, %add3A_275 : i32
      %get3A_277 = arith.index_cast %add3A_276 : i32 to index
      %get3A_278 = tpu.vector_load %arg11[%get3A_277] {strides = array<i32>} : memref<4096xf32, #tpu.memory_space<vmem>>, vector<16xf32>,
      %add3A_279 = arith.addf %add3A_269, %get3A_278 : vector<16xf32>
      %add3A_280 = arith.constant 96 : i32
      %add3A_281 = arith.addi %shift_left3A_250, %add3A_280 : i32
      %get3A_282 = arith.index_cast %add3A_281 : i32 to index
      %get3A_283 = tpu.vector_load %arg11[%get3A_282] {strides = array<i32>} : memref<4096xf32, #tpu.memory_space<vmem>>, vector<16xf32>,
      %add3A_284 = arith.addf %add3A_274, %get3A_283 : vector<16xf32>
      %add3A_285 = arith.constant 112 : i32
      %add3A_286 = arith.addi %shift_left3A_250, %add3A_285 : i32
      %get3A_287 = arith.index_cast %add3A_286 : i32 to index
      %get3A_288 = tpu.vector_load %arg11[%get3A_287] {strides = array<i32>} : memref<4096xf32, #tpu.memory_space<vmem>>, vector<16xf32>,
      %add3A_289 = arith.addf %add3A_279, %get3A_288 : vector<16xf32>
      scf.yield %add3A_284, %add3A_289 : vector<16xf32>, vector<16xf32>
    }
    %scan3A_134 = arith.constant 32 : i32
    %add3A_135 = arith.constant 12288 : i32
    %add3A_136 = arith.addi %mul3A_2, %add3A_135 : i32
    %shift_right_arithmetic3A_137 = arith.constant 7 : i32
    %shift_right_arithmetic3A_138 = arith.shrsi %add3A_136, %shift_right_arithmetic3A_137 : i32
    %scan3A_139 = arith.constant 0 : i32
    %scan3A_140 = arith.constant 0 : i32
    %scan3A_141 = arith.constant 32 : i32
    %scan3A_142 = arith.addi %scan3A_140, %scan3A_141 : i32
    %scan3A_143 = arith.constant 1 : i32
    scf.for %scan3A_246 = %scan3A_140 to %scan3A_142 step %scan3A_143  : i32 {
      %add3A_247 = arith.addi %shift_right_arithmetic3A_138, %scan3A_246 : i32
      %shift_left3A_248 = arith.constant 10 : i32
      %shift_left3A_249 = arith.shli %add3A_247, %shift_left3A_248 : i32
      %add3A_250 = vector.broadcast %shift_left3A_249 : i32 to vector<16xi32>
      %add3A_251 = arith.addi %add3A_250, %iota3A : vector<16xi32>
      %shift_left3A_252 = arith.constant 7 : i32
      %shift_left3A_253 = arith.shli %scan3A_246, %shift_left3A_252 : i32
      %add3A_254 = arith.constant 12288 : i32
      %add3A_255 = arith.addi %add3A_254, %shift_left3A_253 : i32
      %add3A_256 = arith.constant 0 : i32
      %add3A_257 = arith.addi %add3A_255, %add3A_256 : i32
      %get3A = arith.index_cast %add3A_257 : i32 to index
      %get3A_258 = tpu.vector_load %arg6[%get3A] {strides = array<i32>} : memref<32768xi32, #tpu.memory_space<vmem>>, vector<16xi32>,
      %gather3A = tpu.vector_load_idx %arg7[%get3A_258] : memref<64xi32, #tpu.memory_space<vmem>>[vector<16xi32>], vector<16xi32>,
      %add3A_259 = arith.addi %gather3A, %add3A_251 : vector<16xi32>
      %add3A_260 = arith.constant 0 : i32
      %add3A_261 = arith.addi %shift_left3A_253, %add3A_260 : i32
      %swap3A_262 = arith.index_cast %add3A_261 : i32 to index
      %swap3A_263 = tpu.vector_load %arg9[%swap3A_262] {strides = array<i32>} : memref<4096xi32, #tpu.memory_space<vmem>>, vector<16xi32>,
      tpu.vector_store %arg9[%swap3A_262], %add3A_259 {strides = array<i32>} : memref<4096xi32, #tpu.memory_space<vmem>>, vector<16xi32>,
      tpu.vector_store_idx %arg12[%get3A_258], %broadcast_in_dim3A_3 {add = true} : memref<64xf32, #tpu.memory_space<vmem>>[vector<16xi32>], vector<16xf32>,
      %add3A_264 = arith.constant 16 : i32
      %add3A_265 = vector.broadcast %add3A_264 : i32 to vector<16xi32>
      %add3A_266 = arith.addi %add3A_251, %add3A_265 : vector<16xi32>
      %add3A_267 = arith.constant 12288 : i32
      %add3A_268 = arith.addi %add3A_267, %shift_left3A_253 : i32
      %add3A_269 = arith.constant 16 : i32
      %add3A_270 = arith.addi %add3A_268, %add3A_269 : i32
      %get3A_271 = arith.index_cast %add3A_270 : i32 to index
      %get3A_272 = tpu.vector_load %arg6[%get3A_271] {strides = array<i32>} : memref<32768xi32, #tpu.memory_space<vmem>>, vector<16xi32>,
      %gather3A_273 = tpu.vector_load_idx %arg7[%get3A_272] : memref<64xi32, #tpu.memory_space<vmem>>[vector<16xi32>], vector<16xi32>,
      %add3A_274 = arith.addi %gather3A_273, %add3A_266 : vector<16xi32>
      %add3A_275 = arith.constant 16 : i32
      %add3A_276 = arith.addi %shift_left3A_253, %add3A_275 : i32
      %swap3A_277 = arith.index_cast %add3A_276 : i32 to index
      %swap3A_278 = tpu.vector_load %arg9[%swap3A_277] {strides = array<i32>} : memref<4096xi32, #tpu.memory_space<vmem>>, vector<16xi32>,
      tpu.vector_store %arg9[%swap3A_277], %add3A_274 {strides = array<i32>} : memref<4096xi32, #tpu.memory_space<vmem>>, vector<16xi32>,
      tpu.vector_store_idx %arg12[%get3A_272], %broadcast_in_dim3A_3 {add = true} : memref<64xf32, #tpu.memory_space<vmem>>[vector<16xi32>], vector<16xf32>,
      %add3A_279 = arith.constant 16 : i32
      %add3A_280 = vector.broadcast %add3A_279 : i32 to vector<16xi32>
      %add3A_281 = arith.addi %add3A_266, %add3A_280 : vector<16xi32>
      %add3A_282 = arith.constant 12288 : i32
      %add3A_283 = arith.addi %add3A_282, %shift_left3A_253 : i32
      %add3A_284 = arith.constant 32 : i32
      %add3A_285 = arith.addi %add3A_283, %add3A_284 : i32
      %get3A_286 = arith.index_cast %add3A_285 : i32 to index
      %get3A_287 = tpu.vector_load %arg6[%get3A_286] {strides = array<i32>} : memref<32768xi32, #tpu.memory_space<vmem>>, vector<16xi32>,
      %gather3A_288 = tpu.vector_load_idx %arg7[%get3A_287] : memref<64xi32, #tpu.memory_space<vmem>>[vector<16xi32>], vector<16xi32>,
      %add3A_289 = arith.addi %gather3A_288, %add3A_281 : vector<16xi32>
      %add3A_290 = arith.constant 32 : i32
      %add3A_291 = arith.addi %shift_left3A_253, %add3A_290 : i32
      %swap3A_292 = arith.index_cast %add3A_291 : i32 to index
      %swap3A_293 = tpu.vector_load %arg9[%swap3A_292] {strides = array<i32>} : memref<4096xi32, #tpu.memory_space<vmem>>, vector<16xi32>,
      tpu.vector_store %arg9[%swap3A_292], %add3A_289 {strides = array<i32>} : memref<4096xi32, #tpu.memory_space<vmem>>, vector<16xi32>,
      tpu.vector_store_idx %arg12[%get3A_287], %broadcast_in_dim3A_3 {add = true} : memref<64xf32, #tpu.memory_space<vmem>>[vector<16xi32>], vector<16xf32>,
      %add3A_294 = arith.constant 16 : i32
      %add3A_295 = vector.broadcast %add3A_294 : i32 to vector<16xi32>
      %add3A_296 = arith.addi %add3A_281, %add3A_295 : vector<16xi32>
      %add3A_297 = arith.constant 12288 : i32
      %add3A_298 = arith.addi %add3A_297, %shift_left3A_253 : i32
      %add3A_299 = arith.constant 48 : i32
      %add3A_300 = arith.addi %add3A_298, %add3A_299 : i32
      %get3A_301 = arith.index_cast %add3A_300 : i32 to index
      %get3A_302 = tpu.vector_load %arg6[%get3A_301] {strides = array<i32>} : memref<32768xi32, #tpu.memory_space<vmem>>, vector<16xi32>,
      %gather3A_303 = tpu.vector_load_idx %arg7[%get3A_302] : memref<64xi32, #tpu.memory_space<vmem>>[vector<16xi32>], vector<16xi32>,
      %add3A_304 = arith.addi %gather3A_303, %add3A_296 : vector<16xi32>
      %add3A_305 = arith.constant 48 : i32
      %add3A_306 = arith.addi %shift_left3A_253, %add3A_305 : i32
      %swap3A_307 = arith.index_cast %add3A_306 : i32 to index
      %swap3A_308 = tpu.vector_load %arg9[%swap3A_307] {strides = array<i32>} : memref<4096xi32, #tpu.memory_space<vmem>>, vector<16xi32>,
      tpu.vector_store %arg9[%swap3A_307], %add3A_304 {strides = array<i32>} : memref<4096xi32, #tpu.memory_space<vmem>>, vector<16xi32>,
      tpu.vector_store_idx %arg12[%get3A_302], %broadcast_in_dim3A_3 {add = true} : memref<64xf32, #tpu.memory_space<vmem>>[vector<16xi32>], vector<16xf32>,
      %add3A_309 = arith.constant 16 : i32
      %add3A_310 = vector.broadcast %add3A_309 : i32 to vector<16xi32>
      %add3A_311 = arith.addi %add3A_296, %add3A_310 : vector<16xi32>
      %add3A_312 = arith.constant 12288 : i32
      %add3A_313 = arith.addi %add3A_312, %shift_left3A_253 : i32
      %add3A_314 = arith.constant 64 : i32
      %add3A_315 = arith.addi %add3A_313, %add3A_314 : i32
      %get3A_316 = arith.index_cast %add3A_315 : i32 to index
      %get3A_317 = tpu.vector_load %arg6[%get3A_316] {strides = array<i32>} : memref<32768xi32, #tpu.memory_space<vmem>>, vector<16xi32>,
      %gather3A_318 = tpu.vector_load_idx %arg7[%get3A_317] : memref<64xi32, #tpu.memory_space<vmem>>[vector<16xi32>], vector<16xi32>,
      %add3A_319 = arith.addi %gather3A_318, %add3A_311 : vector<16xi32>
      %add3A_320 = arith.constant 64 : i32
      %add3A_321 = arith.addi %shift_left3A_253, %add3A_320 : i32
      %swap3A_322 = arith.index_cast %add3A_321 : i32 to index
      %swap3A_323 = tpu.vector_load %arg9[%swap3A_322] {strides = array<i32>} : memref<4096xi32, #tpu.memory_space<vmem>>, vector<16xi32>,
      tpu.vector_store %arg9[%swap3A_322], %add3A_319 {strides = array<i32>} : memref<4096xi32, #tpu.memory_space<vmem>>, vector<16xi32>,
      tpu.vector_store_idx %arg12[%get3A_317], %broadcast_in_dim3A_3 {add = true} : memref<64xf32, #tpu.memory_space<vmem>>[vector<16xi32>], vector<16xf32>,
      %add3A_324 = arith.constant 16 : i32
      %add3A_325 = vector.broadcast %add3A_324 : i32 to vector<16xi32>
      %add3A_326 = arith.addi %add3A_311, %add3A_325 : vector<16xi32>
      %add3A_327 = arith.constant 12288 : i32
      %add3A_328 = arith.addi %add3A_327, %shift_left3A_253 : i32
      %add3A_329 = arith.constant 80 : i32
      %add3A_330 = arith.addi %add3A_328, %add3A_329 : i32
      %get3A_331 = arith.index_cast %add3A_330 : i32 to index
      %get3A_332 = tpu.vector_load %arg6[%get3A_331] {strides = array<i32>} : memref<32768xi32, #tpu.memory_space<vmem>>, vector<16xi32>,
      %gather3A_333 = tpu.vector_load_idx %arg7[%get3A_332] : memref<64xi32, #tpu.memory_space<vmem>>[vector<16xi32>], vector<16xi32>,
      %add3A_334 = arith.addi %gather3A_333, %add3A_326 : vector<16xi32>
      %add3A_335 = arith.constant 80 : i32
      %add3A_336 = arith.addi %shift_left3A_253, %add3A_335 : i32
      %swap3A_337 = arith.index_cast %add3A_336 : i32 to index
      %swap3A_338 = tpu.vector_load %arg9[%swap3A_337] {strides = array<i32>} : memref<4096xi32, #tpu.memory_space<vmem>>, vector<16xi32>,
      tpu.vector_store %arg9[%swap3A_337], %add3A_334 {strides = array<i32>} : memref<4096xi32, #tpu.memory_space<vmem>>, vector<16xi32>,
      tpu.vector_store_idx %arg12[%get3A_332], %broadcast_in_dim3A_3 {add = true} : memref<64xf32, #tpu.memory_space<vmem>>[vector<16xi32>], vector<16xf32>,
      %add3A_339 = arith.constant 16 : i32
      %add3A_340 = vector.broadcast %add3A_339 : i32 to vector<16xi32>
      %add3A_341 = arith.addi %add3A_326, %add3A_340 : vector<16xi32>
      %add3A_342 = arith.constant 12288 : i32
      %add3A_343 = arith.addi %add3A_342, %shift_left3A_253 : i32
      %add3A_344 = arith.constant 96 : i32
      %add3A_345 = arith.addi %add3A_343, %add3A_344 : i32
      %get3A_346 = arith.index_cast %add3A_345 : i32 to index
      %get3A_347 = tpu.vector_load %arg6[%get3A_346] {strides = array<i32>} : memref<32768xi32, #tpu.memory_space<vmem>>, vector<16xi32>,
      %gather3A_348 = tpu.vector_load_idx %arg7[%get3A_347] : memref<64xi32, #tpu.memory_space<vmem>>[vector<16xi32>], vector<16xi32>,
      %add3A_349 = arith.addi %gather3A_348, %add3A_341 : vector<16xi32>
      %add3A_350 = arith.constant 96 : i32
      %add3A_351 = arith.addi %shift_left3A_253, %add3A_350 : i32
      %swap3A_352 = arith.index_cast %add3A_351 : i32 to index
      %swap3A_353 = tpu.vector_load %arg9[%swap3A_352] {strides = array<i32>} : memref<4096xi32, #tpu.memory_space<vmem>>, vector<16xi32>,
      tpu.vector_store %arg9[%swap3A_352], %add3A_349 {strides = array<i32>} : memref<4096xi32, #tpu.memory_space<vmem>>, vector<16xi32>,
      tpu.vector_store_idx %arg12[%get3A_347], %broadcast_in_dim3A_3 {add = true} : memref<64xf32, #tpu.memory_space<vmem>>[vector<16xi32>], vector<16xf32>,
      %add3A_354 = arith.constant 16 : i32
      %add3A_355 = vector.broadcast %add3A_354 : i32 to vector<16xi32>
      %add3A_356 = arith.addi %add3A_341, %add3A_355 : vector<16xi32>
      %add3A_357 = arith.constant 12288 : i32
      %add3A_358 = arith.addi %add3A_357, %shift_left3A_253 : i32
      %add3A_359 = arith.constant 112 : i32
      %add3A_360 = arith.addi %add3A_358, %add3A_359 : i32
      %get3A_361 = arith.index_cast %add3A_360 : i32 to index
      %get3A_362 = tpu.vector_load %arg6[%get3A_361] {strides = array<i32>} : memref<32768xi32, #tpu.memory_space<vmem>>, vector<16xi32>,
      %gather3A_363 = tpu.vector_load_idx %arg7[%get3A_362] : memref<64xi32, #tpu.memory_space<vmem>>[vector<16xi32>], vector<16xi32>,
      %add3A_364 = arith.addi %gather3A_363, %add3A_356 : vector<16xi32>
      %add3A_365 = arith.constant 112 : i32
      %add3A_366 = arith.addi %shift_left3A_253, %add3A_365 : i32
      %swap3A_367 = arith.index_cast %add3A_366 : i32 to index
      %swap3A_368 = tpu.vector_load %arg9[%swap3A_367] {strides = array<i32>} : memref<4096xi32, #tpu.memory_space<vmem>>, vector<16xi32>,
      tpu.vector_store %arg9[%swap3A_367], %add3A_364 {strides = array<i32>} : memref<4096xi32, #tpu.memory_space<vmem>>, vector<16xi32>,
      tpu.vector_store_idx %arg12[%get3A_362], %broadcast_in_dim3A_3 {add = true} : memref<64xf32, #tpu.memory_space<vmem>>[vector<16xi32>], vector<16xf32>,
      %add3A_369 = arith.constant 16 : i32
      %add3A_370 = vector.broadcast %add3A_369 : i32 to vector<16xi32>
      %add3A_371 = arith.addi %add3A_356, %add3A_370 : vector<16xi32>
    }
    %scan3A_144 = arith.constant 32 : i32
    %dma_start3A_145 = arith.constant 0 : i32
    %dma_start3A_146 = tpu.memref_slice %arg2[%dma_start3A_145] : memref<67108864xf32, #tpu.memory_space<hbm>> -> memref<67108864xf32, #tpu.memory_space<hbm>>
    tpu.enqueue_indirect_dma source(%dma_start3A_146 : memref<67108864xf32, #tpu.memory_space<hbm>>) target(%arg11 : memref<4096xf32, #tpu.memory_space<vmem>>) offsets(%arg9 : memref<4096xi32, #tpu.memory_space<vmem>>) semaphore(%arg15 : memref<!tpu.dma_semaphore, #tpu.memory_space<semaphore_mem>>)
    %dma_wait3A_147 = arith.constant 0 : i32
    %dma_wait3A_148 = tpu.memref_slice %arg2[%dma_wait3A_147] : memref<67108864xf32, #tpu.memory_space<hbm>> -> memref<67108864xf32, #tpu.memory_space<hbm>>
    tpu.wait_indirect_dma semaphore(%arg14 : memref<!tpu.dma_semaphore, #tpu.memory_space<semaphore_mem>>) src(%dma_wait3A_148 : memref<67108864xf32, #tpu.memory_space<hbm>>) dst(%arg10 : memref<4096xf32, #tpu.memory_space<vmem>>)
    %scan3A_149 = arith.constant 0 : i32
    %scan3A_150 = arith.constant 32 : i32
    %scan3A_151 = arith.addi %scan3A_149, %scan3A_150 : i32
    %scan3A_152 = arith.constant 1 : i32
    %scan3A_153:2 = scf.for %scan3A_246 = %scan3A_149 to %scan3A_151 step %scan3A_152 iter_args(%scan3A_247 = %scan3A_133#0, %scan3A_248 = %scan3A_133#1) -> (vector<16xf32>, vector<16xf32>)  : i32 {
      %shift_left3A_249 = arith.constant 7 : i32
      %shift_left3A_250 = arith.shli %scan3A_246, %shift_left3A_249 : i32
      %add3A_251 = arith.constant 0 : i32
      %add3A_252 = arith.addi %shift_left3A_250, %add3A_251 : i32
      %get3A = arith.index_cast %add3A_252 : i32 to index
      %get3A_253 = tpu.vector_load %arg10[%get3A] {strides = array<i32>} : memref<4096xf32, #tpu.memory_space<vmem>>, vector<16xf32>,
      %add3A_254 = arith.addf %scan3A_247, %get3A_253 : vector<16xf32>
      %add3A_255 = arith.constant 16 : i32
      %add3A_256 = arith.addi %shift_left3A_250, %add3A_255 : i32
      %get3A_257 = arith.index_cast %add3A_256 : i32 to index
      %get3A_258 = tpu.vector_load %arg10[%get3A_257] {strides = array<i32>} : memref<4096xf32, #tpu.memory_space<vmem>>, vector<16xf32>,
      %add3A_259 = arith.addf %scan3A_248, %get3A_258 : vector<16xf32>
      %add3A_260 = arith.constant 32 : i32
      %add3A_261 = arith.addi %shift_left3A_250, %add3A_260 : i32
      %get3A_262 = arith.index_cast %add3A_261 : i32 to index
      %get3A_263 = tpu.vector_load %arg10[%get3A_262] {strides = array<i32>} : memref<4096xf32, #tpu.memory_space<vmem>>, vector<16xf32>,
      %add3A_264 = arith.addf %add3A_254, %get3A_263 : vector<16xf32>
      %add3A_265 = arith.constant 48 : i32
      %add3A_266 = arith.addi %shift_left3A_250, %add3A_265 : i32
      %get3A_267 = arith.index_cast %add3A_266 : i32 to index
      %get3A_268 = tpu.vector_load %arg10[%get3A_267] {strides = array<i32>} : memref<4096xf32, #tpu.memory_space<vmem>>, vector<16xf32>,
      %add3A_269 = arith.addf %add3A_259, %get3A_268 : vector<16xf32>
      %add3A_270 = arith.constant 64 : i32
      %add3A_271 = arith.addi %shift_left3A_250, %add3A_270 : i32
      %get3A_272 = arith.index_cast %add3A_271 : i32 to index
      %get3A_273 = tpu.vector_load %arg10[%get3A_272] {strides = array<i32>} : memref<4096xf32, #tpu.memory_space<vmem>>, vector<16xf32>,
      %add3A_274 = arith.addf %add3A_264, %get3A_273 : vector<16xf32>
      %add3A_275 = arith.constant 80 : i32
      %add3A_276 = arith.addi %shift_left3A_250, %add3A_275 : i32
      %get3A_277 = arith.index_cast %add3A_276 : i32 to index
      %get3A_278 = tpu.vector_load %arg10[%get3A_277] {strides = array<i32>} : memref<4096xf32, #tpu.memory_space<vmem>>, vector<16xf32>,
      %add3A_279 = arith.addf %add3A_269, %get3A_278 : vector<16xf32>
      %add3A_280 = arith.constant 96 : i32
      %add3A_281 = arith.addi %shift_left3A_250, %add3A_280 : i32
      %get3A_282 = arith.index_cast %add3A_281 : i32 to index
      %get3A_283 = tpu.vector_load %arg10[%get3A_282] {strides = array<i32>} : memref<4096xf32, #tpu.memory_space<vmem>>, vector<16xf32>,
      %add3A_284 = arith.addf %add3A_274, %get3A_283 : vector<16xf32>
      %add3A_285 = arith.constant 112 : i32
      %add3A_286 = arith.addi %shift_left3A_250, %add3A_285 : i32
      %get3A_287 = arith.index_cast %add3A_286 : i32 to index
      %get3A_288 = tpu.vector_load %arg10[%get3A_287] {strides = array<i32>} : memref<4096xf32, #tpu.memory_space<vmem>>, vector<16xf32>,
      %add3A_289 = arith.addf %add3A_279, %get3A_288 : vector<16xf32>
      scf.yield %add3A_284, %add3A_289 : vector<16xf32>, vector<16xf32>
    }
    %scan3A_154 = arith.constant 32 : i32
    %add3A_155 = arith.constant 16384 : i32
    %add3A_156 = arith.addi %mul3A_2, %add3A_155 : i32
    %shift_right_arithmetic3A_157 = arith.constant 7 : i32
    %shift_right_arithmetic3A_158 = arith.shrsi %add3A_156, %shift_right_arithmetic3A_157 : i32
    %scan3A_159 = arith.constant 0 : i32
    %scan3A_160 = arith.constant 0 : i32
    %scan3A_161 = arith.constant 32 : i32
    %scan3A_162 = arith.addi %scan3A_160, %scan3A_161 : i32
    %scan3A_163 = arith.constant 1 : i32
    scf.for %scan3A_246 = %scan3A_160 to %scan3A_162 step %scan3A_163  : i32 {
      %add3A_247 = arith.addi %shift_right_arithmetic3A_158, %scan3A_246 : i32
      %shift_left3A_248 = arith.constant 10 : i32
      %shift_left3A_249 = arith.shli %add3A_247, %shift_left3A_248 : i32
      %add3A_250 = vector.broadcast %shift_left3A_249 : i32 to vector<16xi32>
      %add3A_251 = arith.addi %add3A_250, %iota3A : vector<16xi32>
      %shift_left3A_252 = arith.constant 7 : i32
      %shift_left3A_253 = arith.shli %scan3A_246, %shift_left3A_252 : i32
      %add3A_254 = arith.constant 16384 : i32
      %add3A_255 = arith.addi %add3A_254, %shift_left3A_253 : i32
      %add3A_256 = arith.constant 0 : i32
      %add3A_257 = arith.addi %add3A_255, %add3A_256 : i32
      %get3A = arith.index_cast %add3A_257 : i32 to index
      %get3A_258 = tpu.vector_load %arg6[%get3A] {strides = array<i32>} : memref<32768xi32, #tpu.memory_space<vmem>>, vector<16xi32>,
      %gather3A = tpu.vector_load_idx %arg7[%get3A_258] : memref<64xi32, #tpu.memory_space<vmem>>[vector<16xi32>], vector<16xi32>,
      %add3A_259 = arith.addi %gather3A, %add3A_251 : vector<16xi32>
      %add3A_260 = arith.constant 0 : i32
      %add3A_261 = arith.addi %shift_left3A_253, %add3A_260 : i32
      %swap3A_262 = arith.index_cast %add3A_261 : i32 to index
      %swap3A_263 = tpu.vector_load %arg8[%swap3A_262] {strides = array<i32>} : memref<4096xi32, #tpu.memory_space<vmem>>, vector<16xi32>,
      tpu.vector_store %arg8[%swap3A_262], %add3A_259 {strides = array<i32>} : memref<4096xi32, #tpu.memory_space<vmem>>, vector<16xi32>,
      tpu.vector_store_idx %arg12[%get3A_258], %broadcast_in_dim3A_3 {add = true} : memref<64xf32, #tpu.memory_space<vmem>>[vector<16xi32>], vector<16xf32>,
      %add3A_264 = arith.constant 16 : i32
      %add3A_265 = vector.broadcast %add3A_264 : i32 to vector<16xi32>
      %add3A_266 = arith.addi %add3A_251, %add3A_265 : vector<16xi32>
      %add3A_267 = arith.constant 16384 : i32
      %add3A_268 = arith.addi %add3A_267, %shift_left3A_253 : i32
      %add3A_269 = arith.constant 16 : i32
      %add3A_270 = arith.addi %add3A_268, %add3A_269 : i32
      %get3A_271 = arith.index_cast %add3A_270 : i32 to index
      %get3A_272 = tpu.vector_load %arg6[%get3A_271] {strides = array<i32>} : memref<32768xi32, #tpu.memory_space<vmem>>, vector<16xi32>,
      %gather3A_273 = tpu.vector_load_idx %arg7[%get3A_272] : memref<64xi32, #tpu.memory_space<vmem>>[vector<16xi32>], vector<16xi32>,
      %add3A_274 = arith.addi %gather3A_273, %add3A_266 : vector<16xi32>
      %add3A_275 = arith.constant 16 : i32
      %add3A_276 = arith.addi %shift_left3A_253, %add3A_275 : i32
      %swap3A_277 = arith.index_cast %add3A_276 : i32 to index
      %swap3A_278 = tpu.vector_load %arg8[%swap3A_277] {strides = array<i32>} : memref<4096xi32, #tpu.memory_space<vmem>>, vector<16xi32>,
      tpu.vector_store %arg8[%swap3A_277], %add3A_274 {strides = array<i32>} : memref<4096xi32, #tpu.memory_space<vmem>>, vector<16xi32>,
      tpu.vector_store_idx %arg12[%get3A_272], %broadcast_in_dim3A_3 {add = true} : memref<64xf32, #tpu.memory_space<vmem>>[vector<16xi32>], vector<16xf32>,
      %add3A_279 = arith.constant 16 : i32
      %add3A_280 = vector.broadcast %add3A_279 : i32 to vector<16xi32>
      %add3A_281 = arith.addi %add3A_266, %add3A_280 : vector<16xi32>
      %add3A_282 = arith.constant 16384 : i32
      %add3A_283 = arith.addi %add3A_282, %shift_left3A_253 : i32
      %add3A_284 = arith.constant 32 : i32
      %add3A_285 = arith.addi %add3A_283, %add3A_284 : i32
      %get3A_286 = arith.index_cast %add3A_285 : i32 to index
      %get3A_287 = tpu.vector_load %arg6[%get3A_286] {strides = array<i32>} : memref<32768xi32, #tpu.memory_space<vmem>>, vector<16xi32>,
      %gather3A_288 = tpu.vector_load_idx %arg7[%get3A_287] : memref<64xi32, #tpu.memory_space<vmem>>[vector<16xi32>], vector<16xi32>,
      %add3A_289 = arith.addi %gather3A_288, %add3A_281 : vector<16xi32>
      %add3A_290 = arith.constant 32 : i32
      %add3A_291 = arith.addi %shift_left3A_253, %add3A_290 : i32
      %swap3A_292 = arith.index_cast %add3A_291 : i32 to index
      %swap3A_293 = tpu.vector_load %arg8[%swap3A_292] {strides = array<i32>} : memref<4096xi32, #tpu.memory_space<vmem>>, vector<16xi32>,
      tpu.vector_store %arg8[%swap3A_292], %add3A_289 {strides = array<i32>} : memref<4096xi32, #tpu.memory_space<vmem>>, vector<16xi32>,
      tpu.vector_store_idx %arg12[%get3A_287], %broadcast_in_dim3A_3 {add = true} : memref<64xf32, #tpu.memory_space<vmem>>[vector<16xi32>], vector<16xf32>,
      %add3A_294 = arith.constant 16 : i32
      %add3A_295 = vector.broadcast %add3A_294 : i32 to vector<16xi32>
      %add3A_296 = arith.addi %add3A_281, %add3A_295 : vector<16xi32>
      %add3A_297 = arith.constant 16384 : i32
      %add3A_298 = arith.addi %add3A_297, %shift_left3A_253 : i32
      %add3A_299 = arith.constant 48 : i32
      %add3A_300 = arith.addi %add3A_298, %add3A_299 : i32
      %get3A_301 = arith.index_cast %add3A_300 : i32 to index
      %get3A_302 = tpu.vector_load %arg6[%get3A_301] {strides = array<i32>} : memref<32768xi32, #tpu.memory_space<vmem>>, vector<16xi32>,
      %gather3A_303 = tpu.vector_load_idx %arg7[%get3A_302] : memref<64xi32, #tpu.memory_space<vmem>>[vector<16xi32>], vector<16xi32>,
      %add3A_304 = arith.addi %gather3A_303, %add3A_296 : vector<16xi32>
      %add3A_305 = arith.constant 48 : i32
      %add3A_306 = arith.addi %shift_left3A_253, %add3A_305 : i32
      %swap3A_307 = arith.index_cast %add3A_306 : i32 to index
      %swap3A_308 = tpu.vector_load %arg8[%swap3A_307] {strides = array<i32>} : memref<4096xi32, #tpu.memory_space<vmem>>, vector<16xi32>,
      tpu.vector_store %arg8[%swap3A_307], %add3A_304 {strides = array<i32>} : memref<4096xi32, #tpu.memory_space<vmem>>, vector<16xi32>,
      tpu.vector_store_idx %arg12[%get3A_302], %broadcast_in_dim3A_3 {add = true} : memref<64xf32, #tpu.memory_space<vmem>>[vector<16xi32>], vector<16xf32>,
      %add3A_309 = arith.constant 16 : i32
      %add3A_310 = vector.broadcast %add3A_309 : i32 to vector<16xi32>
      %add3A_311 = arith.addi %add3A_296, %add3A_310 : vector<16xi32>
      %add3A_312 = arith.constant 16384 : i32
      %add3A_313 = arith.addi %add3A_312, %shift_left3A_253 : i32
      %add3A_314 = arith.constant 64 : i32
      %add3A_315 = arith.addi %add3A_313, %add3A_314 : i32
      %get3A_316 = arith.index_cast %add3A_315 : i32 to index
      %get3A_317 = tpu.vector_load %arg6[%get3A_316] {strides = array<i32>} : memref<32768xi32, #tpu.memory_space<vmem>>, vector<16xi32>,
      %gather3A_318 = tpu.vector_load_idx %arg7[%get3A_317] : memref<64xi32, #tpu.memory_space<vmem>>[vector<16xi32>], vector<16xi32>,
      %add3A_319 = arith.addi %gather3A_318, %add3A_311 : vector<16xi32>
      %add3A_320 = arith.constant 64 : i32
      %add3A_321 = arith.addi %shift_left3A_253, %add3A_320 : i32
      %swap3A_322 = arith.index_cast %add3A_321 : i32 to index
      %swap3A_323 = tpu.vector_load %arg8[%swap3A_322] {strides = array<i32>} : memref<4096xi32, #tpu.memory_space<vmem>>, vector<16xi32>,
      tpu.vector_store %arg8[%swap3A_322], %add3A_319 {strides = array<i32>} : memref<4096xi32, #tpu.memory_space<vmem>>, vector<16xi32>,
      tpu.vector_store_idx %arg12[%get3A_317], %broadcast_in_dim3A_3 {add = true} : memref<64xf32, #tpu.memory_space<vmem>>[vector<16xi32>], vector<16xf32>,
      %add3A_324 = arith.constant 16 : i32
      %add3A_325 = vector.broadcast %add3A_324 : i32 to vector<16xi32>
      %add3A_326 = arith.addi %add3A_311, %add3A_325 : vector<16xi32>
      %add3A_327 = arith.constant 16384 : i32
      %add3A_328 = arith.addi %add3A_327, %shift_left3A_253 : i32
      %add3A_329 = arith.constant 80 : i32
      %add3A_330 = arith.addi %add3A_328, %add3A_329 : i32
      %get3A_331 = arith.index_cast %add3A_330 : i32 to index
      %get3A_332 = tpu.vector_load %arg6[%get3A_331] {strides = array<i32>} : memref<32768xi32, #tpu.memory_space<vmem>>, vector<16xi32>,
      %gather3A_333 = tpu.vector_load_idx %arg7[%get3A_332] : memref<64xi32, #tpu.memory_space<vmem>>[vector<16xi32>], vector<16xi32>,
      %add3A_334 = arith.addi %gather3A_333, %add3A_326 : vector<16xi32>
      %add3A_335 = arith.constant 80 : i32
      %add3A_336 = arith.addi %shift_left3A_253, %add3A_335 : i32
      %swap3A_337 = arith.index_cast %add3A_336 : i32 to index
      %swap3A_338 = tpu.vector_load %arg8[%swap3A_337] {strides = array<i32>} : memref<4096xi32, #tpu.memory_space<vmem>>, vector<16xi32>,
      tpu.vector_store %arg8[%swap3A_337], %add3A_334 {strides = array<i32>} : memref<4096xi32, #tpu.memory_space<vmem>>, vector<16xi32>,
      tpu.vector_store_idx %arg12[%get3A_332], %broadcast_in_dim3A_3 {add = true} : memref<64xf32, #tpu.memory_space<vmem>>[vector<16xi32>], vector<16xf32>,
      %add3A_339 = arith.constant 16 : i32
      %add3A_340 = vector.broadcast %add3A_339 : i32 to vector<16xi32>
      %add3A_341 = arith.addi %add3A_326, %add3A_340 : vector<16xi32>
      %add3A_342 = arith.constant 16384 : i32
      %add3A_343 = arith.addi %add3A_342, %shift_left3A_253 : i32
      %add3A_344 = arith.constant 96 : i32
      %add3A_345 = arith.addi %add3A_343, %add3A_344 : i32
      %get3A_346 = arith.index_cast %add3A_345 : i32 to index
      %get3A_347 = tpu.vector_load %arg6[%get3A_346] {strides = array<i32>} : memref<32768xi32, #tpu.memory_space<vmem>>, vector<16xi32>,
      %gather3A_348 = tpu.vector_load_idx %arg7[%get3A_347] : memref<64xi32, #tpu.memory_space<vmem>>[vector<16xi32>], vector<16xi32>,
      %add3A_349 = arith.addi %gather3A_348, %add3A_341 : vector<16xi32>
      %add3A_350 = arith.constant 96 : i32
      %add3A_351 = arith.addi %shift_left3A_253, %add3A_350 : i32
      %swap3A_352 = arith.index_cast %add3A_351 : i32 to index
      %swap3A_353 = tpu.vector_load %arg8[%swap3A_352] {strides = array<i32>} : memref<4096xi32, #tpu.memory_space<vmem>>, vector<16xi32>,
      tpu.vector_store %arg8[%swap3A_352], %add3A_349 {strides = array<i32>} : memref<4096xi32, #tpu.memory_space<vmem>>, vector<16xi32>,
      tpu.vector_store_idx %arg12[%get3A_347], %broadcast_in_dim3A_3 {add = true} : memref<64xf32, #tpu.memory_space<vmem>>[vector<16xi32>], vector<16xf32>,
      %add3A_354 = arith.constant 16 : i32
      %add3A_355 = vector.broadcast %add3A_354 : i32 to vector<16xi32>
      %add3A_356 = arith.addi %add3A_341, %add3A_355 : vector<16xi32>
      %add3A_357 = arith.constant 16384 : i32
      %add3A_358 = arith.addi %add3A_357, %shift_left3A_253 : i32
      %add3A_359 = arith.constant 112 : i32
      %add3A_360 = arith.addi %add3A_358, %add3A_359 : i32
      %get3A_361 = arith.index_cast %add3A_360 : i32 to index
      %get3A_362 = tpu.vector_load %arg6[%get3A_361] {strides = array<i32>} : memref<32768xi32, #tpu.memory_space<vmem>>, vector<16xi32>,
      %gather3A_363 = tpu.vector_load_idx %arg7[%get3A_362] : memref<64xi32, #tpu.memory_space<vmem>>[vector<16xi32>], vector<16xi32>,
      %add3A_364 = arith.addi %gather3A_363, %add3A_356 : vector<16xi32>
      %add3A_365 = arith.constant 112 : i32
      %add3A_366 = arith.addi %shift_left3A_253, %add3A_365 : i32
      %swap3A_367 = arith.index_cast %add3A_366 : i32 to index
      %swap3A_368 = tpu.vector_load %arg8[%swap3A_367] {strides = array<i32>} : memref<4096xi32, #tpu.memory_space<vmem>>, vector<16xi32>,
      tpu.vector_store %arg8[%swap3A_367], %add3A_364 {strides = array<i32>} : memref<4096xi32, #tpu.memory_space<vmem>>, vector<16xi32>,
      tpu.vector_store_idx %arg12[%get3A_362], %broadcast_in_dim3A_3 {add = true} : memref<64xf32, #tpu.memory_space<vmem>>[vector<16xi32>], vector<16xf32>,
      %add3A_369 = arith.constant 16 : i32
      %add3A_370 = vector.broadcast %add3A_369 : i32 to vector<16xi32>
      %add3A_371 = arith.addi %add3A_356, %add3A_370 : vector<16xi32>
    }
    %scan3A_164 = arith.constant 32 : i32
    %dma_start3A_165 = arith.constant 0 : i32
    %dma_start3A_166 = tpu.memref_slice %arg2[%dma_start3A_165] : memref<67108864xf32, #tpu.memory_space<hbm>> -> memref<67108864xf32, #tpu.memory_space<hbm>>
    tpu.enqueue_indirect_dma source(%dma_start3A_166 : memref<67108864xf32, #tpu.memory_space<hbm>>) target(%arg10 : memref<4096xf32, #tpu.memory_space<vmem>>) offsets(%arg8 : memref<4096xi32, #tpu.memory_space<vmem>>) semaphore(%arg14 : memref<!tpu.dma_semaphore, #tpu.memory_space<semaphore_mem>>)
    %dma_wait3A_167 = arith.constant 0 : i32
    %dma_wait3A_168 = tpu.memref_slice %arg2[%dma_wait3A_167] : memref<67108864xf32, #tpu.memory_space<hbm>> -> memref<67108864xf32, #tpu.memory_space<hbm>>
    tpu.wait_indirect_dma semaphore(%arg15 : memref<!tpu.dma_semaphore, #tpu.memory_space<semaphore_mem>>) src(%dma_wait3A_168 : memref<67108864xf32, #tpu.memory_space<hbm>>) dst(%arg11 : memref<4096xf32, #tpu.memory_space<vmem>>)
    %scan3A_169 = arith.constant 0 : i32
    %scan3A_170 = arith.constant 32 : i32
    %scan3A_171 = arith.addi %scan3A_169, %scan3A_170 : i32
    %scan3A_172 = arith.constant 1 : i32
    %scan3A_173:2 = scf.for %scan3A_246 = %scan3A_169 to %scan3A_171 step %scan3A_172 iter_args(%scan3A_247 = %scan3A_153#0, %scan3A_248 = %scan3A_153#1) -> (vector<16xf32>, vector<16xf32>)  : i32 {
      %shift_left3A_249 = arith.constant 7 : i32
      %shift_left3A_250 = arith.shli %scan3A_246, %shift_left3A_249 : i32
      %add3A_251 = arith.constant 0 : i32
      %add3A_252 = arith.addi %shift_left3A_250, %add3A_251 : i32
      %get3A = arith.index_cast %add3A_252 : i32 to index
      %get3A_253 = tpu.vector_load %arg11[%get3A] {strides = array<i32>} : memref<4096xf32, #tpu.memory_space<vmem>>, vector<16xf32>,
      %add3A_254 = arith.addf %scan3A_247, %get3A_253 : vector<16xf32>
      %add3A_255 = arith.constant 16 : i32
      %add3A_256 = arith.addi %shift_left3A_250, %add3A_255 : i32
      %get3A_257 = arith.index_cast %add3A_256 : i32 to index
      %get3A_258 = tpu.vector_load %arg11[%get3A_257] {strides = array<i32>} : memref<4096xf32, #tpu.memory_space<vmem>>, vector<16xf32>,
      %add3A_259 = arith.addf %scan3A_248, %get3A_258 : vector<16xf32>
      %add3A_260 = arith.constant 32 : i32
      %add3A_261 = arith.addi %shift_left3A_250, %add3A_260 : i32
      %get3A_262 = arith.index_cast %add3A_261 : i32 to index
      %get3A_263 = tpu.vector_load %arg11[%get3A_262] {strides = array<i32>} : memref<4096xf32, #tpu.memory_space<vmem>>, vector<16xf32>,
      %add3A_264 = arith.addf %add3A_254, %get3A_263 : vector<16xf32>
      %add3A_265 = arith.constant 48 : i32
      %add3A_266 = arith.addi %shift_left3A_250, %add3A_265 : i32
      %get3A_267 = arith.index_cast %add3A_266 : i32 to index
      %get3A_268 = tpu.vector_load %arg11[%get3A_267] {strides = array<i32>} : memref<4096xf32, #tpu.memory_space<vmem>>, vector<16xf32>,
      %add3A_269 = arith.addf %add3A_259, %get3A_268 : vector<16xf32>
      %add3A_270 = arith.constant 64 : i32
      %add3A_271 = arith.addi %shift_left3A_250, %add3A_270 : i32
      %get3A_272 = arith.index_cast %add3A_271 : i32 to index
      %get3A_273 = tpu.vector_load %arg11[%get3A_272] {strides = array<i32>} : memref<4096xf32, #tpu.memory_space<vmem>>, vector<16xf32>,
      %add3A_274 = arith.addf %add3A_264, %get3A_273 : vector<16xf32>
      %add3A_275 = arith.constant 80 : i32
      %add3A_276 = arith.addi %shift_left3A_250, %add3A_275 : i32
      %get3A_277 = arith.index_cast %add3A_276 : i32 to index
      %get3A_278 = tpu.vector_load %arg11[%get3A_277] {strides = array<i32>} : memref<4096xf32, #tpu.memory_space<vmem>>, vector<16xf32>,
      %add3A_279 = arith.addf %add3A_269, %get3A_278 : vector<16xf32>
      %add3A_280 = arith.constant 96 : i32
      %add3A_281 = arith.addi %shift_left3A_250, %add3A_280 : i32
      %get3A_282 = arith.index_cast %add3A_281 : i32 to index
      %get3A_283 = tpu.vector_load %arg11[%get3A_282] {strides = array<i32>} : memref<4096xf32, #tpu.memory_space<vmem>>, vector<16xf32>,
      %add3A_284 = arith.addf %add3A_274, %get3A_283 : vector<16xf32>
      %add3A_285 = arith.constant 112 : i32
      %add3A_286 = arith.addi %shift_left3A_250, %add3A_285 : i32
      %get3A_287 = arith.index_cast %add3A_286 : i32 to index
      %get3A_288 = tpu.vector_load %arg11[%get3A_287] {strides = array<i32>} : memref<4096xf32, #tpu.memory_space<vmem>>, vector<16xf32>,
      %add3A_289 = arith.addf %add3A_279, %get3A_288 : vector<16xf32>
      scf.yield %add3A_284, %add3A_289 : vector<16xf32>, vector<16xf32>
    }
    %scan3A_174 = arith.constant 32 : i32
    %add3A_175 = arith.constant 20480 : i32
    %add3A_176 = arith.addi %mul3A_2, %add3A_175 : i32
    %shift_right_arithmetic3A_177 = arith.constant 7 : i32
    %shift_right_arithmetic3A_178 = arith.shrsi %add3A_176, %shift_right_arithmetic3A_177 : i32
    %scan3A_179 = arith.constant 0 : i32
    %scan3A_180 = arith.constant 0 : i32
    %scan3A_181 = arith.constant 32 : i32
    %scan3A_182 = arith.addi %scan3A_180, %scan3A_181 : i32
    %scan3A_183 = arith.constant 1 : i32
    scf.for %scan3A_246 = %scan3A_180 to %scan3A_182 step %scan3A_183  : i32 {
      %add3A_247 = arith.addi %shift_right_arithmetic3A_178, %scan3A_246 : i32
      %shift_left3A_248 = arith.constant 10 : i32
      %shift_left3A_249 = arith.shli %add3A_247, %shift_left3A_248 : i32
      %add3A_250 = vector.broadcast %shift_left3A_249 : i32 to vector<16xi32>
      %add3A_251 = arith.addi %add3A_250, %iota3A : vector<16xi32>
      %shift_left3A_252 = arith.constant 7 : i32
      %shift_left3A_253 = arith.shli %scan3A_246, %shift_left3A_252 : i32
      %add3A_254 = arith.constant 20480 : i32
      %add3A_255 = arith.addi %add3A_254, %shift_left3A_253 : i32
      %add3A_256 = arith.constant 0 : i32
      %add3A_257 = arith.addi %add3A_255, %add3A_256 : i32
      %get3A = arith.index_cast %add3A_257 : i32 to index
      %get3A_258 = tpu.vector_load %arg6[%get3A] {strides = array<i32>} : memref<32768xi32, #tpu.memory_space<vmem>>, vector<16xi32>,
      %gather3A = tpu.vector_load_idx %arg7[%get3A_258] : memref<64xi32, #tpu.memory_space<vmem>>[vector<16xi32>], vector<16xi32>,
      %add3A_259 = arith.addi %gather3A, %add3A_251 : vector<16xi32>
      %add3A_260 = arith.constant 0 : i32
      %add3A_261 = arith.addi %shift_left3A_253, %add3A_260 : i32
      %swap3A_262 = arith.index_cast %add3A_261 : i32 to index
      %swap3A_263 = tpu.vector_load %arg9[%swap3A_262] {strides = array<i32>} : memref<4096xi32, #tpu.memory_space<vmem>>, vector<16xi32>,
      tpu.vector_store %arg9[%swap3A_262], %add3A_259 {strides = array<i32>} : memref<4096xi32, #tpu.memory_space<vmem>>, vector<16xi32>,
      tpu.vector_store_idx %arg12[%get3A_258], %broadcast_in_dim3A_3 {add = true} : memref<64xf32, #tpu.memory_space<vmem>>[vector<16xi32>], vector<16xf32>,
      %add3A_264 = arith.constant 16 : i32
      %add3A_265 = vector.broadcast %add3A_264 : i32 to vector<16xi32>
      %add3A_266 = arith.addi %add3A_251, %add3A_265 : vector<16xi32>
      %add3A_267 = arith.constant 20480 : i32
      %add3A_268 = arith.addi %add3A_267, %shift_left3A_253 : i32
      %add3A_269 = arith.constant 16 : i32
      %add3A_270 = arith.addi %add3A_268, %add3A_269 : i32
      %get3A_271 = arith.index_cast %add3A_270 : i32 to index
      %get3A_272 = tpu.vector_load %arg6[%get3A_271] {strides = array<i32>} : memref<32768xi32, #tpu.memory_space<vmem>>, vector<16xi32>,
      %gather3A_273 = tpu.vector_load_idx %arg7[%get3A_272] : memref<64xi32, #tpu.memory_space<vmem>>[vector<16xi32>], vector<16xi32>,
      %add3A_274 = arith.addi %gather3A_273, %add3A_266 : vector<16xi32>
      %add3A_275 = arith.constant 16 : i32
      %add3A_276 = arith.addi %shift_left3A_253, %add3A_275 : i32
      %swap3A_277 = arith.index_cast %add3A_276 : i32 to index
      %swap3A_278 = tpu.vector_load %arg9[%swap3A_277] {strides = array<i32>} : memref<4096xi32, #tpu.memory_space<vmem>>, vector<16xi32>,
      tpu.vector_store %arg9[%swap3A_277], %add3A_274 {strides = array<i32>} : memref<4096xi32, #tpu.memory_space<vmem>>, vector<16xi32>,
      tpu.vector_store_idx %arg12[%get3A_272], %broadcast_in_dim3A_3 {add = true} : memref<64xf32, #tpu.memory_space<vmem>>[vector<16xi32>], vector<16xf32>,
      %add3A_279 = arith.constant 16 : i32
      %add3A_280 = vector.broadcast %add3A_279 : i32 to vector<16xi32>
      %add3A_281 = arith.addi %add3A_266, %add3A_280 : vector<16xi32>
      %add3A_282 = arith.constant 20480 : i32
      %add3A_283 = arith.addi %add3A_282, %shift_left3A_253 : i32
      %add3A_284 = arith.constant 32 : i32
      %add3A_285 = arith.addi %add3A_283, %add3A_284 : i32
      %get3A_286 = arith.index_cast %add3A_285 : i32 to index
      %get3A_287 = tpu.vector_load %arg6[%get3A_286] {strides = array<i32>} : memref<32768xi32, #tpu.memory_space<vmem>>, vector<16xi32>,
      %gather3A_288 = tpu.vector_load_idx %arg7[%get3A_287] : memref<64xi32, #tpu.memory_space<vmem>>[vector<16xi32>], vector<16xi32>,
      %add3A_289 = arith.addi %gather3A_288, %add3A_281 : vector<16xi32>
      %add3A_290 = arith.constant 32 : i32
      %add3A_291 = arith.addi %shift_left3A_253, %add3A_290 : i32
      %swap3A_292 = arith.index_cast %add3A_291 : i32 to index
      %swap3A_293 = tpu.vector_load %arg9[%swap3A_292] {strides = array<i32>} : memref<4096xi32, #tpu.memory_space<vmem>>, vector<16xi32>,
      tpu.vector_store %arg9[%swap3A_292], %add3A_289 {strides = array<i32>} : memref<4096xi32, #tpu.memory_space<vmem>>, vector<16xi32>,
      tpu.vector_store_idx %arg12[%get3A_287], %broadcast_in_dim3A_3 {add = true} : memref<64xf32, #tpu.memory_space<vmem>>[vector<16xi32>], vector<16xf32>,
      %add3A_294 = arith.constant 16 : i32
      %add3A_295 = vector.broadcast %add3A_294 : i32 to vector<16xi32>
      %add3A_296 = arith.addi %add3A_281, %add3A_295 : vector<16xi32>
      %add3A_297 = arith.constant 20480 : i32
      %add3A_298 = arith.addi %add3A_297, %shift_left3A_253 : i32
      %add3A_299 = arith.constant 48 : i32
      %add3A_300 = arith.addi %add3A_298, %add3A_299 : i32
      %get3A_301 = arith.index_cast %add3A_300 : i32 to index
      %get3A_302 = tpu.vector_load %arg6[%get3A_301] {strides = array<i32>} : memref<32768xi32, #tpu.memory_space<vmem>>, vector<16xi32>,
      %gather3A_303 = tpu.vector_load_idx %arg7[%get3A_302] : memref<64xi32, #tpu.memory_space<vmem>>[vector<16xi32>], vector<16xi32>,
      %add3A_304 = arith.addi %gather3A_303, %add3A_296 : vector<16xi32>
      %add3A_305 = arith.constant 48 : i32
      %add3A_306 = arith.addi %shift_left3A_253, %add3A_305 : i32
      %swap3A_307 = arith.index_cast %add3A_306 : i32 to index
      %swap3A_308 = tpu.vector_load %arg9[%swap3A_307] {strides = array<i32>} : memref<4096xi32, #tpu.memory_space<vmem>>, vector<16xi32>,
      tpu.vector_store %arg9[%swap3A_307], %add3A_304 {strides = array<i32>} : memref<4096xi32, #tpu.memory_space<vmem>>, vector<16xi32>,
      tpu.vector_store_idx %arg12[%get3A_302], %broadcast_in_dim3A_3 {add = true} : memref<64xf32, #tpu.memory_space<vmem>>[vector<16xi32>], vector<16xf32>,
      %add3A_309 = arith.constant 16 : i32
      %add3A_310 = vector.broadcast %add3A_309 : i32 to vector<16xi32>
      %add3A_311 = arith.addi %add3A_296, %add3A_310 : vector<16xi32>
      %add3A_312 = arith.constant 20480 : i32
      %add3A_313 = arith.addi %add3A_312, %shift_left3A_253 : i32
      %add3A_314 = arith.constant 64 : i32
      %add3A_315 = arith.addi %add3A_313, %add3A_314 : i32
      %get3A_316 = arith.index_cast %add3A_315 : i32 to index
      %get3A_317 = tpu.vector_load %arg6[%get3A_316] {strides = array<i32>} : memref<32768xi32, #tpu.memory_space<vmem>>, vector<16xi32>,
      %gather3A_318 = tpu.vector_load_idx %arg7[%get3A_317] : memref<64xi32, #tpu.memory_space<vmem>>[vector<16xi32>], vector<16xi32>,
      %add3A_319 = arith.addi %gather3A_318, %add3A_311 : vector<16xi32>
      %add3A_320 = arith.constant 64 : i32
      %add3A_321 = arith.addi %shift_left3A_253, %add3A_320 : i32
      %swap3A_322 = arith.index_cast %add3A_321 : i32 to index
      %swap3A_323 = tpu.vector_load %arg9[%swap3A_322] {strides = array<i32>} : memref<4096xi32, #tpu.memory_space<vmem>>, vector<16xi32>,
      tpu.vector_store %arg9[%swap3A_322], %add3A_319 {strides = array<i32>} : memref<4096xi32, #tpu.memory_space<vmem>>, vector<16xi32>,
      tpu.vector_store_idx %arg12[%get3A_317], %broadcast_in_dim3A_3 {add = true} : memref<64xf32, #tpu.memory_space<vmem>>[vector<16xi32>], vector<16xf32>,
      %add3A_324 = arith.constant 16 : i32
      %add3A_325 = vector.broadcast %add3A_324 : i32 to vector<16xi32>
      %add3A_326 = arith.addi %add3A_311, %add3A_325 : vector<16xi32>
      %add3A_327 = arith.constant 20480 : i32
      %add3A_328 = arith.addi %add3A_327, %shift_left3A_253 : i32
      %add3A_329 = arith.constant 80 : i32
      %add3A_330 = arith.addi %add3A_328, %add3A_329 : i32
      %get3A_331 = arith.index_cast %add3A_330 : i32 to index
      %get3A_332 = tpu.vector_load %arg6[%get3A_331] {strides = array<i32>} : memref<32768xi32, #tpu.memory_space<vmem>>, vector<16xi32>,
      %gather3A_333 = tpu.vector_load_idx %arg7[%get3A_332] : memref<64xi32, #tpu.memory_space<vmem>>[vector<16xi32>], vector<16xi32>,
      %add3A_334 = arith.addi %gather3A_333, %add3A_326 : vector<16xi32>
      %add3A_335 = arith.constant 80 : i32
      %add3A_336 = arith.addi %shift_left3A_253, %add3A_335 : i32
      %swap3A_337 = arith.index_cast %add3A_336 : i32 to index
      %swap3A_338 = tpu.vector_load %arg9[%swap3A_337] {strides = array<i32>} : memref<4096xi32, #tpu.memory_space<vmem>>, vector<16xi32>,
      tpu.vector_store %arg9[%swap3A_337], %add3A_334 {strides = array<i32>} : memref<4096xi32, #tpu.memory_space<vmem>>, vector<16xi32>,
      tpu.vector_store_idx %arg12[%get3A_332], %broadcast_in_dim3A_3 {add = true} : memref<64xf32, #tpu.memory_space<vmem>>[vector<16xi32>], vector<16xf32>,
      %add3A_339 = arith.constant 16 : i32
      %add3A_340 = vector.broadcast %add3A_339 : i32 to vector<16xi32>
      %add3A_341 = arith.addi %add3A_326, %add3A_340 : vector<16xi32>
      %add3A_342 = arith.constant 20480 : i32
      %add3A_343 = arith.addi %add3A_342, %shift_left3A_253 : i32
      %add3A_344 = arith.constant 96 : i32
      %add3A_345 = arith.addi %add3A_343, %add3A_344 : i32
      %get3A_346 = arith.index_cast %add3A_345 : i32 to index
      %get3A_347 = tpu.vector_load %arg6[%get3A_346] {strides = array<i32>} : memref<32768xi32, #tpu.memory_space<vmem>>, vector<16xi32>,
      %gather3A_348 = tpu.vector_load_idx %arg7[%get3A_347] : memref<64xi32, #tpu.memory_space<vmem>>[vector<16xi32>], vector<16xi32>,
      %add3A_349 = arith.addi %gather3A_348, %add3A_341 : vector<16xi32>
      %add3A_350 = arith.constant 96 : i32
      %add3A_351 = arith.addi %shift_left3A_253, %add3A_350 : i32
      %swap3A_352 = arith.index_cast %add3A_351 : i32 to index
      %swap3A_353 = tpu.vector_load %arg9[%swap3A_352] {strides = array<i32>} : memref<4096xi32, #tpu.memory_space<vmem>>, vector<16xi32>,
      tpu.vector_store %arg9[%swap3A_352], %add3A_349 {strides = array<i32>} : memref<4096xi32, #tpu.memory_space<vmem>>, vector<16xi32>,
      tpu.vector_store_idx %arg12[%get3A_347], %broadcast_in_dim3A_3 {add = true} : memref<64xf32, #tpu.memory_space<vmem>>[vector<16xi32>], vector<16xf32>,
      %add3A_354 = arith.constant 16 : i32
      %add3A_355 = vector.broadcast %add3A_354 : i32 to vector<16xi32>
      %add3A_356 = arith.addi %add3A_341, %add3A_355 : vector<16xi32>
      %add3A_357 = arith.constant 20480 : i32
      %add3A_358 = arith.addi %add3A_357, %shift_left3A_253 : i32
      %add3A_359 = arith.constant 112 : i32
      %add3A_360 = arith.addi %add3A_358, %add3A_359 : i32
      %get3A_361 = arith.index_cast %add3A_360 : i32 to index
      %get3A_362 = tpu.vector_load %arg6[%get3A_361] {strides = array<i32>} : memref<32768xi32, #tpu.memory_space<vmem>>, vector<16xi32>,
      %gather3A_363 = tpu.vector_load_idx %arg7[%get3A_362] : memref<64xi32, #tpu.memory_space<vmem>>[vector<16xi32>], vector<16xi32>,
      %add3A_364 = arith.addi %gather3A_363, %add3A_356 : vector<16xi32>
      %add3A_365 = arith.constant 112 : i32
      %add3A_366 = arith.addi %shift_left3A_253, %add3A_365 : i32
      %swap3A_367 = arith.index_cast %add3A_366 : i32 to index
      %swap3A_368 = tpu.vector_load %arg9[%swap3A_367] {strides = array<i32>} : memref<4096xi32, #tpu.memory_space<vmem>>, vector<16xi32>,
      tpu.vector_store %arg9[%swap3A_367], %add3A_364 {strides = array<i32>} : memref<4096xi32, #tpu.memory_space<vmem>>, vector<16xi32>,
      tpu.vector_store_idx %arg12[%get3A_362], %broadcast_in_dim3A_3 {add = true} : memref<64xf32, #tpu.memory_space<vmem>>[vector<16xi32>], vector<16xf32>,
      %add3A_369 = arith.constant 16 : i32
      %add3A_370 = vector.broadcast %add3A_369 : i32 to vector<16xi32>
      %add3A_371 = arith.addi %add3A_356, %add3A_370 : vector<16xi32>
    }
    %scan3A_184 = arith.constant 32 : i32
    %dma_start3A_185 = arith.constant 0 : i32
    %dma_start3A_186 = tpu.memref_slice %arg2[%dma_start3A_185] : memref<67108864xf32, #tpu.memory_space<hbm>> -> memref<67108864xf32, #tpu.memory_space<hbm>>
    tpu.enqueue_indirect_dma source(%dma_start3A_186 : memref<67108864xf32, #tpu.memory_space<hbm>>) target(%arg11 : memref<4096xf32, #tpu.memory_space<vmem>>) offsets(%arg9 : memref<4096xi32, #tpu.memory_space<vmem>>) semaphore(%arg15 : memref<!tpu.dma_semaphore, #tpu.memory_space<semaphore_mem>>)
    %dma_wait3A_187 = arith.constant 0 : i32
    %dma_wait3A_188 = tpu.memref_slice %arg2[%dma_wait3A_187] : memref<67108864xf32, #tpu.memory_space<hbm>> -> memref<67108864xf32, #tpu.memory_space<hbm>>
    tpu.wait_indirect_dma semaphore(%arg14 : memref<!tpu.dma_semaphore, #tpu.memory_space<semaphore_mem>>) src(%dma_wait3A_188 : memref<67108864xf32, #tpu.memory_space<hbm>>) dst(%arg10 : memref<4096xf32, #tpu.memory_space<vmem>>)
    %scan3A_189 = arith.constant 0 : i32
    %scan3A_190 = arith.constant 32 : i32
    %scan3A_191 = arith.addi %scan3A_189, %scan3A_190 : i32
    %scan3A_192 = arith.constant 1 : i32
    %scan3A_193:2 = scf.for %scan3A_246 = %scan3A_189 to %scan3A_191 step %scan3A_192 iter_args(%scan3A_247 = %scan3A_173#0, %scan3A_248 = %scan3A_173#1) -> (vector<16xf32>, vector<16xf32>)  : i32 {
      %shift_left3A_249 = arith.constant 7 : i32
      %shift_left3A_250 = arith.shli %scan3A_246, %shift_left3A_249 : i32
      %add3A_251 = arith.constant 0 : i32
      %add3A_252 = arith.addi %shift_left3A_250, %add3A_251 : i32
      %get3A = arith.index_cast %add3A_252 : i32 to index
      %get3A_253 = tpu.vector_load %arg10[%get3A] {strides = array<i32>} : memref<4096xf32, #tpu.memory_space<vmem>>, vector<16xf32>,
      %add3A_254 = arith.addf %scan3A_247, %get3A_253 : vector<16xf32>
      %add3A_255 = arith.constant 16 : i32
      %add3A_256 = arith.addi %shift_left3A_250, %add3A_255 : i32
      %get3A_257 = arith.index_cast %add3A_256 : i32 to index
      %get3A_258 = tpu.vector_load %arg10[%get3A_257] {strides = array<i32>} : memref<4096xf32, #tpu.memory_space<vmem>>, vector<16xf32>,
      %add3A_259 = arith.addf %scan3A_248, %get3A_258 : vector<16xf32>
      %add3A_260 = arith.constant 32 : i32
      %add3A_261 = arith.addi %shift_left3A_250, %add3A_260 : i32
      %get3A_262 = arith.index_cast %add3A_261 : i32 to index
      %get3A_263 = tpu.vector_load %arg10[%get3A_262] {strides = array<i32>} : memref<4096xf32, #tpu.memory_space<vmem>>, vector<16xf32>,
      %add3A_264 = arith.addf %add3A_254, %get3A_263 : vector<16xf32>
      %add3A_265 = arith.constant 48 : i32
      %add3A_266 = arith.addi %shift_left3A_250, %add3A_265 : i32
      %get3A_267 = arith.index_cast %add3A_266 : i32 to index
      %get3A_268 = tpu.vector_load %arg10[%get3A_267] {strides = array<i32>} : memref<4096xf32, #tpu.memory_space<vmem>>, vector<16xf32>,
      %add3A_269 = arith.addf %add3A_259, %get3A_268 : vector<16xf32>
      %add3A_270 = arith.constant 64 : i32
      %add3A_271 = arith.addi %shift_left3A_250, %add3A_270 : i32
      %get3A_272 = arith.index_cast %add3A_271 : i32 to index
      %get3A_273 = tpu.vector_load %arg10[%get3A_272] {strides = array<i32>} : memref<4096xf32, #tpu.memory_space<vmem>>, vector<16xf32>,
      %add3A_274 = arith.addf %add3A_264, %get3A_273 : vector<16xf32>
      %add3A_275 = arith.constant 80 : i32
      %add3A_276 = arith.addi %shift_left3A_250, %add3A_275 : i32
      %get3A_277 = arith.index_cast %add3A_276 : i32 to index
      %get3A_278 = tpu.vector_load %arg10[%get3A_277] {strides = array<i32>} : memref<4096xf32, #tpu.memory_space<vmem>>, vector<16xf32>,
      %add3A_279 = arith.addf %add3A_269, %get3A_278 : vector<16xf32>
      %add3A_280 = arith.constant 96 : i32
      %add3A_281 = arith.addi %shift_left3A_250, %add3A_280 : i32
      %get3A_282 = arith.index_cast %add3A_281 : i32 to index
      %get3A_283 = tpu.vector_load %arg10[%get3A_282] {strides = array<i32>} : memref<4096xf32, #tpu.memory_space<vmem>>, vector<16xf32>,
      %add3A_284 = arith.addf %add3A_274, %get3A_283 : vector<16xf32>
      %add3A_285 = arith.constant 112 : i32
      %add3A_286 = arith.addi %shift_left3A_250, %add3A_285 : i32
      %get3A_287 = arith.index_cast %add3A_286 : i32 to index
      %get3A_288 = tpu.vector_load %arg10[%get3A_287] {strides = array<i32>} : memref<4096xf32, #tpu.memory_space<vmem>>, vector<16xf32>,
      %add3A_289 = arith.addf %add3A_279, %get3A_288 : vector<16xf32>
      scf.yield %add3A_284, %add3A_289 : vector<16xf32>, vector<16xf32>
    }
    %scan3A_194 = arith.constant 32 : i32
    %add3A_195 = arith.constant 24576 : i32
    %add3A_196 = arith.addi %mul3A_2, %add3A_195 : i32
    %shift_right_arithmetic3A_197 = arith.constant 7 : i32
    %shift_right_arithmetic3A_198 = arith.shrsi %add3A_196, %shift_right_arithmetic3A_197 : i32
    %scan3A_199 = arith.constant 0 : i32
    %scan3A_200 = arith.constant 0 : i32
    %scan3A_201 = arith.constant 32 : i32
    %scan3A_202 = arith.addi %scan3A_200, %scan3A_201 : i32
    %scan3A_203 = arith.constant 1 : i32
    scf.for %scan3A_246 = %scan3A_200 to %scan3A_202 step %scan3A_203  : i32 {
      %add3A_247 = arith.addi %shift_right_arithmetic3A_198, %scan3A_246 : i32
      %shift_left3A_248 = arith.constant 10 : i32
      %shift_left3A_249 = arith.shli %add3A_247, %shift_left3A_248 : i32
      %add3A_250 = vector.broadcast %shift_left3A_249 : i32 to vector<16xi32>
      %add3A_251 = arith.addi %add3A_250, %iota3A : vector<16xi32>
      %shift_left3A_252 = arith.constant 7 : i32
      %shift_left3A_253 = arith.shli %scan3A_246, %shift_left3A_252 : i32
      %add3A_254 = arith.constant 24576 : i32
      %add3A_255 = arith.addi %add3A_254, %shift_left3A_253 : i32
      %add3A_256 = arith.constant 0 : i32
      %add3A_257 = arith.addi %add3A_255, %add3A_256 : i32
      %get3A = arith.index_cast %add3A_257 : i32 to index
      %get3A_258 = tpu.vector_load %arg6[%get3A] {strides = array<i32>} : memref<32768xi32, #tpu.memory_space<vmem>>, vector<16xi32>,
      %gather3A = tpu.vector_load_idx %arg7[%get3A_258] : memref<64xi32, #tpu.memory_space<vmem>>[vector<16xi32>], vector<16xi32>,
      %add3A_259 = arith.addi %gather3A, %add3A_251 : vector<16xi32>
      %add3A_260 = arith.constant 0 : i32
      %add3A_261 = arith.addi %shift_left3A_253, %add3A_260 : i32
      %swap3A_262 = arith.index_cast %add3A_261 : i32 to index
      %swap3A_263 = tpu.vector_load %arg8[%swap3A_262] {strides = array<i32>} : memref<4096xi32, #tpu.memory_space<vmem>>, vector<16xi32>,
      tpu.vector_store %arg8[%swap3A_262], %add3A_259 {strides = array<i32>} : memref<4096xi32, #tpu.memory_space<vmem>>, vector<16xi32>,
      tpu.vector_store_idx %arg12[%get3A_258], %broadcast_in_dim3A_3 {add = true} : memref<64xf32, #tpu.memory_space<vmem>>[vector<16xi32>], vector<16xf32>,
      %add3A_264 = arith.constant 16 : i32
      %add3A_265 = vector.broadcast %add3A_264 : i32 to vector<16xi32>
      %add3A_266 = arith.addi %add3A_251, %add3A_265 : vector<16xi32>
      %add3A_267 = arith.constant 24576 : i32
      %add3A_268 = arith.addi %add3A_267, %shift_left3A_253 : i32
      %add3A_269 = arith.constant 16 : i32
      %add3A_270 = arith.addi %add3A_268, %add3A_269 : i32
      %get3A_271 = arith.index_cast %add3A_270 : i32 to index
      %get3A_272 = tpu.vector_load %arg6[%get3A_271] {strides = array<i32>} : memref<32768xi32, #tpu.memory_space<vmem>>, vector<16xi32>,
      %gather3A_273 = tpu.vector_load_idx %arg7[%get3A_272] : memref<64xi32, #tpu.memory_space<vmem>>[vector<16xi32>], vector<16xi32>,
      %add3A_274 = arith.addi %gather3A_273, %add3A_266 : vector<16xi32>
      %add3A_275 = arith.constant 16 : i32
      %add3A_276 = arith.addi %shift_left3A_253, %add3A_275 : i32
      %swap3A_277 = arith.index_cast %add3A_276 : i32 to index
      %swap3A_278 = tpu.vector_load %arg8[%swap3A_277] {strides = array<i32>} : memref<4096xi32, #tpu.memory_space<vmem>>, vector<16xi32>,
      tpu.vector_store %arg8[%swap3A_277], %add3A_274 {strides = array<i32>} : memref<4096xi32, #tpu.memory_space<vmem>>, vector<16xi32>,
      tpu.vector_store_idx %arg12[%get3A_272], %broadcast_in_dim3A_3 {add = true} : memref<64xf32, #tpu.memory_space<vmem>>[vector<16xi32>], vector<16xf32>,
      %add3A_279 = arith.constant 16 : i32
      %add3A_280 = vector.broadcast %add3A_279 : i32 to vector<16xi32>
      %add3A_281 = arith.addi %add3A_266, %add3A_280 : vector<16xi32>
      %add3A_282 = arith.constant 24576 : i32
      %add3A_283 = arith.addi %add3A_282, %shift_left3A_253 : i32
      %add3A_284 = arith.constant 32 : i32
      %add3A_285 = arith.addi %add3A_283, %add3A_284 : i32
      %get3A_286 = arith.index_cast %add3A_285 : i32 to index
      %get3A_287 = tpu.vector_load %arg6[%get3A_286] {strides = array<i32>} : memref<32768xi32, #tpu.memory_space<vmem>>, vector<16xi32>,
      %gather3A_288 = tpu.vector_load_idx %arg7[%get3A_287] : memref<64xi32, #tpu.memory_space<vmem>>[vector<16xi32>], vector<16xi32>,
      %add3A_289 = arith.addi %gather3A_288, %add3A_281 : vector<16xi32>
      %add3A_290 = arith.constant 32 : i32
      %add3A_291 = arith.addi %shift_left3A_253, %add3A_290 : i32
      %swap3A_292 = arith.index_cast %add3A_291 : i32 to index
      %swap3A_293 = tpu.vector_load %arg8[%swap3A_292] {strides = array<i32>} : memref<4096xi32, #tpu.memory_space<vmem>>, vector<16xi32>,
      tpu.vector_store %arg8[%swap3A_292], %add3A_289 {strides = array<i32>} : memref<4096xi32, #tpu.memory_space<vmem>>, vector<16xi32>,
      tpu.vector_store_idx %arg12[%get3A_287], %broadcast_in_dim3A_3 {add = true} : memref<64xf32, #tpu.memory_space<vmem>>[vector<16xi32>], vector<16xf32>,
      %add3A_294 = arith.constant 16 : i32
      %add3A_295 = vector.broadcast %add3A_294 : i32 to vector<16xi32>
      %add3A_296 = arith.addi %add3A_281, %add3A_295 : vector<16xi32>
      %add3A_297 = arith.constant 24576 : i32
      %add3A_298 = arith.addi %add3A_297, %shift_left3A_253 : i32
      %add3A_299 = arith.constant 48 : i32
      %add3A_300 = arith.addi %add3A_298, %add3A_299 : i32
      %get3A_301 = arith.index_cast %add3A_300 : i32 to index
      %get3A_302 = tpu.vector_load %arg6[%get3A_301] {strides = array<i32>} : memref<32768xi32, #tpu.memory_space<vmem>>, vector<16xi32>,
      %gather3A_303 = tpu.vector_load_idx %arg7[%get3A_302] : memref<64xi32, #tpu.memory_space<vmem>>[vector<16xi32>], vector<16xi32>,
      %add3A_304 = arith.addi %gather3A_303, %add3A_296 : vector<16xi32>
      %add3A_305 = arith.constant 48 : i32
      %add3A_306 = arith.addi %shift_left3A_253, %add3A_305 : i32
      %swap3A_307 = arith.index_cast %add3A_306 : i32 to index
      %swap3A_308 = tpu.vector_load %arg8[%swap3A_307] {strides = array<i32>} : memref<4096xi32, #tpu.memory_space<vmem>>, vector<16xi32>,
      tpu.vector_store %arg8[%swap3A_307], %add3A_304 {strides = array<i32>} : memref<4096xi32, #tpu.memory_space<vmem>>, vector<16xi32>,
      tpu.vector_store_idx %arg12[%get3A_302], %broadcast_in_dim3A_3 {add = true} : memref<64xf32, #tpu.memory_space<vmem>>[vector<16xi32>], vector<16xf32>,
      %add3A_309 = arith.constant 16 : i32
      %add3A_310 = vector.broadcast %add3A_309 : i32 to vector<16xi32>
      %add3A_311 = arith.addi %add3A_296, %add3A_310 : vector<16xi32>
      %add3A_312 = arith.constant 24576 : i32
      %add3A_313 = arith.addi %add3A_312, %shift_left3A_253 : i32
      %add3A_314 = arith.constant 64 : i32
      %add3A_315 = arith.addi %add3A_313, %add3A_314 : i32
      %get3A_316 = arith.index_cast %add3A_315 : i32 to index
      %get3A_317 = tpu.vector_load %arg6[%get3A_316] {strides = array<i32>} : memref<32768xi32, #tpu.memory_space<vmem>>, vector<16xi32>,
      %gather3A_318 = tpu.vector_load_idx %arg7[%get3A_317] : memref<64xi32, #tpu.memory_space<vmem>>[vector<16xi32>], vector<16xi32>,
      %add3A_319 = arith.addi %gather3A_318, %add3A_311 : vector<16xi32>
      %add3A_320 = arith.constant 64 : i32
      %add3A_321 = arith.addi %shift_left3A_253, %add3A_320 : i32
      %swap3A_322 = arith.index_cast %add3A_321 : i32 to index
      %swap3A_323 = tpu.vector_load %arg8[%swap3A_322] {strides = array<i32>} : memref<4096xi32, #tpu.memory_space<vmem>>, vector<16xi32>,
      tpu.vector_store %arg8[%swap3A_322], %add3A_319 {strides = array<i32>} : memref<4096xi32, #tpu.memory_space<vmem>>, vector<16xi32>,
      tpu.vector_store_idx %arg12[%get3A_317], %broadcast_in_dim3A_3 {add = true} : memref<64xf32, #tpu.memory_space<vmem>>[vector<16xi32>], vector<16xf32>,
      %add3A_324 = arith.constant 16 : i32
      %add3A_325 = vector.broadcast %add3A_324 : i32 to vector<16xi32>
      %add3A_326 = arith.addi %add3A_311, %add3A_325 : vector<16xi32>
      %add3A_327 = arith.constant 24576 : i32
      %add3A_328 = arith.addi %add3A_327, %shift_left3A_253 : i32
      %add3A_329 = arith.constant 80 : i32
      %add3A_330 = arith.addi %add3A_328, %add3A_329 : i32
      %get3A_331 = arith.index_cast %add3A_330 : i32 to index
      %get3A_332 = tpu.vector_load %arg6[%get3A_331] {strides = array<i32>} : memref<32768xi32, #tpu.memory_space<vmem>>, vector<16xi32>,
      %gather3A_333 = tpu.vector_load_idx %arg7[%get3A_332] : memref<64xi32, #tpu.memory_space<vmem>>[vector<16xi32>], vector<16xi32>,
      %add3A_334 = arith.addi %gather3A_333, %add3A_326 : vector<16xi32>
      %add3A_335 = arith.constant 80 : i32
      %add3A_336 = arith.addi %shift_left3A_253, %add3A_335 : i32
      %swap3A_337 = arith.index_cast %add3A_336 : i32 to index
      %swap3A_338 = tpu.vector_load %arg8[%swap3A_337] {strides = array<i32>} : memref<4096xi32, #tpu.memory_space<vmem>>, vector<16xi32>,
      tpu.vector_store %arg8[%swap3A_337], %add3A_334 {strides = array<i32>} : memref<4096xi32, #tpu.memory_space<vmem>>, vector<16xi32>,
      tpu.vector_store_idx %arg12[%get3A_332], %broadcast_in_dim3A_3 {add = true} : memref<64xf32, #tpu.memory_space<vmem>>[vector<16xi32>], vector<16xf32>,
      %add3A_339 = arith.constant 16 : i32
      %add3A_340 = vector.broadcast %add3A_339 : i32 to vector<16xi32>
      %add3A_341 = arith.addi %add3A_326, %add3A_340 : vector<16xi32>
      %add3A_342 = arith.constant 24576 : i32
      %add3A_343 = arith.addi %add3A_342, %shift_left3A_253 : i32
      %add3A_344 = arith.constant 96 : i32
      %add3A_345 = arith.addi %add3A_343, %add3A_344 : i32
      %get3A_346 = arith.index_cast %add3A_345 : i32 to index
      %get3A_347 = tpu.vector_load %arg6[%get3A_346] {strides = array<i32>} : memref<32768xi32, #tpu.memory_space<vmem>>, vector<16xi32>,
      %gather3A_348 = tpu.vector_load_idx %arg7[%get3A_347] : memref<64xi32, #tpu.memory_space<vmem>>[vector<16xi32>], vector<16xi32>,
      %add3A_349 = arith.addi %gather3A_348, %add3A_341 : vector<16xi32>
      %add3A_350 = arith.constant 96 : i32
      %add3A_351 = arith.addi %shift_left3A_253, %add3A_350 : i32
      %swap3A_352 = arith.index_cast %add3A_351 : i32 to index
      %swap3A_353 = tpu.vector_load %arg8[%swap3A_352] {strides = array<i32>} : memref<4096xi32, #tpu.memory_space<vmem>>, vector<16xi32>,
      tpu.vector_store %arg8[%swap3A_352], %add3A_349 {strides = array<i32>} : memref<4096xi32, #tpu.memory_space<vmem>>, vector<16xi32>,
      tpu.vector_store_idx %arg12[%get3A_347], %broadcast_in_dim3A_3 {add = true} : memref<64xf32, #tpu.memory_space<vmem>>[vector<16xi32>], vector<16xf32>,
      %add3A_354 = arith.constant 16 : i32
      %add3A_355 = vector.broadcast %add3A_354 : i32 to vector<16xi32>
      %add3A_356 = arith.addi %add3A_341, %add3A_355 : vector<16xi32>
      %add3A_357 = arith.constant 24576 : i32
      %add3A_358 = arith.addi %add3A_357, %shift_left3A_253 : i32
      %add3A_359 = arith.constant 112 : i32
      %add3A_360 = arith.addi %add3A_358, %add3A_359 : i32
      %get3A_361 = arith.index_cast %add3A_360 : i32 to index
      %get3A_362 = tpu.vector_load %arg6[%get3A_361] {strides = array<i32>} : memref<32768xi32, #tpu.memory_space<vmem>>, vector<16xi32>,
      %gather3A_363 = tpu.vector_load_idx %arg7[%get3A_362] : memref<64xi32, #tpu.memory_space<vmem>>[vector<16xi32>], vector<16xi32>,
      %add3A_364 = arith.addi %gather3A_363, %add3A_356 : vector<16xi32>
      %add3A_365 = arith.constant 112 : i32
      %add3A_366 = arith.addi %shift_left3A_253, %add3A_365 : i32
      %swap3A_367 = arith.index_cast %add3A_366 : i32 to index
      %swap3A_368 = tpu.vector_load %arg8[%swap3A_367] {strides = array<i32>} : memref<4096xi32, #tpu.memory_space<vmem>>, vector<16xi32>,
      tpu.vector_store %arg8[%swap3A_367], %add3A_364 {strides = array<i32>} : memref<4096xi32, #tpu.memory_space<vmem>>, vector<16xi32>,
      tpu.vector_store_idx %arg12[%get3A_362], %broadcast_in_dim3A_3 {add = true} : memref<64xf32, #tpu.memory_space<vmem>>[vector<16xi32>], vector<16xf32>,
      %add3A_369 = arith.constant 16 : i32
      %add3A_370 = vector.broadcast %add3A_369 : i32 to vector<16xi32>
      %add3A_371 = arith.addi %add3A_356, %add3A_370 : vector<16xi32>
    }
    %scan3A_204 = arith.constant 32 : i32
    %dma_start3A_205 = arith.constant 0 : i32
    %dma_start3A_206 = tpu.memref_slice %arg2[%dma_start3A_205] : memref<67108864xf32, #tpu.memory_space<hbm>> -> memref<67108864xf32, #tpu.memory_space<hbm>>
    tpu.enqueue_indirect_dma source(%dma_start3A_206 : memref<67108864xf32, #tpu.memory_space<hbm>>) target(%arg10 : memref<4096xf32, #tpu.memory_space<vmem>>) offsets(%arg8 : memref<4096xi32, #tpu.memory_space<vmem>>) semaphore(%arg14 : memref<!tpu.dma_semaphore, #tpu.memory_space<semaphore_mem>>)
    %dma_wait3A_207 = arith.constant 0 : i32
    %dma_wait3A_208 = tpu.memref_slice %arg2[%dma_wait3A_207] : memref<67108864xf32, #tpu.memory_space<hbm>> -> memref<67108864xf32, #tpu.memory_space<hbm>>
    tpu.wait_indirect_dma semaphore(%arg15 : memref<!tpu.dma_semaphore, #tpu.memory_space<semaphore_mem>>) src(%dma_wait3A_208 : memref<67108864xf32, #tpu.memory_space<hbm>>) dst(%arg11 : memref<4096xf32, #tpu.memory_space<vmem>>)
    %scan3A_209 = arith.constant 0 : i32
    %scan3A_210 = arith.constant 32 : i32
    %scan3A_211 = arith.addi %scan3A_209, %scan3A_210 : i32
    %scan3A_212 = arith.constant 1 : i32
    %scan3A_213:2 = scf.for %scan3A_246 = %scan3A_209 to %scan3A_211 step %scan3A_212 iter_args(%scan3A_247 = %scan3A_193#0, %scan3A_248 = %scan3A_193#1) -> (vector<16xf32>, vector<16xf32>)  : i32 {
      %shift_left3A_249 = arith.constant 7 : i32
      %shift_left3A_250 = arith.shli %scan3A_246, %shift_left3A_249 : i32
      %add3A_251 = arith.constant 0 : i32
      %add3A_252 = arith.addi %shift_left3A_250, %add3A_251 : i32
      %get3A = arith.index_cast %add3A_252 : i32 to index
      %get3A_253 = tpu.vector_load %arg11[%get3A] {strides = array<i32>} : memref<4096xf32, #tpu.memory_space<vmem>>, vector<16xf32>,
      %add3A_254 = arith.addf %scan3A_247, %get3A_253 : vector<16xf32>
      %add3A_255 = arith.constant 16 : i32
      %add3A_256 = arith.addi %shift_left3A_250, %add3A_255 : i32
      %get3A_257 = arith.index_cast %add3A_256 : i32 to index
      %get3A_258 = tpu.vector_load %arg11[%get3A_257] {strides = array<i32>} : memref<4096xf32, #tpu.memory_space<vmem>>, vector<16xf32>,
      %add3A_259 = arith.addf %scan3A_248, %get3A_258 : vector<16xf32>
      %add3A_260 = arith.constant 32 : i32
      %add3A_261 = arith.addi %shift_left3A_250, %add3A_260 : i32
      %get3A_262 = arith.index_cast %add3A_261 : i32 to index
      %get3A_263 = tpu.vector_load %arg11[%get3A_262] {strides = array<i32>} : memref<4096xf32, #tpu.memory_space<vmem>>, vector<16xf32>,
      %add3A_264 = arith.addf %add3A_254, %get3A_263 : vector<16xf32>
      %add3A_265 = arith.constant 48 : i32
      %add3A_266 = arith.addi %shift_left3A_250, %add3A_265 : i32
      %get3A_267 = arith.index_cast %add3A_266 : i32 to index
      %get3A_268 = tpu.vector_load %arg11[%get3A_267] {strides = array<i32>} : memref<4096xf32, #tpu.memory_space<vmem>>, vector<16xf32>,
      %add3A_269 = arith.addf %add3A_259, %get3A_268 : vector<16xf32>
      %add3A_270 = arith.constant 64 : i32
      %add3A_271 = arith.addi %shift_left3A_250, %add3A_270 : i32
      %get3A_272 = arith.index_cast %add3A_271 : i32 to index
      %get3A_273 = tpu.vector_load %arg11[%get3A_272] {strides = array<i32>} : memref<4096xf32, #tpu.memory_space<vmem>>, vector<16xf32>,
      %add3A_274 = arith.addf %add3A_264, %get3A_273 : vector<16xf32>
      %add3A_275 = arith.constant 80 : i32
      %add3A_276 = arith.addi %shift_left3A_250, %add3A_275 : i32
      %get3A_277 = arith.index_cast %add3A_276 : i32 to index
      %get3A_278 = tpu.vector_load %arg11[%get3A_277] {strides = array<i32>} : memref<4096xf32, #tpu.memory_space<vmem>>, vector<16xf32>,
      %add3A_279 = arith.addf %add3A_269, %get3A_278 : vector<16xf32>
      %add3A_280 = arith.constant 96 : i32
      %add3A_281 = arith.addi %shift_left3A_250, %add3A_280 : i32
      %get3A_282 = arith.index_cast %add3A_281 : i32 to index
      %get3A_283 = tpu.vector_load %arg11[%get3A_282] {strides = array<i32>} : memref<4096xf32, #tpu.memory_space<vmem>>, vector<16xf32>,
      %add3A_284 = arith.addf %add3A_274, %get3A_283 : vector<16xf32>
      %add3A_285 = arith.constant 112 : i32
      %add3A_286 = arith.addi %shift_left3A_250, %add3A_285 : i32
      %get3A_287 = arith.index_cast %add3A_286 : i32 to index
      %get3A_288 = tpu.vector_load %arg11[%get3A_287] {strides = array<i32>} : memref<4096xf32, #tpu.memory_space<vmem>>, vector<16xf32>,
      %add3A_289 = arith.addf %add3A_279, %get3A_288 : vector<16xf32>
      scf.yield %add3A_284, %add3A_289 : vector<16xf32>, vector<16xf32>
    }
    %scan3A_214 = arith.constant 32 : i32
    %add3A_215 = arith.constant 28672 : i32
    %add3A_216 = arith.addi %mul3A_2, %add3A_215 : i32
    %shift_right_arithmetic3A_217 = arith.constant 7 : i32
    %shift_right_arithmetic3A_218 = arith.shrsi %add3A_216, %shift_right_arithmetic3A_217 : i32
    %scan3A_219 = arith.constant 0 : i32
    %scan3A_220 = arith.constant 0 : i32
    %scan3A_221 = arith.constant 32 : i32
    %scan3A_222 = arith.addi %scan3A_220, %scan3A_221 : i32
    %scan3A_223 = arith.constant 1 : i32
    scf.for %scan3A_246 = %scan3A_220 to %scan3A_222 step %scan3A_223  : i32 {
      %add3A_247 = arith.addi %shift_right_arithmetic3A_218, %scan3A_246 : i32
      %shift_left3A_248 = arith.constant 10 : i32
      %shift_left3A_249 = arith.shli %add3A_247, %shift_left3A_248 : i32
      %add3A_250 = vector.broadcast %shift_left3A_249 : i32 to vector<16xi32>
      %add3A_251 = arith.addi %add3A_250, %iota3A : vector<16xi32>
      %shift_left3A_252 = arith.constant 7 : i32
      %shift_left3A_253 = arith.shli %scan3A_246, %shift_left3A_252 : i32
      %add3A_254 = arith.constant 28672 : i32
      %add3A_255 = arith.addi %add3A_254, %shift_left3A_253 : i32
      %add3A_256 = arith.constant 0 : i32
      %add3A_257 = arith.addi %add3A_255, %add3A_256 : i32
      %get3A = arith.index_cast %add3A_257 : i32 to index
      %get3A_258 = tpu.vector_load %arg6[%get3A] {strides = array<i32>} : memref<32768xi32, #tpu.memory_space<vmem>>, vector<16xi32>,
      %gather3A = tpu.vector_load_idx %arg7[%get3A_258] : memref<64xi32, #tpu.memory_space<vmem>>[vector<16xi32>], vector<16xi32>,
      %add3A_259 = arith.addi %gather3A, %add3A_251 : vector<16xi32>
      %add3A_260 = arith.constant 0 : i32
      %add3A_261 = arith.addi %shift_left3A_253, %add3A_260 : i32
      %swap3A_262 = arith.index_cast %add3A_261 : i32 to index
      %swap3A_263 = tpu.vector_load %arg9[%swap3A_262] {strides = array<i32>} : memref<4096xi32, #tpu.memory_space<vmem>>, vector<16xi32>,
      tpu.vector_store %arg9[%swap3A_262], %add3A_259 {strides = array<i32>} : memref<4096xi32, #tpu.memory_space<vmem>>, vector<16xi32>,
      tpu.vector_store_idx %arg12[%get3A_258], %broadcast_in_dim3A_3 {add = true} : memref<64xf32, #tpu.memory_space<vmem>>[vector<16xi32>], vector<16xf32>,
      %add3A_264 = arith.constant 16 : i32
      %add3A_265 = vector.broadcast %add3A_264 : i32 to vector<16xi32>
      %add3A_266 = arith.addi %add3A_251, %add3A_265 : vector<16xi32>
      %add3A_267 = arith.constant 28672 : i32
      %add3A_268 = arith.addi %add3A_267, %shift_left3A_253 : i32
      %add3A_269 = arith.constant 16 : i32
      %add3A_270 = arith.addi %add3A_268, %add3A_269 : i32
      %get3A_271 = arith.index_cast %add3A_270 : i32 to index
      %get3A_272 = tpu.vector_load %arg6[%get3A_271] {strides = array<i32>} : memref<32768xi32, #tpu.memory_space<vmem>>, vector<16xi32>,
      %gather3A_273 = tpu.vector_load_idx %arg7[%get3A_272] : memref<64xi32, #tpu.memory_space<vmem>>[vector<16xi32>], vector<16xi32>,
      %add3A_274 = arith.addi %gather3A_273, %add3A_266 : vector<16xi32>
      %add3A_275 = arith.constant 16 : i32
      %add3A_276 = arith.addi %shift_left3A_253, %add3A_275 : i32
      %swap3A_277 = arith.index_cast %add3A_276 : i32 to index
      %swap3A_278 = tpu.vector_load %arg9[%swap3A_277] {strides = array<i32>} : memref<4096xi32, #tpu.memory_space<vmem>>, vector<16xi32>,
      tpu.vector_store %arg9[%swap3A_277], %add3A_274 {strides = array<i32>} : memref<4096xi32, #tpu.memory_space<vmem>>, vector<16xi32>,
      tpu.vector_store_idx %arg12[%get3A_272], %broadcast_in_dim3A_3 {add = true} : memref<64xf32, #tpu.memory_space<vmem>>[vector<16xi32>], vector<16xf32>,
      %add3A_279 = arith.constant 16 : i32
      %add3A_280 = vector.broadcast %add3A_279 : i32 to vector<16xi32>
      %add3A_281 = arith.addi %add3A_266, %add3A_280 : vector<16xi32>
      %add3A_282 = arith.constant 28672 : i32
      %add3A_283 = arith.addi %add3A_282, %shift_left3A_253 : i32
      %add3A_284 = arith.constant 32 : i32
      %add3A_285 = arith.addi %add3A_283, %add3A_284 : i32
      %get3A_286 = arith.index_cast %add3A_285 : i32 to index
      %get3A_287 = tpu.vector_load %arg6[%get3A_286] {strides = array<i32>} : memref<32768xi32, #tpu.memory_space<vmem>>, vector<16xi32>,
      %gather3A_288 = tpu.vector_load_idx %arg7[%get3A_287] : memref<64xi32, #tpu.memory_space<vmem>>[vector<16xi32>], vector<16xi32>,
      %add3A_289 = arith.addi %gather3A_288, %add3A_281 : vector<16xi32>
      %add3A_290 = arith.constant 32 : i32
      %add3A_291 = arith.addi %shift_left3A_253, %add3A_290 : i32
      %swap3A_292 = arith.index_cast %add3A_291 : i32 to index
      %swap3A_293 = tpu.vector_load %arg9[%swap3A_292] {strides = array<i32>} : memref<4096xi32, #tpu.memory_space<vmem>>, vector<16xi32>,
      tpu.vector_store %arg9[%swap3A_292], %add3A_289 {strides = array<i32>} : memref<4096xi32, #tpu.memory_space<vmem>>, vector<16xi32>,
      tpu.vector_store_idx %arg12[%get3A_287], %broadcast_in_dim3A_3 {add = true} : memref<64xf32, #tpu.memory_space<vmem>>[vector<16xi32>], vector<16xf32>,
      %add3A_294 = arith.constant 16 : i32
      %add3A_295 = vector.broadcast %add3A_294 : i32 to vector<16xi32>
      %add3A_296 = arith.addi %add3A_281, %add3A_295 : vector<16xi32>
      %add3A_297 = arith.constant 28672 : i32
      %add3A_298 = arith.addi %add3A_297, %shift_left3A_253 : i32
      %add3A_299 = arith.constant 48 : i32
      %add3A_300 = arith.addi %add3A_298, %add3A_299 : i32
      %get3A_301 = arith.index_cast %add3A_300 : i32 to index
      %get3A_302 = tpu.vector_load %arg6[%get3A_301] {strides = array<i32>} : memref<32768xi32, #tpu.memory_space<vmem>>, vector<16xi32>,
      %gather3A_303 = tpu.vector_load_idx %arg7[%get3A_302] : memref<64xi32, #tpu.memory_space<vmem>>[vector<16xi32>], vector<16xi32>,
      %add3A_304 = arith.addi %gather3A_303, %add3A_296 : vector<16xi32>
      %add3A_305 = arith.constant 48 : i32
      %add3A_306 = arith.addi %shift_left3A_253, %add3A_305 : i32
      %swap3A_307 = arith.index_cast %add3A_306 : i32 to index
      %swap3A_308 = tpu.vector_load %arg9[%swap3A_307] {strides = array<i32>} : memref<4096xi32, #tpu.memory_space<vmem>>, vector<16xi32>,
      tpu.vector_store %arg9[%swap3A_307], %add3A_304 {strides = array<i32>} : memref<4096xi32, #tpu.memory_space<vmem>>, vector<16xi32>,
      tpu.vector_store_idx %arg12[%get3A_302], %broadcast_in_dim3A_3 {add = true} : memref<64xf32, #tpu.memory_space<vmem>>[vector<16xi32>], vector<16xf32>,
      %add3A_309 = arith.constant 16 : i32
      %add3A_310 = vector.broadcast %add3A_309 : i32 to vector<16xi32>
      %add3A_311 = arith.addi %add3A_296, %add3A_310 : vector<16xi32>
      %add3A_312 = arith.constant 28672 : i32
      %add3A_313 = arith.addi %add3A_312, %shift_left3A_253 : i32
      %add3A_314 = arith.constant 64 : i32
      %add3A_315 = arith.addi %add3A_313, %add3A_314 : i32
      %get3A_316 = arith.index_cast %add3A_315 : i32 to index
      %get3A_317 = tpu.vector_load %arg6[%get3A_316] {strides = array<i32>} : memref<32768xi32, #tpu.memory_space<vmem>>, vector<16xi32>,
      %gather3A_318 = tpu.vector_load_idx %arg7[%get3A_317] : memref<64xi32, #tpu.memory_space<vmem>>[vector<16xi32>], vector<16xi32>,
      %add3A_319 = arith.addi %gather3A_318, %add3A_311 : vector<16xi32>
      %add3A_320 = arith.constant 64 : i32
      %add3A_321 = arith.addi %shift_left3A_253, %add3A_320 : i32
      %swap3A_322 = arith.index_cast %add3A_321 : i32 to index
      %swap3A_323 = tpu.vector_load %arg9[%swap3A_322] {strides = array<i32>} : memref<4096xi32, #tpu.memory_space<vmem>>, vector<16xi32>,
      tpu.vector_store %arg9[%swap3A_322], %add3A_319 {strides = array<i32>} : memref<4096xi32, #tpu.memory_space<vmem>>, vector<16xi32>,
      tpu.vector_store_idx %arg12[%get3A_317], %broadcast_in_dim3A_3 {add = true} : memref<64xf32, #tpu.memory_space<vmem>>[vector<16xi32>], vector<16xf32>,
      %add3A_324 = arith.constant 16 : i32
      %add3A_325 = vector.broadcast %add3A_324 : i32 to vector<16xi32>
      %add3A_326 = arith.addi %add3A_311, %add3A_325 : vector<16xi32>
      %add3A_327 = arith.constant 28672 : i32
      %add3A_328 = arith.addi %add3A_327, %shift_left3A_253 : i32
      %add3A_329 = arith.constant 80 : i32
      %add3A_330 = arith.addi %add3A_328, %add3A_329 : i32
      %get3A_331 = arith.index_cast %add3A_330 : i32 to index
      %get3A_332 = tpu.vector_load %arg6[%get3A_331] {strides = array<i32>} : memref<32768xi32, #tpu.memory_space<vmem>>, vector<16xi32>,
      %gather3A_333 = tpu.vector_load_idx %arg7[%get3A_332] : memref<64xi32, #tpu.memory_space<vmem>>[vector<16xi32>], vector<16xi32>,
      %add3A_334 = arith.addi %gather3A_333, %add3A_326 : vector<16xi32>
      %add3A_335 = arith.constant 80 : i32
      %add3A_336 = arith.addi %shift_left3A_253, %add3A_335 : i32
      %swap3A_337 = arith.index_cast %add3A_336 : i32 to index
      %swap3A_338 = tpu.vector_load %arg9[%swap3A_337] {strides = array<i32>} : memref<4096xi32, #tpu.memory_space<vmem>>, vector<16xi32>,
      tpu.vector_store %arg9[%swap3A_337], %add3A_334 {strides = array<i32>} : memref<4096xi32, #tpu.memory_space<vmem>>, vector<16xi32>,
      tpu.vector_store_idx %arg12[%get3A_332], %broadcast_in_dim3A_3 {add = true} : memref<64xf32, #tpu.memory_space<vmem>>[vector<16xi32>], vector<16xf32>,
      %add3A_339 = arith.constant 16 : i32
      %add3A_340 = vector.broadcast %add3A_339 : i32 to vector<16xi32>
      %add3A_341 = arith.addi %add3A_326, %add3A_340 : vector<16xi32>
      %add3A_342 = arith.constant 28672 : i32
      %add3A_343 = arith.addi %add3A_342, %shift_left3A_253 : i32
      %add3A_344 = arith.constant 96 : i32
      %add3A_345 = arith.addi %add3A_343, %add3A_344 : i32
      %get3A_346 = arith.index_cast %add3A_345 : i32 to index
      %get3A_347 = tpu.vector_load %arg6[%get3A_346] {strides = array<i32>} : memref<32768xi32, #tpu.memory_space<vmem>>, vector<16xi32>,
      %gather3A_348 = tpu.vector_load_idx %arg7[%get3A_347] : memref<64xi32, #tpu.memory_space<vmem>>[vector<16xi32>], vector<16xi32>,
      %add3A_349 = arith.addi %gather3A_348, %add3A_341 : vector<16xi32>
      %add3A_350 = arith.constant 96 : i32
      %add3A_351 = arith.addi %shift_left3A_253, %add3A_350 : i32
      %swap3A_352 = arith.index_cast %add3A_351 : i32 to index
      %swap3A_353 = tpu.vector_load %arg9[%swap3A_352] {strides = array<i32>} : memref<4096xi32, #tpu.memory_space<vmem>>, vector<16xi32>,
      tpu.vector_store %arg9[%swap3A_352], %add3A_349 {strides = array<i32>} : memref<4096xi32, #tpu.memory_space<vmem>>, vector<16xi32>,
      tpu.vector_store_idx %arg12[%get3A_347], %broadcast_in_dim3A_3 {add = true} : memref<64xf32, #tpu.memory_space<vmem>>[vector<16xi32>], vector<16xf32>,
      %add3A_354 = arith.constant 16 : i32
      %add3A_355 = vector.broadcast %add3A_354 : i32 to vector<16xi32>
      %add3A_356 = arith.addi %add3A_341, %add3A_355 : vector<16xi32>
      %add3A_357 = arith.constant 28672 : i32
      %add3A_358 = arith.addi %add3A_357, %shift_left3A_253 : i32
      %add3A_359 = arith.constant 112 : i32
      %add3A_360 = arith.addi %add3A_358, %add3A_359 : i32
      %get3A_361 = arith.index_cast %add3A_360 : i32 to index
      %get3A_362 = tpu.vector_load %arg6[%get3A_361] {strides = array<i32>} : memref<32768xi32, #tpu.memory_space<vmem>>, vector<16xi32>,
      %gather3A_363 = tpu.vector_load_idx %arg7[%get3A_362] : memref<64xi32, #tpu.memory_space<vmem>>[vector<16xi32>], vector<16xi32>,
      %add3A_364 = arith.addi %gather3A_363, %add3A_356 : vector<16xi32>
      %add3A_365 = arith.constant 112 : i32
      %add3A_366 = arith.addi %shift_left3A_253, %add3A_365 : i32
      %swap3A_367 = arith.index_cast %add3A_366 : i32 to index
      %swap3A_368 = tpu.vector_load %arg9[%swap3A_367] {strides = array<i32>} : memref<4096xi32, #tpu.memory_space<vmem>>, vector<16xi32>,
      tpu.vector_store %arg9[%swap3A_367], %add3A_364 {strides = array<i32>} : memref<4096xi32, #tpu.memory_space<vmem>>, vector<16xi32>,
      tpu.vector_store_idx %arg12[%get3A_362], %broadcast_in_dim3A_3 {add = true} : memref<64xf32, #tpu.memory_space<vmem>>[vector<16xi32>], vector<16xf32>,
      %add3A_369 = arith.constant 16 : i32
      %add3A_370 = vector.broadcast %add3A_369 : i32 to vector<16xi32>
      %add3A_371 = arith.addi %add3A_356, %add3A_370 : vector<16xi32>
    }
    %scan3A_224 = arith.constant 32 : i32
    %dma_start3A_225 = arith.constant 0 : i32
    %dma_start3A_226 = tpu.memref_slice %arg2[%dma_start3A_225] : memref<67108864xf32, #tpu.memory_space<hbm>> -> memref<67108864xf32, #tpu.memory_space<hbm>>
    tpu.enqueue_indirect_dma source(%dma_start3A_226 : memref<67108864xf32, #tpu.memory_space<hbm>>) target(%arg11 : memref<4096xf32, #tpu.memory_space<vmem>>) offsets(%arg9 : memref<4096xi32, #tpu.memory_space<vmem>>) semaphore(%arg15 : memref<!tpu.dma_semaphore, #tpu.memory_space<semaphore_mem>>)
    %dma_wait3A_227 = arith.constant 0 : i32
    %dma_wait3A_228 = tpu.memref_slice %arg2[%dma_wait3A_227] : memref<67108864xf32, #tpu.memory_space<hbm>> -> memref<67108864xf32, #tpu.memory_space<hbm>>
    tpu.wait_indirect_dma semaphore(%arg14 : memref<!tpu.dma_semaphore, #tpu.memory_space<semaphore_mem>>) src(%dma_wait3A_228 : memref<67108864xf32, #tpu.memory_space<hbm>>) dst(%arg10 : memref<4096xf32, #tpu.memory_space<vmem>>)
    %scan3A_229 = arith.constant 0 : i32
    %scan3A_230 = arith.constant 32 : i32
    %scan3A_231 = arith.addi %scan3A_229, %scan3A_230 : i32
    %scan3A_232 = arith.constant 1 : i32
    %scan3A_233:2 = scf.for %scan3A_246 = %scan3A_229 to %scan3A_231 step %scan3A_232 iter_args(%scan3A_247 = %scan3A_213#0, %scan3A_248 = %scan3A_213#1) -> (vector<16xf32>, vector<16xf32>)  : i32 {
      %shift_left3A_249 = arith.constant 7 : i32
      %shift_left3A_250 = arith.shli %scan3A_246, %shift_left3A_249 : i32
      %add3A_251 = arith.constant 0 : i32
      %add3A_252 = arith.addi %shift_left3A_250, %add3A_251 : i32
      %get3A = arith.index_cast %add3A_252 : i32 to index
      %get3A_253 = tpu.vector_load %arg10[%get3A] {strides = array<i32>} : memref<4096xf32, #tpu.memory_space<vmem>>, vector<16xf32>,
      %add3A_254 = arith.addf %scan3A_247, %get3A_253 : vector<16xf32>
      %add3A_255 = arith.constant 16 : i32
      %add3A_256 = arith.addi %shift_left3A_250, %add3A_255 : i32
      %get3A_257 = arith.index_cast %add3A_256 : i32 to index
      %get3A_258 = tpu.vector_load %arg10[%get3A_257] {strides = array<i32>} : memref<4096xf32, #tpu.memory_space<vmem>>, vector<16xf32>,
      %add3A_259 = arith.addf %scan3A_248, %get3A_258 : vector<16xf32>
      %add3A_260 = arith.constant 32 : i32
      %add3A_261 = arith.addi %shift_left3A_250, %add3A_260 : i32
      %get3A_262 = arith.index_cast %add3A_261 : i32 to index
      %get3A_263 = tpu.vector_load %arg10[%get3A_262] {strides = array<i32>} : memref<4096xf32, #tpu.memory_space<vmem>>, vector<16xf32>,
      %add3A_264 = arith.addf %add3A_254, %get3A_263 : vector<16xf32>
      %add3A_265 = arith.constant 48 : i32
      %add3A_266 = arith.addi %shift_left3A_250, %add3A_265 : i32
      %get3A_267 = arith.index_cast %add3A_266 : i32 to index
      %get3A_268 = tpu.vector_load %arg10[%get3A_267] {strides = array<i32>} : memref<4096xf32, #tpu.memory_space<vmem>>, vector<16xf32>,
      %add3A_269 = arith.addf %add3A_259, %get3A_268 : vector<16xf32>
      %add3A_270 = arith.constant 64 : i32
      %add3A_271 = arith.addi %shift_left3A_250, %add3A_270 : i32
      %get3A_272 = arith.index_cast %add3A_271 : i32 to index
      %get3A_273 = tpu.vector_load %arg10[%get3A_272] {strides = array<i32>} : memref<4096xf32, #tpu.memory_space<vmem>>, vector<16xf32>,
      %add3A_274 = arith.addf %add3A_264, %get3A_273 : vector<16xf32>
      %add3A_275 = arith.constant 80 : i32
      %add3A_276 = arith.addi %shift_left3A_250, %add3A_275 : i32
      %get3A_277 = arith.index_cast %add3A_276 : i32 to index
      %get3A_278 = tpu.vector_load %arg10[%get3A_277] {strides = array<i32>} : memref<4096xf32, #tpu.memory_space<vmem>>, vector<16xf32>,
      %add3A_279 = arith.addf %add3A_269, %get3A_278 : vector<16xf32>
      %add3A_280 = arith.constant 96 : i32
      %add3A_281 = arith.addi %shift_left3A_250, %add3A_280 : i32
      %get3A_282 = arith.index_cast %add3A_281 : i32 to index
      %get3A_283 = tpu.vector_load %arg10[%get3A_282] {strides = array<i32>} : memref<4096xf32, #tpu.memory_space<vmem>>, vector<16xf32>,
      %add3A_284 = arith.addf %add3A_274, %get3A_283 : vector<16xf32>
      %add3A_285 = arith.constant 112 : i32
      %add3A_286 = arith.addi %shift_left3A_250, %add3A_285 : i32
      %get3A_287 = arith.index_cast %add3A_286 : i32 to index
      %get3A_288 = tpu.vector_load %arg10[%get3A_287] {strides = array<i32>} : memref<4096xf32, #tpu.memory_space<vmem>>, vector<16xf32>,
      %add3A_289 = arith.addf %add3A_279, %get3A_288 : vector<16xf32>
      scf.yield %add3A_284, %add3A_289 : vector<16xf32>, vector<16xf32>
    }
    %scan3A_234 = arith.constant 32 : i32
    %dma_wait3A_235 = arith.constant 0 : i32
    %dma_wait3A_236 = tpu.memref_slice %arg2[%dma_wait3A_235] : memref<67108864xf32, #tpu.memory_space<hbm>> -> memref<67108864xf32, #tpu.memory_space<hbm>>
    tpu.wait_indirect_dma semaphore(%arg15 : memref<!tpu.dma_semaphore, #tpu.memory_space<semaphore_mem>>) src(%dma_wait3A_236 : memref<67108864xf32, #tpu.memory_space<hbm>>) dst(%arg11 : memref<4096xf32, #tpu.memory_space<vmem>>)
    %scan3A_237 = arith.constant 0 : i32
    %scan3A_238 = arith.constant 32 : i32
    %scan3A_239 = arith.addi %scan3A_237, %scan3A_238 : i32
    %scan3A_240 = arith.constant 1 : i32
    %scan3A_241:2 = scf.for %scan3A_246 = %scan3A_237 to %scan3A_239 step %scan3A_240 iter_args(%scan3A_247 = %scan3A_233#0, %scan3A_248 = %scan3A_233#1) -> (vector<16xf32>, vector<16xf32>)  : i32 {
      %shift_left3A_249 = arith.constant 7 : i32
      %shift_left3A_250 = arith.shli %scan3A_246, %shift_left3A_249 : i32
      %add3A_251 = arith.constant 0 : i32
      %add3A_252 = arith.addi %shift_left3A_250, %add3A_251 : i32
      %get3A = arith.index_cast %add3A_252 : i32 to index
      %get3A_253 = tpu.vector_load %arg11[%get3A] {strides = array<i32>} : memref<4096xf32, #tpu.memory_space<vmem>>, vector<16xf32>,
      %add3A_254 = arith.addf %scan3A_247, %get3A_253 : vector<16xf32>
      %add3A_255 = arith.constant 16 : i32
      %add3A_256 = arith.addi %shift_left3A_250, %add3A_255 : i32
      %get3A_257 = arith.index_cast %add3A_256 : i32 to index
      %get3A_258 = tpu.vector_load %arg11[%get3A_257] {strides = array<i32>} : memref<4096xf32, #tpu.memory_space<vmem>>, vector<16xf32>,
      %add3A_259 = arith.addf %scan3A_248, %get3A_258 : vector<16xf32>
      %add3A_260 = arith.constant 32 : i32
      %add3A_261 = arith.addi %shift_left3A_250, %add3A_260 : i32
      %get3A_262 = arith.index_cast %add3A_261 : i32 to index
      %get3A_263 = tpu.vector_load %arg11[%get3A_262] {strides = array<i32>} : memref<4096xf32, #tpu.memory_space<vmem>>, vector<16xf32>,
      %add3A_264 = arith.addf %add3A_254, %get3A_263 : vector<16xf32>
      %add3A_265 = arith.constant 48 : i32
      %add3A_266 = arith.addi %shift_left3A_250, %add3A_265 : i32
      %get3A_267 = arith.index_cast %add3A_266 : i32 to index
      %get3A_268 = tpu.vector_load %arg11[%get3A_267] {strides = array<i32>} : memref<4096xf32, #tpu.memory_space<vmem>>, vector<16xf32>,
      %add3A_269 = arith.addf %add3A_259, %get3A_268 : vector<16xf32>
      %add3A_270 = arith.constant 64 : i32
      %add3A_271 = arith.addi %shift_left3A_250, %add3A_270 : i32
      %get3A_272 = arith.index_cast %add3A_271 : i32 to index
      %get3A_273 = tpu.vector_load %arg11[%get3A_272] {strides = array<i32>} : memref<4096xf32, #tpu.memory_space<vmem>>, vector<16xf32>,
      %add3A_274 = arith.addf %add3A_264, %get3A_273 : vector<16xf32>
      %add3A_275 = arith.constant 80 : i32
      %add3A_276 = arith.addi %shift_left3A_250, %add3A_275 : i32
      %get3A_277 = arith.index_cast %add3A_276 : i32 to index
      %get3A_278 = tpu.vector_load %arg11[%get3A_277] {strides = array<i32>} : memref<4096xf32, #tpu.memory_space<vmem>>, vector<16xf32>,
      %add3A_279 = arith.addf %add3A_269, %get3A_278 : vector<16xf32>
      %add3A_280 = arith.constant 96 : i32
      %add3A_281 = arith.addi %shift_left3A_250, %add3A_280 : i32
      %get3A_282 = arith.index_cast %add3A_281 : i32 to index
      %get3A_283 = tpu.vector_load %arg11[%get3A_282] {strides = array<i32>} : memref<4096xf32, #tpu.memory_space<vmem>>, vector<16xf32>,
      %add3A_284 = arith.addf %add3A_274, %get3A_283 : vector<16xf32>
      %add3A_285 = arith.constant 112 : i32
      %add3A_286 = arith.addi %shift_left3A_250, %add3A_285 : i32
      %get3A_287 = arith.index_cast %add3A_286 : i32 to index
      %get3A_288 = tpu.vector_load %arg11[%get3A_287] {strides = array<i32>} : memref<4096xf32, #tpu.memory_space<vmem>>, vector<16xf32>,
      %add3A_289 = arith.addf %add3A_279, %get3A_288 : vector<16xf32>
      scf.yield %add3A_284, %add3A_289 : vector<16xf32>, vector<16xf32>
    }
    %scan3A_242 = arith.constant 32 : i32
    %add3A_243 = arith.addf %scan3A_241#0, %scan3A_241#1 : vector<16xf32>
    %swap3A_244 = arith.constant 0 : index
    %swap3A_245 = tpu.vector_load %arg13[%swap3A_244] {strides = array<i32>} : memref<16xf32, #tpu.memory_space<vmem>>, vector<16xf32>,
    tpu.vector_store %arg13[%swap3A_244], %add3A_243 {strides = array<i32>} : memref<16xf32, #tpu.memory_space<vmem>>, vector<16xf32>,
    "tpu.region"() ({
      %run_scoped3A = tpu.sem_alloc : memref<!tpu.dma_semaphore, #tpu.memory_space<semaphore_mem>>
      %dma_start3A_246 = arith.constant 0 : i32
      %dma_start3A_247 = tpu.memref_slice %arg4[%add3A, %dma_start3A_246] : memref<32x16xf32, #tpu.memory_space<hbm>> -> memref<1x16xf32, #tpu.memory_space<hbm>>
      %dma_start3A_248 = tpu.memref_squeeze %dma_start3A_247 : memref<1x16xf32, #tpu.memory_space<hbm>> -> memref<16xf32, #tpu.memory_space<hbm>>
      %dma_start3A_249 = arith.constant 0 : i32
      %dma_start3A_250 = tpu.memref_slice %arg4[%add3A, %dma_start3A_249] : memref<32x16xf32, #tpu.memory_space<hbm>> -> memref<1x16xf32, #tpu.memory_space<hbm>>
      %dma_start3A_251 = tpu.memref_squeeze %dma_start3A_250 : memref<1x16xf32, #tpu.memory_space<hbm>> -> memref<16xf32, #tpu.memory_space<hbm>>
      tpu.enqueue_dma source(%arg13 : memref<16xf32, #tpu.memory_space<vmem>>) target(%dma_start3A_251 : memref<16xf32, #tpu.memory_space<hbm>>) target_semaphore(%run_scoped3A : memref<!tpu.dma_semaphore, #tpu.memory_space<semaphore_mem>>)
      %dma_wait3A_252 = arith.constant 0 : i32
      %dma_wait3A_253 = tpu.memref_slice %arg4[%add3A, %dma_wait3A_252] : memref<32x16xf32, #tpu.memory_space<hbm>> -> memref<1x16xf32, #tpu.memory_space<hbm>>
      %dma_wait3A_254 = tpu.memref_squeeze %dma_wait3A_253 : memref<1x16xf32, #tpu.memory_space<hbm>> -> memref<16xf32, #tpu.memory_space<hbm>>
      %dma_wait3A_255 = arith.constant 0 : i32
      %dma_wait3A_256 = tpu.memref_slice %arg4[%add3A, %dma_wait3A_255] : memref<32x16xf32, #tpu.memory_space<hbm>> -> memref<1x16xf32, #tpu.memory_space<hbm>>
      %dma_wait3A_257 = tpu.memref_squeeze %dma_wait3A_256 : memref<1x16xf32, #tpu.memory_space<hbm>> -> memref<16xf32, #tpu.memory_space<hbm>>
      tpu.wait_dma2 semaphore(%run_scoped3A : memref<!tpu.dma_semaphore, #tpu.memory_space<semaphore_mem>>) src(%arg13 : memref<16xf32, #tpu.memory_space<vmem>>) dst(%dma_wait3A_257 : memref<16xf32, #tpu.memory_space<hbm>>)
      tpu.yield
    }) : () -> ()
    "tpu.region"() ({
      %run_scoped3A = tpu.sem_alloc : memref<!tpu.dma_semaphore, #tpu.memory_space<semaphore_mem>>
      %dma_start3A_246 = arith.constant 0 : i32
      %dma_start3A_247 = tpu.memref_slice %arg5[%add3A, %dma_start3A_246] : memref<32x64xf32, #tpu.memory_space<hbm>> -> memref<1x64xf32, #tpu.memory_space<hbm>>
      %dma_start3A_248 = tpu.memref_squeeze %dma_start3A_247 : memref<1x64xf32, #tpu.memory_space<hbm>> -> memref<64xf32, #tpu.memory_space<hbm>>
      %dma_start3A_249 = arith.constant 0 : i32
      %dma_start3A_250 = tpu.memref_slice %arg5[%add3A, %dma_start3A_249] : memref<32x64xf32, #tpu.memory_space<hbm>> -> memref<1x64xf32, #tpu.memory_space<hbm>>
      %dma_start3A_251 = tpu.memref_squeeze %dma_start3A_250 : memref<1x64xf32, #tpu.memory_space<hbm>> -> memref<64xf32, #tpu.memory_space<hbm>>
      tpu.enqueue_dma source(%arg12 : memref<64xf32, #tpu.memory_space<vmem>>) target(%dma_start3A_251 : memref<64xf32, #tpu.memory_space<hbm>>) target_semaphore(%run_scoped3A : memref<!tpu.dma_semaphore, #tpu.memory_space<semaphore_mem>>)
      %dma_wait3A_252 = arith.constant 0 : i32
      %dma_wait3A_253 = tpu.memref_slice %arg5[%add3A, %dma_wait3A_252] : memref<32x64xf32, #tpu.memory_space<hbm>> -> memref<1x64xf32, #tpu.memory_space<hbm>>
      %dma_wait3A_254 = tpu.memref_squeeze %dma_wait3A_253 : memref<1x64xf32, #tpu.memory_space<hbm>> -> memref<64xf32, #tpu.memory_space<hbm>>
      %dma_wait3A_255 = arith.constant 0 : i32
      %dma_wait3A_256 = tpu.memref_slice %arg5[%add3A, %dma_wait3A_255] : memref<32x64xf32, #tpu.memory_space<hbm>> -> memref<1x64xf32, #tpu.memory_space<hbm>>
      %dma_wait3A_257 = tpu.memref_squeeze %dma_wait3A_256 : memref<1x64xf32, #tpu.memory_space<hbm>> -> memref<64xf32, #tpu.memory_space<hbm>>
      tpu.wait_dma2 semaphore(%run_scoped3A : memref<!tpu.dma_semaphore, #tpu.memory_space<semaphore_mem>>) src(%arg12 : memref<64xf32, #tpu.memory_space<vmem>>) dst(%dma_wait3A_257 : memref<64xf32, #tpu.memory_space<hbm>>)
      tpu.yield
    }) : () -> ()
    return
  }
}

module attributes {stable_mosaic.version = 14 : i64} {
  func.func @_tc_body(%arg0: memref<32x16xf32, #tpu.memory_space<vmem>>, %arg1: memref<32x64xf32, #tpu.memory_space<vmem>>, %arg2: memref<1x1xf32, #tpu.memory_space<smem>>) attributes {dimension_semantics = [], scalar_prefetch = 0 : i64, scratch_operands = 0 : i64, tpu.core_type = #tpu.core_type<tc>} {
    %get3A = arith.constant 0 : index
    %get3A_0 = arith.constant 0 : index
    %get3A_1 = vector.load %arg0[%get3A, %get3A_0] : memref<32x16xf32, #tpu.memory_space<vmem>>, vector<32x16xf32>
    %reduce_sum3A = vector.shape_cast %get3A_1 : vector<32x16xf32> to vector<1x32x16xf32>
    %reduce_sum3A_2 = arith.constant dense<0.000000e+00> : vector<1xf32>
    %reduce_sum3A_3 = vector.multi_reduction <add>, %reduce_sum3A, %reduce_sum3A_2 [1, 2] : vector<1x32x16xf32> to vector<1xf32>
    %reduce_sum3A_4 = vector.shape_cast %reduce_sum3A_3 : vector<1xf32> to vector<1x1x1xf32>
    %reduce_sum3A_5 = vector.extract %reduce_sum3A_4[0, 0, 0] : f32 from vector<1x1x1xf32>
    %get3A_6 = arith.constant 0 : index
    %get3A_7 = arith.constant 0 : index
    %get3A_8 = vector.load %arg1[%get3A_6, %get3A_7] : memref<32x64xf32, #tpu.memory_space<vmem>>, vector<32x64xf32>
    %reduce_sum3A_9 = arith.constant dense<0.000000e+00> : vector<64xf32>
    %reduce_sum3A_10 = vector.multi_reduction <add>, %get3A_8, %reduce_sum3A_9 [0] : vector<32x64xf32> to vector<64xf32>
    %mul3A = arith.constant 9.53674316E-7 : f32
    %mul3A_11 = vector.broadcast %mul3A : f32 to vector<64xf32>
    %mul3A_12 = arith.mulf %reduce_sum3A_10, %mul3A_11 : vector<64xf32>
    %add3A = arith.constant 9.99999993E-9 : f32
    %add3A_13 = vector.broadcast %add3A : f32 to vector<64xf32>
    %add3A_14 = arith.addf %mul3A_12, %add3A_13 : vector<64xf32>
    %log3A = math.log %add3A_14 : vector<64xf32>
    %mul3A_15 = arith.mulf %mul3A_12, %log3A : vector<64xf32>
    %reduce_sum3A_16 = vector.shape_cast %mul3A_15 : vector<64xf32> to vector<1x64xf32>
    %reduce_sum3A_17 = arith.constant dense<0.000000e+00> : vector<1xf32>
    %reduce_sum3A_18 = vector.multi_reduction <add>, %reduce_sum3A_16, %reduce_sum3A_17 [1] : vector<1x64xf32> to vector<1xf32>
    %reduce_sum3A_19 = vector.shape_cast %reduce_sum3A_18 : vector<1xf32> to vector<1x1xf32>
    %reduce_sum3A_20 = vector.extract %reduce_sum3A_19[0, 0] : f32 from vector<1x1xf32>
    %neg3A = arith.constant 0.000000e+00 : f32
    %neg3A_21 = arith.subf %neg3A, %reduce_sum3A_20 : f32
    %mul3A_22 = arith.constant 9.53674316E-7 : f32
    %mul3A_23 = arith.mulf %reduce_sum3A_5, %mul3A_22 : f32
    %mul3A_24 = arith.constant 1.000000e-01 : f32
    %mul3A_25 = arith.mulf %mul3A_24, %neg3A_21 : f32
    %sub3A = arith.subf %mul3A_23, %mul3A_25 : f32
    %swap3A = arith.constant 0 : index
    %swap3A_26 = arith.constant 0 : index
    %swap3A_27 = memref.load %arg2[%swap3A, %swap3A_26] : memref<1x1xf32, #tpu.memory_space<smem>>
    memref.store %sub3A, %arg2[%swap3A, %swap3A_26] : memref<1x1xf32, #tpu.memory_space<smem>>
    return
  }
}

</mosaic_0001>

<sc_bundles>
// kernel: _impl.4.cloned.1.call-start
scs
__scs_entry_jumppad:
0x0: {  	(pc) =	sbr.rel $0x88, $3  }
0x1: {  	(tag) =	ssettag $0x0;
	lr =	simm.s32 $0x1  }
0x2: {  	[smem:$0x3F9F] =	sst lr;
	_ =	strace $0xD0000000  }
0x3: {  	_ = 	snop  }
0x4: {  	_ = 	snop  }
0x5: {  	_ = 	snop  }
0x6: {  	_ = 	snop  }
0x7: {  	_ = 	snop  }
__scs_overlays_trampoline_lowered:
0x8: {  	[smem:$0x3FAE] =	sst s0  }
0x9: {  	[smem:$0x3FAF] =	sst s1  }
0xa: {  	[smem:$0x3FB0] =	sst s2  }
0xb: {  	[smem:$0x3FB1] =	sst s3  }
0xc: {  	[smem:$0x3FB2] =	sst s4  }
0xd: {  	[smem:$0x3FB3] =	sst s5  }
0xe: {  	[smem:$0x3FB4] =	sst s6  }
0xf: {  	[smem:$0x3FB5] =	sst s7  }
0x10: {  	[smem:$0x3FB6] =	sst s8  }
0x11: {  	[smem:$0x3FB7] =	sst s9;
	s0 =	simm.s32 @!p0 $0x0  }
0x12: {  	s1 =	sld [smem:$0x3F9D];
	s0 =	simm.s32 @p0 $0x1  }
0x13: {  	[smem:$0x3FB8] =	sst s0;
	s0 =	simm.s32 @!p1 $0x0  }
0x14: {  	s2 =	sld [smem:$0x3F9C];
	s0 =	simm.s32 @p1 $0x1  }
0x15: {  	[smem:$0x3FB9] =	sst s0;
	s0 =	simm.s32 @!p2 $0x0  }
0x16: {  	s3 =	sld [smem:$0x3FDB];
	s0 =	simm.s32 @p2 $0x1  }
0x17: {  	s4 =	simm.s32 $0x1BF5;
	[smem:$0x3FBB] =	sst s0  }
0x18: {  	s0 =	sld [smem:$0x3F9E];
	_ =	swait.ge [sflag:s4], $0x0  }
0x19: {  	s7 =	sld [smem:$0x3F9F]  }
0x1a: {  	s8 =	sadd.s32 $0xFFFFE003, lr  }
0x1b: {  	s9 =	sadd.s32 $0xFFFFFEF7, lr;
	s5 =	simm.s32 $0xFFFFFFFF;
	p2 =	slt.u32 s8, $0xFFFFF086  }
0x1c: {  	p1 =	slt.u32 s9, $0xF7A;
	s5 =	simm.s32 @!p2 $0x0  }
0x1d: {  	s5 =	simm.s32 @p1 $0x1;
	p0 =	seq.s32 s7, s2  }
0x1e: {  	s7 =	smul.u32 @!p0 $0xF7A, s2;
	p2 =	seq.s32 @!p0 s5, $0x0  }
0x1f: {  	s9 =	smul.u32 $0xF7A, s1;
	s8 =	simm.s32 @!p0 $0x1BF5;
	p2 =	por !p2, p0  }
0x20: {  	[sflag:s8] =	ssyncset.s32 @!p0 $0xFFFFF086;
	s6 =	sadd.s32 @!p0 s3, s7;
	s7 =	simm.s32 @!p0 $0x108  }
0x21: {  	s3 =	sadd.s32 s3, s9;
	s6 =	sadd.s32 @!p0 $0x88, s6;
	s7 =	simm.s32 @p2 $0x1082  }
0x22: {  	[simem:s7], [sflag:s8] =	dma.local @!p0 [hbm:s6], $0xF7A  }
0x23: {  	s9 =	sor.u32 $0xD0000000, s2;
	s6 =	simm.s32 $0x108;
	_ =	swait.ge @!p0 [sflag:s8], $0x0  }
0x24: {  	s3 =	sadd.s32 $0x88, s3;
	s6 =	simm.s32 @!p1 $0x1082;
	[sflag:s4] =	ssyncset.s32 $0xFFFFF086  }
0x25: {  	[simem:s6], [sflag:s4] =	dma.local [hbm:s3], $0xF7A  }
0x26: {  	[smem:$0x3F9F] =	sst s1;
	(tag) =	ssettag s2;
	_ =	strace s9  }
0x27: {  	s1 =	sld [smem:$0x3FAF]  }
0x28: {  	s2 =	sld [smem:$0x3FB0]  }
0x29: {  	s4 =	sld [smem:$0x3FB2]  }
0x2a: {  	p0 =	seq.s32 s5, $0x0;
	s5 =	sld [smem:$0x3FB3]  }
0x2b: {  	s6 =	sld [smem:$0x3FB4]  }
0x2c: {  	s7 =	sld [smem:$0x3FB5]  }
0x2d: {  	s3 =	simm.s32 $0x108;
	s8 =	sld [smem:$0x3FB6]  }
0x2e: {  	s3 =	simm.s32 @!p0 $0x1082;
	s9 =	sld [smem:$0x3FB7]  }
0x2f: {  	lr =	sadd.s32 s0, s3;
	s0 =	sld [smem:$0x3FAE]  }
0x30: {  	s3 =	sld [smem:$0x3FB1]  }
0x31: {  	[smem:$0x3FBA] =	sst s10  }
0x32: {  	s10 =	sld [smem:$0x3FB8];
	_ =	sdelay $0x3  }
0x33: {  	p0 =	seq.s32 s10, $0x1;
	s10 =	sld [smem:$0x3FBA];
	_ =	sdelay $0x3  }
0x34: {  	[smem:$0x3FBA] =	sst s10  }
0x35: {  	s10 =	sld [smem:$0x3FB9];
	_ =	sdelay $0x3  }
0x36: {  	p1 =	seq.s32 s10, $0x1;
	s10 =	sld [smem:$0x3FBA];
	_ =	sdelay $0x3  }
0x37: {  	[smem:$0x3FBA] =	sst s10  }
0x38: {  	s10 =	sld [smem:$0x3FBB]  }
0x39: {  	_ = 	snop;
	(pc) =	sbr.ind lr, $3  }
0x3a: {  	_ = 	snop  }
0x3b: {  	_ = 	snop  }
0x3c: {  	p2 =	seq.s32 s10, $0x1;
	s10 =	sld [smem:$0x3FBA]  }
0x3d: {  	_ =	shalt  }
0x3e: {  	_ =	shalt  }
0x3f: {  	_ =	shalt  }
0x40: {  	_ =	shalt  }
0x41: {  	_ =	shalt  }
0x42: {  	_ =	shalt  }
0x43: {  	_ =	shalt  }
0x44: {  	_ =	shalt  }
0x45: {  	_ =	shalt  }
0x46: {  	_ =	shalt  }
0x47: {  	_ =	shalt  }
0x48: {  	_ =	shalt  }
0x49: {  	_ =	shalt  }
0x4a: {  	_ =	shalt  }
0x4b: {  	_ =	shalt  }
0x4c: {  	_ =	shalt  }
0x4d: {  	_ =	shalt  }
0x4e: {  	_ =	shalt  }
0x4f: {  	_ =	shalt  }
0x50: {  	_ =	shalt  }
0x51: {  	_ =	shalt  }
0x52: {  	_ =	shalt  }
0x53: {  	_ =	shalt  }
0x54: {  	_ =	shalt  }
0x55: {  	_ =	shalt  }
0x56: {  	_ =	shalt  }
0x57: {  	_ =	shalt  }
0x58: {  	_ =	shalt  }
0x59: {  	_ =	shalt  }
0x5a: {  	_ =	shalt  }
0x5b: {  	_ =	shalt  }
0x5c: {  	_ =	shalt  }
0x5d: {  	_ =	shalt  }
0x5e: {  	_ =	shalt  }
0x5f: {  	_ =	shalt  }
0x60: {  	_ =	shalt  }
0x61: {  	_ =	shalt  }
0x62: {  	_ =	shalt  }
0x63: {  	_ =	shalt  }
0x64: {  	_ =	shalt  }
0x65: {  	_ =	shalt  }
0x66: {  	_ =	shalt  }
0x67: {  	_ =	shalt  }
0x68: {  	_ =	shalt  }
0x69: {  	_ =	shalt  }
0x6a: {  	_ =	shalt  }
0x6b: {  	_ =	shalt  }
0x6c: {  	_ =	shalt  }
0x6d: {  	_ =	shalt  }
0x6e: {  	_ =	shalt  }
0x6f: {  	_ =	shalt  }
0x70: {  	_ =	shalt  }
0x71: {  	_ =	shalt  }
0x72: {  	_ =	shalt  }
0x73: {  	_ =	shalt  }
0x74: {  	_ =	shalt  }
0x75: {  	_ =	shalt  }
0x76: {  	_ =	shalt  }
0x77: {  	_ =	shalt  }
0x78: {  	_ =	shalt  }
0x79: {  	_ =	shalt  }
0x7a: {  	_ =	shalt  }
0x7b: {  	_ =	shalt  }
0x7c: {  	_ =	shalt  }
0x7d: {  	_ =	shalt  }
0x7e: {  	_ =	shalt  }
0x7f: {  	_ =	shalt  }
0x80: {  	_ =	shalt  }
0x81: {  	_ =	shalt  }
0x82: {  	_ =	shalt  }
0x83: {  	_ =	shalt  }
0x84: {  	_ =	shalt  }
0x85: {  	_ =	shalt  }
0x86: {  	_ =	shalt  }
0x87: {  	_ =	shalt  }
.Lfunc_end0:
.L_simem_size_0:
called_computation_lowered:
.L_overlay_start_0:
0x88: {  	s2 =	sld [smem:$0x3FD9]  }
0x89: {  	s3 =	sld [smem:$0x3FFE];
	_ =	sdelay $0x1  }
0x8a: {  	s1 =	srdreg.scid  }
0x8b: {  	s0 =	sand.u32 $0x1, s1  }
0x8c: {  	s17 =	sshll.u32 s0, $0xA;
	s2 =	sadd.s32 s3, s2  }
0x8d: {  	s2 =	sadd.s32 s2, s17  }
0x8e: {  	[smem:$0x3FC6] =	sst s2  }
0x8f: {  	_ = 	snop  }
0x90: {  	s2 =	sld [smem:$0x3FC9]  }
0x91: {  	s18 =	sld [smem:$0x3FC8];
	(tm) =	ssettm $0x1  }
0x92: {  	s4 =	sld [smem:$0x3FFB];
	_ =	sdelay $0x3  }
0x93: {  	_ =	strace s4  }
0x94: {  	s4 =	sld [smem:$0x3FFC];
	_ =	sdelay $0x3  }
0x95: {  	_ =	strace s4  }
0x96: {  	s4 =	sld [smem:$0x3FFD];
	_ =	sdelay $0x3  }
0x97: {  	_ =	strace s4  }
0x98: {  	_ =	strace $0x8FFFFFFF  }
0x99: {  	s19 =	sld [smem:$0x3FDB];
	_ =	sdelay $0x1  }
0x9a: {  	s5 =	simm.s32 $_scs_section_size  }
0x9b: {  	s6 =	simm.s32 $_size__tile_overlayer_lowered;
	s7 =	simm.s32 $_tile_overlayer_lowered  }
0x9c: {  	s22 =	simm.s32 $0x1BFF;
	s21 =	sshll.u32 s7, $0x1;
	s4 =	sadd.s32 s5, s19  }
0x9d: {  	s8 =	simm.s32 $0x0;
	s20 =	sshll.u32 s6, $0x1;
	s6 =	sadd.s32 s21, s4  }
0x9e: {  	[timem:s8], [sflag:s22] =	dma.local [hbm:s6], s20  }
0x9f: {  	_ =	swait.ge [sflag:s22], s20  }
0xa0: {  	s5 =	ssub.s32 $0x0, s20;
	[sflag:s22] =	ssyncset.done $0x0  }
0xa1: {  	[sflag:s22] =	ssyncadd.s32 s5;
	_ =	sdelay $0x1  }
0xa2: {  	s23 =	simm.s32 $0x1B8B  }
0xa3: {  	_ =	swait.ge [sflag:s23], $0x1  }
0xa4: {  	[sflag:s23] =	ssyncset.done $0x0  }
0xa5: {  	s25 =	simm.s32 $0x1B8E;
	s24 =	sld [smem:$0x3FFE];
	[sflag:s23] =	ssyncadd.s32 $0xFFFFFFFF  }
0xa6: {  	s26 =	simm.s32 $execute0_lowered;
	[smem:$0x3FD2] =	sst s25  }
0xa7: {  	s6 =	sshll.u32 s26, $0x1;
	_ =	strace $0x80000046;
	[dreg:$0x1] =	wrdreg $0xFFFFFFFF  }
0xa8: {  	s28 =	simm.s32 $_size_execute0_lowered;
	s4 =	sadd.s32 s4, s6;
	[dreg:$0x0] =	wrdreg $0x0  }
0xa9: {  	s6 =	sshll.u32 s28, $0x1;
	[dreg:$0x2] =	wrdreg s4  }
0xaa: {  	[dreg:$0x3] =	wrdreg s6  }
0xab: {  	[dreg:$0x4] =	wrdreg $0xC0  }
0xac: {  	_ =	task [dreg:s8], $0x5FFFF  }
0xad: {  	[dreg:$0x1] =	wrdreg $0xFFFFFFFF  }
0xae: {  	[dreg:$0x0] =	wrdreg $0x60  }
0xaf: {  	[dreg:$0x2] =	wrdreg s2  }
0xb0: {  	[dreg:$0x3] =	wrdreg s18  }
0xb1: {  	[dreg:$0x4] =	wrdreg s24  }
0xb2: {  	[dreg:$0x5] =	wrdreg $0x9  }
0xb3: {  	_ =	task.clear_ibuf [dreg:s8], $0x6FFFF;
	_ =	strace $0x90000046  }
0xb4: {  	s29 =	simm.s32 $0x9;
	_ =	strace $0x80000048  }
0xb5: {  	_ =	swait.ge [sflag:s29], $0x1  }
0xb6: {  	[sflag:s29] =	ssyncadd.s32 $0xFFFFFFFF  }
0xb7: {  	_ =	strace $0x90000048  }
0xb8: {  	_ =	sfence  }
0xb9: {  	s30 =	sld [smem:$0x0];
	_ =	sdelay $0x2  }
0xba: {  	s31 =	sshll.u32 s1, $0xD;
	s1 =	sshrl.u32 s1, $0x2  }
0xbb: {  	s3 =	sand.u32 $0x4000, s31;
	s1 =	sadd.s32 s1, s30  }
0xbc: {  	s0 =	sor.u32 s3, s0;
	s1 =	sshll.u32 s1, $0x11  }
0xbd: {  	s0 =	sor.u32 s1, s0  }
0xbe: {  	s0 =	sadd.s32 $0x8F2B, s0  }
0xbf: {  	[sflag:s0] =	ssyncadd.remote.s32 $0x1  }
0xc0: {  	_ =	sfence.sel $0xFFFF  }
0xc1: {  	[dreg:$0x0] =	wrdreg $0xFFFFFFFF;
	(pc) =	sbr.abs _section_cstart, $3  }
0xc2: {  	[dreg:$0x1] =	wrdreg $0xFFFFFFFF  }
0xc3: {  	_ =	task.clear_ibuf [dreg:s8], $0x2FFFF;
	_ =	strace $0x9FFFFFFF  }
0xc4: {  	(tm) =	ssettm $0x7FFFFFFF  }
0xc5: {  	_ =	shalt  }
tec
execute0_lowered:
.L_overlay_start_1:
0x0: {  	(tag) =	ssettag $0x1  }
0x1: {  	v0 =	vimm.s32 $0x800380;
	vm14 =	vcmask $0x300  }
0x2: {  	vm13 =	vcmask $0x704;
	vm12 =	vcmask $0xB08;
	vm10 =	vcmask $0xF0C  }
0x3: {  	vm7 =	vcmask $0x1310;
	vm8 =	vcmask $0x1714;
	vm9 =	vcmask $0x1B18  }
0x4: {  	vm2 =	vcmask $0x1F1C;
	vm0 =	vcmask $0x2320;
	vm1 =	vcmask $0x2724  }
0x5: {  	s0 =	rddreg [dreg:$0x0];
	vm3 =	vcmask $0x2B28;
	vm4 =	vcmask $0x2F2C;
	vm5 =	vcmask $0x3330  }
0x6: {  	s14 =	rddreg [dreg:$0x1];
	vm6 =	vcmask $0x3734;
	vm11 =	vcmask $0x3B38;
	v1 =	vimm.s32 $0x1800380  }
0x7: {  	s4 =	rddreg [dreg:$0x2];
	s5 =	srdreg.scid;
	v2 =	vimm.s32 $0x2800380;
	v3 =	vimm.s32 $0x3800380;
	v4 =	vlaneseq.u32  }
0x8: {  	s2 =	stileid.u32;
	s3 =	simm.s32 $0x0;
	s18 =	simm.s32 $0xC080;
	v5 =	vimm.f32 $0.0e+00;
	v6 =	vimm.f32 $1.000000000e+00;
	v0 =	vsel vm14, $0x0, v0  }
0x9: {  	s19 =	simm.s32 $0x1000;
	s20 =	simm.s32 $0x8080;
	s21 =	simm.s32 $0xA080;
	v1 =	vsel vm14, $0x1000000, v1;
	v2 =	vsel vm14, $0x2000000, v2;
	v3 =	vsel vm14, $0x3000000, v3  }
0xa: {  	s22 =	simm.s32 $0x9080;
	s23 =	simm.s32 $0xB080;
	s15 =	sand.u32 $0x1, s5;
	v7 =	vor.u32 $0x10, v4;
	v8 =	vor.u32 $0x20, v4;
	v9 =	vor.u32 $0x30, v4  }
0xb: {  	s31 =	sshll.u32 s2, $0x1;
	[smem:$0x7FF] =	sst s3;
	s7 =	sshll.u32 s2, $0x13;
	v10 =	vor.u32 $0x40, v4;
	v11 =	vor.u32 $0x50, v4;
	v12 =	vor.u32 $0x60, v4  }
0xc: {  	s1 =	rddreg [dreg:$0x3];
	v0 =	vsel vm13, $0x80, v0;
	s5 =	sor.u32 s15, s31;
	_ =	strace $0x80000047;
	v1 =	vsel vm13, $0x1000080, v1;
	v2 =	vsel vm13, $0x2000080, v2  }
0xd: {  	v13 =	vor.u32 $0x70, v4;
	s8 =	sshll.u32 s15, $0x12;
	v3 =	vsel vm13, $0x3000080, v3;
	v0 =	vsel vm12, $0x100, v0;
	s16 =	sshll.u32 s5, $0xC  }
0xe: {  	s6 =	sshll.u32 s5, $0x4;
	s5 =	sor.u32 s8, s7;
	v1 =	vsel vm12, $0x1000100, v1;
	v2 =	vsel vm12, $0x2000100, v2;
	v3 =	vsel vm12, $0x3000100, v3  }
0xf: {  	s26 =	simm.s32 $0xC100;
	v0 =	vsel vm10, $0x180, v0;
	s7 =	sor.u32 $0x8000, s5;
	v1 =	vsel vm10, $0x1000180, v1;
	v2 =	vsel vm10, $0x2000180, v2  }
0x10: {  	s8 =	sor.u32 $0x10000, s5;
	s9 =	sor.u32 $0x18000, s5;
	v3 =	vsel vm10, $0x3000180, v3;
	v0 =	vsel vm7, $0x200, v0;
	v1 =	vsel vm7, $0x1000200, v1  }
0x11: {  	v2 =	vsel vm7, $0x2000200, v2;
	v3 =	vsel vm7, $0x3000200, v3;
	v0 =	vsel vm8, $0x280, v0  }
0x12: {  	v1 =	vsel vm8, $0x1000280, v1;
	v2 =	vsel vm8, $0x2000280, v2;
	v3 =	vsel vm8, $0x3000280, v3  }
0x13: {  	s15 =	ssub.s32 $0x2, s15;
	s10 =	sor.u32 $0x20000, s5;
	s11 =	sor.u32 $0x28000, s5;
	v0 =	vsel vm9, $0x300, v0;
	v1 =	vsel vm9, $0x1000300, v1;
	v2 =	vsel vm9, $0x2000300, v2  }
0x14: {  	s17 =	sshrl.u32 s15, $0x1;
	s12 =	sor.u32 $0x30000, s5;
	s13 =	sor.u32 $0x38000, s5;
	v3 =	vsel vm9, $0x3000300, v3;
	v0 =	vsel vm2, $0x380, v0;
	v1 =	vsel vm2, $0x1000380, v1  }
0x15: {  	s6 =	sadd.s32 s6, s4;
	s15 =	ssub.s32 s15, s17;
	v2 =	vsel vm2, $0x2000380, v2;
	v3 =	vsel vm2, $0x3000380, v3;
	v0 =	vsel vm0, $0x800000, v0  }
0x16: {  	s17 =	simm.s32 $0x8000;
	s4 =	sadd.s32 $0xC00, s6;
	s6 =	sadd.s32 $0xE00, s6;
	v1 =	vsel vm0, $0x1800000, v1;
	v2 =	vsel vm0, $0x2800000, v2;
	v3 =	vsel vm0, $0x3800000, v3  }
0x17: {  	v0 =	vsel vm1, $0x800080, v0;
	v1 =	vsel vm1, $0x1800080, v1;
	v2 =	vsel vm1, $0x2800080, v2  }
0x18: {  	v3 =	vsel vm1, $0x3800080, v3;
	v0 =	vsel vm3, $0x800100, v0;
	v1 =	vsel vm3, $0x1800100, v1  }
0x19: {  	v2 =	vsel vm3, $0x2800100, v2;
	v3 =	vsel vm3, $0x3800100, v3;
	v0 =	vsel vm4, $0x800180, v0  }
0x1a: {  	v1 =	vsel vm4, $0x1800180, v1;
	v2 =	vsel vm4, $0x2800180, v2;
	v3 =	vsel vm4, $0x3800180, v3  }
0x1b: {  	v0 =	vsel vm5, $0x800200, v0;
	v1 =	vsel vm5, $0x1800200, v1;
	v2 =	vsel vm5, $0x2800200, v2  }
0x1c: {  	v3 =	vsel vm5, $0x3800200, v3;
	v0 =	vsel vm6, $0x800280, v0;
	v1 =	vsel vm6, $0x1800280, v1  }
0x1d: {  	s24 =	simm.s32 $0x1;
	s25 =	simm.s32 $0x2;
	s28 =	simm.s32 $0x0;
	v2 =	vsel vm6, $0x2800280, v2;
	v3 =	vsel vm6, $0x3800280, v3;
	v0 =	vsel vm11, $0x800300, v0  }
0x1e: {  	s14 =	sadd.s32 s14, s16;
	s16 =	simm.s32 $0x3;
	s15 =	smax.u32 s15, $0x1;
	v1 =	vsel vm11, $0x1800300, v1;
	v2 =	vsel vm11, $0x2800300, v2;
	v3 =	vsel vm11, $0x3800300, v3  }
.LBB2_1:
0x1f: {  	[tilespmem:s3], [sflag:$0x3] =	stream.linear.gather [hbm4b:s14+s3], $0x8000, $0x38;
	[tilespmem:$0xC180] =	vst v63  }
0x20: {  	_ =	swait.ge [sflag:s16], $0x8000  }
0x21: {  	[sflag:s16] =	ssyncset.done $0x0  }
0x22: {  	[sflag:s16] =	ssyncadd.s32 $0xFFFF8000  }
0x23: {  	[tilespmem:$0xC080] =	vst v5  }
0x24: {  	[tilespmem:$0x8000] =	vst v0  }
0x25: {  	[tilespmem:$0xC090] =	vst v5  }
0x26: {  	[tilespmem:$0x8010] =	vst v1  }
0x27: {  	[tilespmem:$0xC0A0] =	vst v5  }
0x28: {  	[tilespmem:$0x8020] =	vst v2  }
0x29: {  	[tilespmem:$0xC0B0] =	vst v5  }
0x2a: {  	s29 =	smov.u32 s5;
	s30 =	simm.s32 $0x0;
	[tilespmem:$0x8030] =	vst v3  }
.LBB2_2:
0x2b: {  	s31 =	sshra.s32 s30, $0x2  }
0x2c: {  	v14 =	vld [tilespmem:s31+$0x0];
	_ =	sdelay $0x7  }
0x2d: {  	v15 =	vld.idx.msk [tilespmem:v14+s17+$0x0], $0xffff;
	_ =	sdelay $0x4  }
0x2e: {  	v15 =	vadd.s32 s29, v15  }
0x2f: {  	v15 =	vadd.s32 v4, v15  }
0x30: {  	[tilespmem:s31+$0x8080] =	vst v15  }
0x31: {  	[tilespmem:v14+s18+$0x0] =	vst.idx.add.f32.msk $0xffff, v6  }
0x32: {  	v14 =	vld [tilespmem:s31+$0x10];
	_ =	sdelay $0x7  }
0x33: {  	v15 =	vld.idx.msk [tilespmem:v14+s17+$0x0], $0xffff;
	_ =	sdelay $0x4  }
0x34: {  	v15 =	vadd.s32 s29, v15  }
0x35: {  	v15 =	vadd.s32 v7, v15  }
0x36: {  	[tilespmem:s31+$0x8090] =	vst v15  }
0x37: {  	[tilespmem:v14+s18+$0x0] =	vst.idx.add.f32.msk $0xffff, v6  }
0x38: {  	v14 =	vld [tilespmem:s31+$0x20];
	_ =	sdelay $0x7  }
0x39: {  	v15 =	vld.idx.msk [tilespmem:v14+s17+$0x0], $0xffff;
	_ =	sdelay $0x4  }
0x3a: {  	v15 =	vadd.s32 s29, v15  }
0x3b: {  	v15 =	vadd.s32 v8, v15  }
0x3c: {  	[tilespmem:s31+$0x80A0] =	vst v15  }
0x3d: {  	[tilespmem:v14+s18+$0x0] =	vst.idx.add.f32.msk $0xffff, v6  }
0x3e: {  	v14 =	vld [tilespmem:s31+$0x30];
	_ =	sdelay $0x7  }
0x3f: {  	v15 =	vld.idx.msk [tilespmem:v14+s17+$0x0], $0xffff;
	_ =	sdelay $0x4  }
0x40: {  	v15 =	vadd.s32 s29, v15  }
0x41: {  	v15 =	vadd.s32 v9, v15  }
0x42: {  	[tilespmem:s31+$0x80B0] =	vst v15  }
0x43: {  	[tilespmem:v14+s18+$0x0] =	vst.idx.add.f32.msk $0xffff, v6  }
0x44: {  	v14 =	vld [tilespmem:s31+$0x40];
	_ =	sdelay $0x7  }
0x45: {  	v15 =	vld.idx.msk [tilespmem:v14+s17+$0x0], $0xffff;
	_ =	sdelay $0x4  }
0x46: {  	v15 =	vadd.s32 s29, v15  }
0x47: {  	v15 =	vadd.s32 v10, v15  }
0x48: {  	[tilespmem:s31+$0x80C0] =	vst v15  }
0x49: {  	[tilespmem:v14+s18+$0x0] =	vst.idx.add.f32.msk $0xffff, v6  }
0x4a: {  	v14 =	vld [tilespmem:s31+$0x50];
	_ =	sdelay $0x7  }
0x4b: {  	v15 =	vld.idx.msk [tilespmem:v14+s17+$0x0], $0xffff;
	_ =	sdelay $0x4  }
0x4c: {  	v15 =	vadd.s32 s29, v15  }
0x4d: {  	v15 =	vadd.s32 v11, v15  }
0x4e: {  	[tilespmem:s31+$0x80D0] =	vst v15  }
0x4f: {  	[tilespmem:v14+s18+$0x0] =	vst.idx.add.f32.msk $0xffff, v6  }
0x50: {  	v14 =	vld [tilespmem:s31+$0x60];
	_ =	sdelay $0x7  }
0x51: {  	v15 =	vld.idx.msk [tilespmem:v14+s17+$0x0], $0xffff;
	_ =	sdelay $0x4  }
0x52: {  	v15 =	vadd.s32 s29, v15  }
0x53: {  	v15 =	vadd.s32 v12, v15  }
0x54: {  	[tilespmem:s31+$0x80E0] =	vst v15  }
0x55: {  	[tilespmem:v14+s18+$0x0] =	vst.idx.add.f32.msk $0xffff, v6  }
0x56: {  	v14 =	vld [tilespmem:s31+$0x70];
	_ =	sdelay $0x7  }
0x57: {  	v15 =	vld.idx.msk [tilespmem:v14+s17+$0x0], $0xffff;
	_ =	sdelay $0x2  }
0x58: {  	p0 =	sne.s32 s30, $0x3E00  }
.Ltmp0:
0x59: {  	_ = 	snop;
	(pc) =	sbr.rel @p0 .LBB2_2-.Ltmp0, $4  }
0x5a: {  	v15 =	vadd.s32 s29, v15  }
0x5b: {  	v15 =	vadd.s32 v13, v15  }
0x5c: {  	[tilespmem:s31+$0x80F0] =	vst v15  }
0x5d: {  	s30 =	sadd.s32 $0x200, s30;
	s29 =	sadd.s32 $0x400, s29;
	[tilespmem:v14+s18+$0x0] =	vst.idx.add.f32.msk $0xffff, v6  }
0x5e: {  	[tilespmem:s21], [sflag:$0x1] =	stream.indirect.gather [hbm4b:s0+s19], $0x1, s20, s19, $0xb8;
	[tilespmem:$0xC180] =	vst v63  }
0x5f: {  	s29 =	simm.s32 $0x100;
	s30 =	smov.u32 s7  }
.LBB2_4:
0x60: {  	s31 =	sshra.s32 s29, $0x2  }
0x61: {  	v14 =	vld [tilespmem:s31+$0xFC0];
	_ =	sdelay $0x7  }
0x62: {  	v15 =	vld.idx.msk [tilespmem:v14+s17+$0x0], $0xffff;
	_ =	sdelay $0x4  }
0x63: {  	v15 =	vadd.s32 s30, v15  }
0x64: {  	v15 =	vadd.s32 v4, v15  }
0x65: {  	[tilespmem:s31+$0x9040] =	vst v15  }
0x66: {  	[tilespmem:v14+s18+$0x0] =	vst.idx.add.f32.msk $0xffff, v6  }
0x67: {  	v14 =	vld [tilespmem:s31+$0xFD0];
	_ =	sdelay $0x7  }
0x68: {  	v15 =	vld.idx.msk [tilespmem:v14+s17+$0x0], $0xffff;
	_ =	sdelay $0x4  }
0x69: {  	v15 =	vadd.s32 s30, v15  }
0x6a: {  	v15 =	vadd.s32 v7, v15  }
0x6b: {  	[tilespmem:s31+$0x9050] =	vst v15  }
0x6c: {  	[tilespmem:v14+s18+$0x0] =	vst.idx.add.f32.msk $0xffff, v6  }
0x6d: {  	v14 =	vld [tilespmem:s31+$0xFE0];
	_ =	sdelay $0x7  }
0x6e: {  	v15 =	vld.idx.msk [tilespmem:v14+s17+$0x0], $0xffff;
	_ =	sdelay $0x4  }
0x6f: {  	v15 =	vadd.s32 s30, v15  }
0x70: {  	v15 =	vadd.s32 v8, v15  }
0x71: {  	[tilespmem:s31+$0x9060] =	vst v15  }
0x72: {  	[tilespmem:v14+s18+$0x0] =	vst.idx.add.f32.msk $0xffff, v6  }
0x73: {  	v14 =	vld [tilespmem:s31+$0xFF0];
	_ =	sdelay $0x7  }
0x74: {  	v15 =	vld.idx.msk [tilespmem:v14+s17+$0x0], $0xffff;
	_ =	sdelay $0x4  }
0x75: {  	v15 =	vadd.s32 s30, v15  }
0x76: {  	v15 =	vadd.s32 v9, v15  }
0x77: {  	[tilespmem:s31+$0x9070] =	vst v15  }
0x78: {  	[tilespmem:v14+s18+$0x0] =	vst.idx.add.f32.msk $0xffff, v6  }
0x79: {  	v14 =	vld [tilespmem:s31+$0x1000];
	_ =	sdelay $0x7  }
0x7a: {  	v15 =	vld.idx.msk [tilespmem:v14+s17+$0x0], $0xffff;
	_ =	sdelay $0x4  }
0x7b: {  	v15 =	vadd.s32 s30, v15  }
0x7c: {  	v15 =	vadd.s32 v10, v15  }
0x7d: {  	[tilespmem:s31+$0x9080] =	vst v15  }
0x7e: {  	[tilespmem:v14+s18+$0x0] =	vst.idx.add.f32.msk $0xffff, v6  }
0x7f: {  	v14 =	vld [tilespmem:s31+$0x1010];
	_ =	sdelay $0x7  }
0x80: {  	v15 =	vld.idx.msk [tilespmem:v14+s17+$0x0], $0xffff;
	_ =	sdelay $0x4  }
0x81: {  	v15 =	vadd.s32 s30, v15  }
0x82: {  	v15 =	vadd.s32 v11, v15  }
0x83: {  	[tilespmem:s31+$0x9090] =	vst v15  }
0x84: {  	[tilespmem:v14+s18+$0x0] =	vst.idx.add.f32.msk $0xffff, v6  }
0x85: {  	v14 =	vld [tilespmem:s31+$0x1020];
	_ =	sdelay $0x7  }
0x86: {  	v15 =	vld.idx.msk [tilespmem:v14+s17+$0x0], $0xffff;
	_ =	sdelay $0x4  }
0x87: {  	v15 =	vadd.s32 s30, v15  }
0x88: {  	v15 =	vadd.s32 v12, v15  }
0x89: {  	[tilespmem:s31+$0x90A0] =	vst v15  }
0x8a: {  	[tilespmem:v14+s18+$0x0] =	vst.idx.add.f32.msk $0xffff, v6  }
0x8b: {  	v14 =	vld [tilespmem:s31+$0x1030];
	_ =	sdelay $0x7  }
0x8c: {  	v15 =	vld.idx.msk [tilespmem:v14+s17+$0x0], $0xffff;
	_ =	sdelay $0x2  }
0x8d: {  	p0 =	sne.s32 s29, $0x3F00  }
.Ltmp1:
0x8e: {  	_ = 	snop;
	(pc) =	sbr.rel @p0 .LBB2_4-.Ltmp1, $4  }
0x8f: {  	v15 =	vadd.s32 s30, v15  }
0x90: {  	v15 =	vadd.s32 v13, v15  }
0x91: {  	[tilespmem:s31+$0x90B0] =	vst v15  }
0x92: {  	s29 =	sadd.s32 $0x200, s29;
	s30 =	sadd.s32 $0x400, s30;
	[tilespmem:v14+s18+$0x0] =	vst.idx.add.f32.msk $0xffff, v6  }
0x93: {  	[tilespmem:s23], [sflag:$0x2] =	stream.indirect.gather [hbm4b:s0+s19], $0x1, s22, s19, $0xb8;
	[tilespmem:$0xC180] =	vst v63  }
0x94: {  	_ =	swait.ge [sflag:s24], $0x1000  }
0x95: {  	[sflag:s24] =	ssyncset.done $0x0  }
0x96: {  	s29 =	simm.s32 $0x0;
	[sflag:s24] =	ssyncadd.s32 $0xFFFFF000  }
0x97: {  	v15 =	vld [tilespmem:s29+$0xA080]  }
0x98: {  	v17 =	vld [tilespmem:s29+$0xA090]  }
0x99: {  	v19 =	vld [tilespmem:s29+$0xA0A0]  }
0x9a: {  	v20 =	vld [tilespmem:s29+$0xA0B0]  }
0x9b: {  	v14 =	vld [tilespmem:s29+$0xA0C0]  }
0x9c: {  	v18 =	vimm.f32 $0.0e+00;
	v16 =	vld [tilespmem:s29+$0xA0D0]  }
0x9d: {  	v21 =	vadd.f32 v15, v18;
	v22 =	vadd.f32 v17, v18;
	v15 =	vld [tilespmem:s29+$0xA0E0]  }
0x9e: {  	s30 =	simm.s32 $0x80;
	v18 =	vld [tilespmem:s29+$0xA0F0]  }
0x9f: {  	s31 =	simm.s32 $0x400;
	s29 =	simm.s32 $0x0;
	v17 =	vld [tilespmem:s30+$0xA080];
	v19 =	vadd.f32 v19, v21;
	v20 =	vadd.f32 v20, v22  }
.LBB2_6:
0xa0: {  	p0 =	sne.s32 s31, $0x3E00;
	v21 =	vld [tilespmem:s30+$0xA090]  }
0xa1: {  	v22 =	vld [tilespmem:s30+$0xA0A0];
	v19 =	vadd.f32 v14, v19;
	v16 =	vadd.f32 v16, v20  }
0xa2: {  	v20 =	vld [tilespmem:s30+$0xA0B0]  }
.Ltmp2:
0xa3: {  	v14 =	vld [tilespmem:s30+$0xA0C0];
	v15 =	vadd.f32 v15, v19;
	v18 =	vadd.f32 v18, v16;
	(pc) =	sbr.rel @p0 .LBB2_6-.Ltmp2, $4  }
0xa4: {  	v16 =	vld [tilespmem:s30+$0xA0D0]  }
0xa5: {  	v19 =	vadd.f32 v17, v15;
	v21 =	vadd.f32 v21, v18;
	v15 =	vld [tilespmem:s30+$0xA0E0]  }
0xa6: {  	v18 =	vld [tilespmem:s30+$0xA0F0];
	s30 =	sshra.s32 s31, $0x2  }
0xa7: {  	s31 =	sadd.s32 $0x200, s31;
	v17 =	vld [tilespmem:s30+$0xA080];
	v19 =	vadd.f32 v22, v19;
	v20 =	vadd.f32 v20, v21  }
0xa8: {  	v21 =	vld [tilespmem:s30+$0xA090]  }
0xa9: {  	v22 =	vld [tilespmem:s30+$0xA0A0];
	v14 =	vadd.f32 v14, v19;
	v16 =	vadd.f32 v16, v20  }
0xaa: {  	v61 =	vld [tilespmem:s30+$0xA0B0]  }
0xab: {  	v62 =	vld [tilespmem:s30+$0xA0C0];
	v14 =	vadd.f32 v15, v14;
	v15 =	vadd.f32 v18, v16  }
0xac: {  	v16 =	vld [tilespmem:s30+$0xA0D0]  }
0xad: {  	v63 =	vld [tilespmem:s30+$0xA0F0];
	v14 =	vadd.f32 v17, v14;
	v15 =	vadd.f32 v21, v15  }
0xae: {  	v17 =	vld [tilespmem:s30+$0xA0E0]  }
0xaf: {  	v14 =	vadd.f32 v22, v14;
	v15 =	vadd.f32 v61, v15;
	_ =	sdelay $0x1  }
0xb0: {  	v14 =	vadd.f32 v62, v14;
	v15 =	vadd.f32 v16, v15;
	_ =	sdelay $0x1  }
0xb1: {  	s30 =	smov.u32 s8;
	v14 =	vadd.f32 v17, v14;
	v15 =	vadd.f32 v63, v15  }
.LBB2_8:
0xb2: {  	s31 =	sshra.s32 s29, $0x2  }
0xb3: {  	v16 =	vld [tilespmem:s31+$0x2000];
	_ =	sdelay $0x7  }
0xb4: {  	v17 =	vld.idx.msk [tilespmem:v16+s17+$0x0], $0xffff;
	_ =	sdelay $0x4  }
0xb5: {  	v17 =	vadd.s32 s30, v17  }
0xb6: {  	v17 =	vadd.s32 v4, v17  }
0xb7: {  	[tilespmem:s31+$0x8080] =	vst v17  }
0xb8: {  	[tilespmem:v16+s18+$0x0] =	vst.idx.add.f32.msk $0xffff, v6  }
0xb9: {  	v16 =	vld [tilespmem:s31+$0x2010];
	_ =	sdelay $0x7  }
0xba: {  	v17 =	vld.idx.msk [tilespmem:v16+s17+$0x0], $0xffff;
	_ =	sdelay $0x4  }
0xbb: {  	v17 =	vadd.s32 s30, v17  }
0xbc: {  	v17 =	vadd.s32 v7, v17  }
0xbd: {  	[tilespmem:s31+$0x8090] =	vst v17  }
0xbe: {  	[tilespmem:v16+s18+$0x0] =	vst.idx.add.f32.msk $0xffff, v6  }
0xbf: {  	v16 =	vld [tilespmem:s31+$0x2020];
	_ =	sdelay $0x7  }
0xc0: {  	v17 =	vld.idx.msk [tilespmem:v16+s17+$0x0], $0xffff;
	_ =	sdelay $0x4  }
0xc1: {  	v17 =	vadd.s32 s30, v17  }
0xc2: {  	v17 =	vadd.s32 v8, v17  }
0xc3: {  	[tilespmem:s31+$0x80A0] =	vst v17  }
0xc4: {  	[tilespmem:v16+s18+$0x0] =	vst.idx.add.f32.msk $0xffff, v6  }
0xc5: {  	v16 =	vld [tilespmem:s31+$0x2030];
	_ =	sdelay $0x7  }
0xc6: {  	v17 =	vld.idx.msk [tilespmem:v16+s17+$0x0], $0xffff;
	_ =	sdelay $0x4  }
0xc7: {  	v17 =	vadd.s32 s30, v17  }
0xc8: {  	v17 =	vadd.s32 v9, v17  }
0xc9: {  	[tilespmem:s31+$0x80B0] =	vst v17  }
0xca: {  	[tilespmem:v16+s18+$0x0] =	vst.idx.add.f32.msk $0xffff, v6  }
0xcb: {  	v16 =	vld [tilespmem:s31+$0x2040];
	_ =	sdelay $0x7  }
0xcc: {  	v17 =	vld.idx.msk [tilespmem:v16+s17+$0x0], $0xffff;
	_ =	sdelay $0x4  }
0xcd: {  	v17 =	vadd.s32 s30, v17  }
0xce: {  	v17 =	vadd.s32 v10, v17  }
0xcf: {  	[tilespmem:s31+$0x80C0] =	vst v17  }
0xd0: {  	[tilespmem:v16+s18+$0x0] =	vst.idx.add.f32.msk $0xffff, v6  }
0xd1: {  	v16 =	vld [tilespmem:s31+$0x2050];
	_ =	sdelay $0x7  }
0xd2: {  	v17 =	vld.idx.msk [tilespmem:v16+s17+$0x0], $0xffff;
	_ =	sdelay $0x4  }
0xd3: {  	v17 =	vadd.s32 s30, v17  }
0xd4: {  	v17 =	vadd.s32 v11, v17  }
0xd5: {  	[tilespmem:s31+$0x80D0] =	vst v17  }
0xd6: {  	[tilespmem:v16+s18+$0x0] =	vst.idx.add.f32.msk $0xffff, v6  }
0xd7: {  	v16 =	vld [tilespmem:s31+$0x2060];
	_ =	sdelay $0x7  }
0xd8: {  	v17 =	vld.idx.msk [tilespmem:v16+s17+$0x0], $0xffff;
	_ =	sdelay $0x4  }
0xd9: {  	v17 =	vadd.s32 s30, v17  }
0xda: {  	v17 =	vadd.s32 v12, v17  }
0xdb: {  	[tilespmem:s31+$0x80E0] =	vst v17  }
0xdc: {  	[tilespmem:v16+s18+$0x0] =	vst.idx.add.f32.msk $0xffff, v6  }
0xdd: {  	v16 =	vld [tilespmem:s31+$0x2070];
	_ =	sdelay $0x7  }
0xde: {  	v17 =	vld.idx.msk [tilespmem:v16+s17+$0x0], $0xffff;
	_ =	sdelay $0x2  }
0xdf: {  	p0 =	sne.s32 s29, $0x3E00  }
.Ltmp3:
0xe0: {  	_ = 	snop;
	(pc) =	sbr.rel @p0 .LBB2_8-.Ltmp3, $4  }
0xe1: {  	v17 =	vadd.s32 s30, v17  }
0xe2: {  	v17 =	vadd.s32 v13, v17  }
0xe3: {  	[tilespmem:s31+$0x80F0] =	vst v17  }
0xe4: {  	s29 =	sadd.s32 $0x200, s29;
	s30 =	sadd.s32 $0x400, s30;
	[tilespmem:v16+s18+$0x0] =	vst.idx.add.f32.msk $0xffff, v6  }
0xe5: {  	[tilespmem:s21], [sflag:$0x1] =	stream.indirect.gather [hbm4b:s0+s19], $0x1, s20, s19, $0xb8;
	[tilespmem:$0xC180] =	vst v63  }
0xe6: {  	_ =	swait.ge [sflag:s25], $0x1000  }
0xe7: {  	[sflag:s25] =	ssyncset.done $0x0  }
0xe8: {  	s29 =	simm.s32 $0x0;
	[sflag:s25] =	ssyncadd.s32 $0xFFFFF000  }
0xe9: {  	v18 =	vld [tilespmem:s29+$0xB080]  }
0xea: {  	v19 =	vld [tilespmem:s29+$0xB090]  }
0xeb: {  	v20 =	vld [tilespmem:s29+$0xB0A0]  }
0xec: {  	v21 =	vld [tilespmem:s29+$0xB0B0]  }
0xed: {  	v16 =	vld [tilespmem:s29+$0xB0C0]  }
0xee: {  	v17 =	vld [tilespmem:s29+$0xB0D0]  }
0xef: {  	v22 =	vadd.f32 v18, v14;
	v23 =	vadd.f32 v19, v15;
	v14 =	vld [tilespmem:s29+$0xB0E0]  }
0xf0: {  	s30 =	simm.s32 $0x80;
	v18 =	vld [tilespmem:s29+$0xB0F0]  }
0xf1: {  	s31 =	simm.s32 $0x400;
	s29 =	simm.s32 $0x0;
	v15 =	vld [tilespmem:s30+$0xB080];
	v19 =	vadd.f32 v20, v22;
	v20 =	vadd.f32 v21, v23  }
.LBB2_10:
0xf2: {  	p0 =	sne.s32 s31, $0x3E00;
	v21 =	vld [tilespmem:s30+$0xB090]  }
0xf3: {  	v22 =	vld [tilespmem:s30+$0xB0A0];
	v19 =	vadd.f32 v16, v19;
	v17 =	vadd.f32 v17, v20  }
0xf4: {  	v20 =	vld [tilespmem:s30+$0xB0B0]  }
.Ltmp4:
0xf5: {  	v16 =	vld [tilespmem:s30+$0xB0C0];
	v14 =	vadd.f32 v14, v19;
	v18 =	vadd.f32 v18, v17;
	(pc) =	sbr.rel @p0 .LBB2_10-.Ltmp4, $4  }
0xf6: {  	v17 =	vld [tilespmem:s30+$0xB0D0]  }
0xf7: {  	v19 =	vadd.f32 v15, v14;
	v21 =	vadd.f32 v21, v18;
	v14 =	vld [tilespmem:s30+$0xB0E0]  }
0xf8: {  	v18 =	vld [tilespmem:s30+$0xB0F0];
	s30 =	sshra.s32 s31, $0x2  }
0xf9: {  	s31 =	sadd.s32 $0x200, s31;
	v15 =	vld [tilespmem:s30+$0xB080];
	v19 =	vadd.f32 v22, v19;
	v20 =	vadd.f32 v20, v21  }
0xfa: {  	v21 =	vld [tilespmem:s30+$0xB090]  }
0xfb: {  	v22 =	vld [tilespmem:s30+$0xB0A0];
	v16 =	vadd.f32 v16, v19;
	v17 =	vadd.f32 v17, v20  }
0xfc: {  	v61 =	vld [tilespmem:s30+$0xB0B0]  }
0xfd: {  	v62 =	vld [tilespmem:s30+$0xB0C0];
	v14 =	vadd.f32 v14, v16;
	v16 =	vadd.f32 v18, v17  }
0xfe: {  	v17 =	vld [tilespmem:s30+$0xB0D0]  }
0xff: {  	v63 =	vld [tilespmem:s30+$0xB0F0];
	v14 =	vadd.f32 v15, v14;
	v15 =	vadd.f32 v21, v16  }
0x100: {  	v16 =	vld [tilespmem:s30+$0xB0E0]  }
0x101: {  	v14 =	vadd.f32 v22, v14;
	v15 =	vadd.f32 v61, v15;
	_ =	sdelay $0x1  }
0x102: {  	v14 =	vadd.f32 v62, v14;
	v15 =	vadd.f32 v17, v15;
	_ =	sdelay $0x1  }
0x103: {  	s30 =	smov.u32 s9;
	v14 =	vadd.f32 v16, v14;
	v15 =	vadd.f32 v63, v15  }
.LBB2_12:
0x104: {  	s31 =	sshra.s32 s29, $0x2  }
0x105: {  	v16 =	vld [tilespmem:s31+$0x3000];
	_ =	sdelay $0x7  }
0x106: {  	v17 =	vld.idx.msk [tilespmem:v16+s17+$0x0], $0xffff;
	_ =	sdelay $0x4  }
0x107: {  	v17 =	vadd.s32 s30, v17  }
0x108: {  	v17 =	vadd.s32 v4, v17  }
0x109: {  	[tilespmem:s31+$0x9080] =	vst v17  }
0x10a: {  	[tilespmem:v16+s18+$0x0] =	vst.idx.add.f32.msk $0xffff, v6  }
0x10b: {  	v16 =	vld [tilespmem:s31+$0x3010];
	_ =	sdelay $0x7  }
0x10c: {  	v17 =	vld.idx.msk [tilespmem:v16+s17+$0x0], $0xffff;
	_ =	sdelay $0x4  }
0x10d: {  	v17 =	vadd.s32 s30, v17  }
0x10e: {  	v17 =	vadd.s32 v7, v17  }
0x10f: {  	[tilespmem:s31+$0x9090] =	vst v17  }
0x110: {  	[tilespmem:v16+s18+$0x0] =	vst.idx.add.f32.msk $0xffff, v6  }
0x111: {  	v16 =	vld [tilespmem:s31+$0x3020];
	_ =	sdelay $0x7  }
0x112: {  	v17 =	vld.idx.msk [tilespmem:v16+s17+$0x0], $0xffff;
	_ =	sdelay $0x4  }
0x113: {  	v17 =	vadd.s32 s30, v17  }
0x114: {  	v17 =	vadd.s32 v8, v17  }
0x115: {  	[tilespmem:s31+$0x90A0] =	vst v17  }
0x116: {  	[tilespmem:v16+s18+$0x0] =	vst.idx.add.f32.msk $0xffff, v6  }
0x117: {  	v16 =	vld [tilespmem:s31+$0x3030];
	_ =	sdelay $0x7  }
0x118: {  	v17 =	vld.idx.msk [tilespmem:v16+s17+$0x0], $0xffff;
	_ =	sdelay $0x4  }
0x119: {  	v17 =	vadd.s32 s30, v17  }
0x11a: {  	v17 =	vadd.s32 v9, v17  }
0x11b: {  	[tilespmem:s31+$0x90B0] =	vst v17  }
0x11c: {  	[tilespmem:v16+s18+$0x0] =	vst.idx.add.f32.msk $0xffff, v6  }
0x11d: {  	v16 =	vld [tilespmem:s31+$0x3040];
	_ =	sdelay $0x7  }
0x11e: {  	v17 =	vld.idx.msk [tilespmem:v16+s17+$0x0], $0xffff;
	_ =	sdelay $0x4  }
0x11f: {  	v17 =	vadd.s32 s30, v17  }
0x120: {  	v17 =	vadd.s32 v10, v17  }
0x121: {  	[tilespmem:s31+$0x90C0] =	vst v17  }
0x122: {  	[tilespmem:v16+s18+$0x0] =	vst.idx.add.f32.msk $0xffff, v6  }
0x123: {  	v16 =	vld [tilespmem:s31+$0x3050];
	_ =	sdelay $0x7  }
0x124: {  	v17 =	vld.idx.msk [tilespmem:v16+s17+$0x0], $0xffff;
	_ =	sdelay $0x4  }
0x125: {  	v17 =	vadd.s32 s30, v17  }
0x126: {  	v17 =	vadd.s32 v11, v17  }
0x127: {  	[tilespmem:s31+$0x90D0] =	vst v17  }
0x128: {  	[tilespmem:v16+s18+$0x0] =	vst.idx.add.f32.msk $0xffff, v6  }
0x129: {  	v16 =	vld [tilespmem:s31+$0x3060];
	_ =	sdelay $0x7  }
0x12a: {  	v17 =	vld.idx.msk [tilespmem:v16+s17+$0x0], $0xffff;
	_ =	sdelay $0x4  }
0x12b: {  	v17 =	vadd.s32 s30, v17  }
0x12c: {  	v17 =	vadd.s32 v12, v17  }
0x12d: {  	[tilespmem:s31+$0x90E0] =	vst v17  }
0x12e: {  	[tilespmem:v16+s18+$0x0] =	vst.idx.add.f32.msk $0xffff, v6  }
0x12f: {  	v16 =	vld [tilespmem:s31+$0x3070];
	_ =	sdelay $0x7  }
0x130: {  	v17 =	vld.idx.msk [tilespmem:v16+s17+$0x0], $0xffff;
	_ =	sdelay $0x2  }
0x131: {  	p0 =	sne.s32 s29, $0x3E00  }
.Ltmp5:
0x132: {  	_ = 	snop;
	(pc) =	sbr.rel @p0 .LBB2_12-.Ltmp5, $4  }
0x133: {  	v17 =	vadd.s32 s30, v17  }
0x134: {  	v17 =	vadd.s32 v13, v17  }
0x135: {  	[tilespmem:s31+$0x90F0] =	vst v17  }
0x136: {  	s29 =	sadd.s32 $0x200, s29;
	s30 =	sadd.s32 $0x400, s30;
	[tilespmem:v16+s18+$0x0] =	vst.idx.add.f32.msk $0xffff, v6  }
0x137: {  	[tilespmem:s23], [sflag:$0x2] =	stream.indirect.gather [hbm4b:s0+s19], $0x1, s22, s19, $0xb8;
	[tilespmem:$0xC180] =	vst v63  }
0x138: {  	_ =	swait.ge [sflag:s24], $0x1000  }
0x139: {  	[sflag:s24] =	ssyncset.done $0x0  }
0x13a: {  	s29 =	simm.s32 $0x0;
	[sflag:s24] =	ssyncadd.s32 $0xFFFFF000  }
0x13b: {  	v18 =	vld [tilespmem:s29+$0xA080]  }
0x13c: {  	v19 =	vld [tilespmem:s29+$0xA090]  }
0x13d: {  	v20 =	vld [tilespmem:s29+$0xA0A0]  }
0x13e: {  	v21 =	vld [tilespmem:s29+$0xA0B0]  }
0x13f: {  	v16 =	vld [tilespmem:s29+$0xA0C0]  }
0x140: {  	v17 =	vld [tilespmem:s29+$0xA0D0]  }
0x141: {  	v22 =	vadd.f32 v18, v14;
	v23 =	vadd.f32 v19, v15;
	v14 =	vld [tilespmem:s29+$0xA0E0]  }
0x142: {  	s30 =	simm.s32 $0x80;
	v18 =	vld [tilespmem:s29+$0xA0F0]  }
0x143: {  	s31 =	simm.s32 $0x400;
	s29 =	simm.s32 $0x0;
	v15 =	vld [tilespmem:s30+$0xA080];
	v19 =	vadd.f32 v20, v22;
	v20 =	vadd.f32 v21, v23  }
.LBB2_14:
0x144: {  	p0 =	sne.s32 s31, $0x3E00;
	v21 =	vld [tilespmem:s30+$0xA090]  }
0x145: {  	v22 =	vld [tilespmem:s30+$0xA0A0];
	v19 =	vadd.f32 v16, v19;
	v17 =	vadd.f32 v17, v20  }
0x146: {  	v20 =	vld [tilespmem:s30+$0xA0B0]  }
.Ltmp6:
0x147: {  	v16 =	vld [tilespmem:s30+$0xA0C0];
	v14 =	vadd.f32 v14, v19;
	v18 =	vadd.f32 v18, v17;
	(pc) =	sbr.rel @p0 .LBB2_14-.Ltmp6, $4  }
0x148: {  	v17 =	vld [tilespmem:s30+$0xA0D0]  }
0x149: {  	v19 =	vadd.f32 v15, v14;
	v21 =	vadd.f32 v21, v18;
	v14 =	vld [tilespmem:s30+$0xA0E0]  }
0x14a: {  	v18 =	vld [tilespmem:s30+$0xA0F0];
	s30 =	sshra.s32 s31, $0x2  }
0x14b: {  	s31 =	sadd.s32 $0x200, s31;
	v15 =	vld [tilespmem:s30+$0xA080];
	v19 =	vadd.f32 v22, v19;
	v20 =	vadd.f32 v20, v21  }
0x14c: {  	v21 =	vld [tilespmem:s30+$0xA090]  }
0x14d: {  	v22 =	vld [tilespmem:s30+$0xA0A0];
	v16 =	vadd.f32 v16, v19;
	v17 =	vadd.f32 v17, v20  }
0x14e: {  	v61 =	vld [tilespmem:s30+$0xA0B0]  }
0x14f: {  	v62 =	vld [tilespmem:s30+$0xA0C0];
	v14 =	vadd.f32 v14, v16;
	v16 =	vadd.f32 v18, v17  }
0x150: {  	v17 =	vld [tilespmem:s30+$0xA0D0]  }
0x151: {  	v63 =	vld [tilespmem:s30+$0xA0F0];
	v14 =	vadd.f32 v15, v14;
	v15 =	vadd.f32 v21, v16  }
0x152: {  	v16 =	vld [tilespmem:s30+$0xA0E0]  }
0x153: {  	v14 =	vadd.f32 v22, v14;
	v15 =	vadd.f32 v61, v15;
	_ =	sdelay $0x1  }
0x154: {  	v14 =	vadd.f32 v62, v14;
	v15 =	vadd.f32 v17, v15;
	_ =	sdelay $0x1  }
0x155: {  	s30 =	smov.u32 s10;
	v14 =	vadd.f32 v16, v14;
	v15 =	vadd.f32 v63, v15  }
.LBB2_16:
0x156: {  	s31 =	sshra.s32 s29, $0x2  }
0x157: {  	v16 =	vld [tilespmem:s31+$0x4000];
	_ =	sdelay $0x7  }
0x158: {  	v17 =	vld.idx.msk [tilespmem:v16+s17+$0x0], $0xffff;
	_ =	sdelay $0x4  }
0x159: {  	v17 =	vadd.s32 s30, v17  }
0x15a: {  	v17 =	vadd.s32 v4, v17  }
0x15b: {  	[tilespmem:s31+$0x8080] =	vst v17  }
0x15c: {  	[tilespmem:v16+s18+$0x0] =	vst.idx.add.f32.msk $0xffff, v6  }
0x15d: {  	v16 =	vld [tilespmem:s31+$0x4010];
	_ =	sdelay $0x7  }
0x15e: {  	v17 =	vld.idx.msk [tilespmem:v16+s17+$0x0], $0xffff;
	_ =	sdelay $0x4  }
0x15f: {  	v17 =	vadd.s32 s30, v17  }
0x160: {  	v17 =	vadd.s32 v7, v17  }
0x161: {  	[tilespmem:s31+$0x8090] =	vst v17  }
0x162: {  	[tilespmem:v16+s18+$0x0] =	vst.idx.add.f32.msk $0xffff, v6  }
0x163: {  	v16 =	vld [tilespmem:s31+$0x4020];
	_ =	sdelay $0x7  }
0x164: {  	v17 =	vld.idx.msk [tilespmem:v16+s17+$0x0], $0xffff;
	_ =	sdelay $0x4  }
0x165: {  	v17 =	vadd.s32 s30, v17  }
0x166: {  	v17 =	vadd.s32 v8, v17  }
0x167: {  	[tilespmem:s31+$0x80A0] =	vst v17  }
0x168: {  	[tilespmem:v16+s18+$0x0] =	vst.idx.add.f32.msk $0xffff, v6  }
0x169: {  	v16 =	vld [tilespmem:s31+$0x4030];
	_ =	sdelay $0x7  }
0x16a: {  	v17 =	vld.idx.msk [tilespmem:v16+s17+$0x0], $0xffff;
	_ =	sdelay $0x4  }
0x16b: {  	v17 =	vadd.s32 s30, v17  }
0x16c: {  	v17 =	vadd.s32 v9, v17  }
0x16d: {  	[tilespmem:s31+$0x80B0] =	vst v17  }
0x16e: {  	[tilespmem:v16+s18+$0x0] =	vst.idx.add.f32.msk $0xffff, v6  }
0x16f: {  	v16 =	vld [tilespmem:s31+$0x4040];
	_ =	sdelay $0x7  }
0x170: {  	v17 =	vld.idx.msk [tilespmem:v16+s17+$0x0], $0xffff;
	_ =	sdelay $0x4  }
0x171: {  	v17 =	vadd.s32 s30, v17  }
0x172: {  	v17 =	vadd.s32 v10, v17  }
0x173: {  	[tilespmem:s31+$0x80C0] =	vst v17  }
0x174: {  	[tilespmem:v16+s18+$0x0] =	vst.idx.add.f32.msk $0xffff, v6  }
0x175: {  	v16 =	vld [tilespmem:s31+$0x4050];
	_ =	sdelay $0x7  }
0x176: {  	v17 =	vld.idx.msk [tilespmem:v16+s17+$0x0], $0xffff;
	_ =	sdelay $0x4  }
0x177: {  	v17 =	vadd.s32 s30, v17  }
0x178: {  	v17 =	vadd.s32 v11, v17  }
0x179: {  	[tilespmem:s31+$0x80D0] =	vst v17  }
0x17a: {  	[tilespmem:v16+s18+$0x0] =	vst.idx.add.f32.msk $0xffff, v6  }
0x17b: {  	v16 =	vld [tilespmem:s31+$0x4060];
	_ =	sdelay $0x7  }
0x17c: {  	v17 =	vld.idx.msk [tilespmem:v16+s17+$0x0], $0xffff;
	_ =	sdelay $0x4  }
0x17d: {  	v17 =	vadd.s32 s30, v17  }
0x17e: {  	v17 =	vadd.s32 v12, v17  }
0x17f: {  	[tilespmem:s31+$0x80E0] =	vst v17  }
0x180: {  	[tilespmem:v16+s18+$0x0] =	vst.idx.add.f32.msk $0xffff, v6  }
0x181: {  	v16 =	vld [tilespmem:s31+$0x4070];
	_ =	sdelay $0x7  }
0x182: {  	v17 =	vld.idx.msk [tilespmem:v16+s17+$0x0], $0xffff;
	_ =	sdelay $0x2  }
0x183: {  	p0 =	sne.s32 s29, $0x3E00  }
.Ltmp7:
0x184: {  	_ = 	snop;
	(pc) =	sbr.rel @p0 .LBB2_16-.Ltmp7, $4  }
0x185: {  	v17 =	vadd.s32 s30, v17  }
0x186: {  	v17 =	vadd.s32 v13, v17  }
0x187: {  	[tilespmem:s31+$0x80F0] =	vst v17  }
0x188: {  	s29 =	sadd.s32 $0x200, s29;
	s30 =	sadd.s32 $0x400, s30;
	[tilespmem:v16+s18+$0x0] =	vst.idx.add.f32.msk $0xffff, v6  }
0x189: {  	[tilespmem:s21], [sflag:$0x1] =	stream.indirect.gather [hbm4b:s0+s19], $0x1, s20, s19, $0xb8;
	[tilespmem:$0xC180] =	vst v63  }
0x18a: {  	_ =	swait.ge [sflag:s25], $0x1000  }
0x18b: {  	[sflag:s25] =	ssyncset.done $0x0  }
0x18c: {  	s29 =	simm.s32 $0x0;
	[sflag:s25] =	ssyncadd.s32 $0xFFFFF000  }
0x18d: {  	v18 =	vld [tilespmem:s29+$0xB080]  }
0x18e: {  	v19 =	vld [tilespmem:s29+$0xB090]  }
0x18f: {  	v20 =	vld [tilespmem:s29+$0xB0A0]  }
0x190: {  	v21 =	vld [tilespmem:s29+$0xB0B0]  }
0x191: {  	v16 =	vld [tilespmem:s29+$0xB0C0]  }
0x192: {  	v17 =	vld [tilespmem:s29+$0xB0D0]  }
0x193: {  	v22 =	vadd.f32 v18, v14;
	v23 =	vadd.f32 v19, v15;
	v14 =	vld [tilespmem:s29+$0xB0E0]  }
0x194: {  	s30 =	simm.s32 $0x80;
	v18 =	vld [tilespmem:s29+$0xB0F0]  }
0x195: {  	s31 =	simm.s32 $0x400;
	s29 =	simm.s32 $0x0;
	v15 =	vld [tilespmem:s30+$0xB080];
	v19 =	vadd.f32 v20, v22;
	v20 =	vadd.f32 v21, v23  }
.LBB2_18:
0x196: {  	p0 =	sne.s32 s31, $0x3E00;
	v21 =	vld [tilespmem:s30+$0xB090]  }
0x197: {  	v22 =	vld [tilespmem:s30+$0xB0A0];
	v19 =	vadd.f32 v16, v19;
	v17 =	vadd.f32 v17, v20  }
0x198: {  	v20 =	vld [tilespmem:s30+$0xB0B0]  }
.Ltmp8:
0x199: {  	v16 =	vld [tilespmem:s30+$0xB0C0];
	v14 =	vadd.f32 v14, v19;
	v18 =	vadd.f32 v18, v17;
	(pc) =	sbr.rel @p0 .LBB2_18-.Ltmp8, $4  }
0x19a: {  	v17 =	vld [tilespmem:s30+$0xB0D0]  }
0x19b: {  	v19 =	vadd.f32 v15, v14;
	v21 =	vadd.f32 v21, v18;
	v14 =	vld [tilespmem:s30+$0xB0E0]  }
0x19c: {  	v18 =	vld [tilespmem:s30+$0xB0F0];
	s30 =	sshra.s32 s31, $0x2  }
0x19d: {  	s31 =	sadd.s32 $0x200, s31;
	v15 =	vld [tilespmem:s30+$0xB080];
	v19 =	vadd.f32 v22, v19;
	v20 =	vadd.f32 v20, v21  }
0x19e: {  	v21 =	vld [tilespmem:s30+$0xB090]  }
0x19f: {  	v22 =	vld [tilespmem:s30+$0xB0A0];
	v16 =	vadd.f32 v16, v19;
	v17 =	vadd.f32 v17, v20  }
0x1a0: {  	v61 =	vld [tilespmem:s30+$0xB0B0]  }
0x1a1: {  	v62 =	vld [tilespmem:s30+$0xB0C0];
	v14 =	vadd.f32 v14, v16;
	v16 =	vadd.f32 v18, v17  }
0x1a2: {  	v17 =	vld [tilespmem:s30+$0xB0D0]  }
0x1a3: {  	v63 =	vld [tilespmem:s30+$0xB0F0];
	v14 =	vadd.f32 v15, v14;
	v15 =	vadd.f32 v21, v16  }
0x1a4: {  	v16 =	vld [tilespmem:s30+$0xB0E0]  }
0x1a5: {  	v14 =	vadd.f32 v22, v14;
	v15 =	vadd.f32 v61, v15;
	_ =	sdelay $0x1  }
0x1a6: {  	v14 =	vadd.f32 v62, v14;
	v15 =	vadd.f32 v17, v15;
	_ =	sdelay $0x1  }
0x1a7: {  	s30 =	smov.u32 s11;
	v14 =	vadd.f32 v16, v14;
	v15 =	vadd.f32 v63, v15  }
.LBB2_20:
0x1a8: {  	s31 =	sshra.s32 s29, $0x2  }
0x1a9: {  	v16 =	vld [tilespmem:s31+$0x5000];
	_ =	sdelay $0x7  }
0x1aa: {  	v17 =	vld.idx.msk [tilespmem:v16+s17+$0x0], $0xffff;
	_ =	sdelay $0x4  }
0x1ab: {  	v17 =	vadd.s32 s30, v17  }
0x1ac: {  	v17 =	vadd.s32 v4, v17  }
0x1ad: {  	[tilespmem:s31+$0x9080] =	vst v17  }
0x1ae: {  	[tilespmem:v16+s18+$0x0] =	vst.idx.add.f32.msk $0xffff, v6  }
0x1af: {  	v16 =	vld [tilespmem:s31+$0x5010];
	_ =	sdelay $0x7  }
0x1b0: {  	v17 =	vld.idx.msk [tilespmem:v16+s17+$0x0], $0xffff;
	_ =	sdelay $0x4  }
0x1b1: {  	v17 =	vadd.s32 s30, v17  }
0x1b2: {  	v17 =	vadd.s32 v7, v17  }
0x1b3: {  	[tilespmem:s31+$0x9090] =	vst v17  }
0x1b4: {  	[tilespmem:v16+s18+$0x0] =	vst.idx.add.f32.msk $0xffff, v6  }
0x1b5: {  	v16 =	vld [tilespmem:s31+$0x5020];
	_ =	sdelay $0x7  }
0x1b6: {  	v17 =	vld.idx.msk [tilespmem:v16+s17+$0x0], $0xffff;
	_ =	sdelay $0x4  }
0x1b7: {  	v17 =	vadd.s32 s30, v17  }
0x1b8: {  	v17 =	vadd.s32 v8, v17  }
0x1b9: {  	[tilespmem:s31+$0x90A0] =	vst v17  }
0x1ba: {  	[tilespmem:v16+s18+$0x0] =	vst.idx.add.f32.msk $0xffff, v6  }
0x1bb: {  	v16 =	vld [tilespmem:s31+$0x5030];
	_ =	sdelay $0x7  }
0x1bc: {  	v17 =	vld.idx.msk [tilespmem:v16+s17+$0x0], $0xffff;
	_ =	sdelay $0x4  }
0x1bd: {  	v17 =	vadd.s32 s30, v17  }
0x1be: {  	v17 =	vadd.s32 v9, v17  }
0x1bf: {  	[tilespmem:s31+$0x90B0] =	vst v17  }
0x1c0: {  	[tilespmem:v16+s18+$0x0] =	vst.idx.add.f32.msk $0xffff, v6  }
0x1c1: {  	v16 =	vld [tilespmem:s31+$0x5040];
	_ =	sdelay $0x7  }
0x1c2: {  	v17 =	vld.idx.msk [tilespmem:v16+s17+$0x0], $0xffff;
	_ =	sdelay $0x4  }
0x1c3: {  	v17 =	vadd.s32 s30, v17  }
0x1c4: {  	v17 =	vadd.s32 v10, v17  }
0x1c5: {  	[tilespmem:s31+$0x90C0] =	vst v17  }
0x1c6: {  	[tilespmem:v16+s18+$0x0] =	vst.idx.add.f32.msk $0xffff, v6  }
0x1c7: {  	v16 =	vld [tilespmem:s31+$0x5050];
	_ =	sdelay $0x7  }
0x1c8: {  	v17 =	vld.idx.msk [tilespmem:v16+s17+$0x0], $0xffff;
	_ =	sdelay $0x4  }
0x1c9: {  	v17 =	vadd.s32 s30, v17  }
0x1ca: {  	v17 =	vadd.s32 v11, v17  }
0x1cb: {  	[tilespmem:s31+$0x90D0] =	vst v17  }
0x1cc: {  	[tilespmem:v16+s18+$0x0] =	vst.idx.add.f32.msk $0xffff, v6  }
0x1cd: {  	v16 =	vld [tilespmem:s31+$0x5060];
	_ =	sdelay $0x7  }
0x1ce: {  	v17 =	vld.idx.msk [tilespmem:v16+s17+$0x0], $0xffff;
	_ =	sdelay $0x4  }
0x1cf: {  	v17 =	vadd.s32 s30, v17  }
0x1d0: {  	v17 =	vadd.s32 v12, v17  }
0x1d1: {  	[tilespmem:s31+$0x90E0] =	vst v17  }
0x1d2: {  	[tilespmem:v16+s18+$0x0] =	vst.idx.add.f32.msk $0xffff, v6  }
0x1d3: {  	v16 =	vld [tilespmem:s31+$0x5070];
	_ =	sdelay $0x7  }
0x1d4: {  	v17 =	vld.idx.msk [tilespmem:v16+s17+$0x0], $0xffff;
	_ =	sdelay $0x2  }
0x1d5: {  	p0 =	sne.s32 s29, $0x3E00  }
.Ltmp9:
0x1d6: {  	_ = 	snop;
	(pc) =	sbr.rel @p0 .LBB2_20-.Ltmp9, $4  }
0x1d7: {  	v17 =	vadd.s32 s30, v17  }
0x1d8: {  	v17 =	vadd.s32 v13, v17  }
0x1d9: {  	[tilespmem:s31+$0x90F0] =	vst v17  }
0x1da: {  	s29 =	sadd.s32 $0x200, s29;
	s30 =	sadd.s32 $0x400, s30;
	[tilespmem:v16+s18+$0x0] =	vst.idx.add.f32.msk $0xffff, v6  }
0x1db: {  	[tilespmem:s23], [sflag:$0x2] =	stream.indirect.gather [hbm4b:s0+s19], $0x1, s22, s19, $0xb8;
	[tilespmem:$0xC180] =	vst v63  }
0x1dc: {  	_ =	swait.ge [sflag:s24], $0x1000  }
0x1dd: {  	[sflag:s24] =	ssyncset.done $0x0  }
0x1de: {  	s29 =	simm.s32 $0x0;
	[sflag:s24] =	ssyncadd.s32 $0xFFFFF000  }
0x1df: {  	v18 =	vld [tilespmem:s29+$0xA080]  }
0x1e0: {  	v19 =	vld [tilespmem:s29+$0xA090]  }
0x1e1: {  	v20 =	vld [tilespmem:s29+$0xA0A0]  }
0x1e2: {  	v21 =	vld [tilespmem:s29+$0xA0B0]  }
0x1e3: {  	v16 =	vld [tilespmem:s29+$0xA0C0]  }
0x1e4: {  	v17 =	vld [tilespmem:s29+$0xA0D0]  }
0x1e5: {  	v22 =	vadd.f32 v18, v14;
	v23 =	vadd.f32 v19, v15;
	v14 =	vld [tilespmem:s29+$0xA0E0]  }
0x1e6: {  	s30 =	simm.s32 $0x80;
	v18 =	vld [tilespmem:s29+$0xA0F0]  }
0x1e7: {  	s31 =	simm.s32 $0x400;
	s29 =	simm.s32 $0x0;
	v15 =	vld [tilespmem:s30+$0xA080];
	v19 =	vadd.f32 v20, v22;
	v20 =	vadd.f32 v21, v23  }
.LBB2_22:
0x1e8: {  	p0 =	sne.s32 s31, $0x3E00;
	v21 =	vld [tilespmem:s30+$0xA090]  }
0x1e9: {  	v22 =	vld [tilespmem:s30+$0xA0A0];
	v19 =	vadd.f32 v16, v19;
	v17 =	vadd.f32 v17, v20  }
0x1ea: {  	v20 =	vld [tilespmem:s30+$0xA0B0]  }
.Ltmp10:
0x1eb: {  	v16 =	vld [tilespmem:s30+$0xA0C0];
	v14 =	vadd.f32 v14, v19;
	v18 =	vadd.f32 v18, v17;
	(pc) =	sbr.rel @p0 .LBB2_22-.Ltmp10, $4  }
0x1ec: {  	v17 =	vld [tilespmem:s30+$0xA0D0]  }
0x1ed: {  	v19 =	vadd.f32 v15, v14;
	v21 =	vadd.f32 v21, v18;
	v14 =	vld [tilespmem:s30+$0xA0E0]  }
0x1ee: {  	v18 =	vld [tilespmem:s30+$0xA0F0];
	s30 =	sshra.s32 s31, $0x2  }
0x1ef: {  	s31 =	sadd.s32 $0x200, s31;
	v15 =	vld [tilespmem:s30+$0xA080];
	v19 =	vadd.f32 v22, v19;
	v20 =	vadd.f32 v20, v21  }
0x1f0: {  	v21 =	vld [tilespmem:s30+$0xA090]  }
0x1f1: {  	v22 =	vld [tilespmem:s30+$0xA0A0];
	v16 =	vadd.f32 v16, v19;
	v17 =	vadd.f32 v17, v20  }
0x1f2: {  	v61 =	vld [tilespmem:s30+$0xA0B0]  }
0x1f3: {  	v62 =	vld [tilespmem:s30+$0xA0C0];
	v14 =	vadd.f32 v14, v16;
	v16 =	vadd.f32 v18, v17  }
0x1f4: {  	v17 =	vld [tilespmem:s30+$0xA0D0]  }
0x1f5: {  	v63 =	vld [tilespmem:s30+$0xA0F0];
	v14 =	vadd.f32 v15, v14;
	v15 =	vadd.f32 v21, v16  }
0x1f6: {  	v16 =	vld [tilespmem:s30+$0xA0E0]  }
0x1f7: {  	v14 =	vadd.f32 v22, v14;
	v15 =	vadd.f32 v61, v15;
	_ =	sdelay $0x1  }
0x1f8: {  	v14 =	vadd.f32 v62, v14;
	v15 =	vadd.f32 v17, v15;
	_ =	sdelay $0x1  }
0x1f9: {  	s30 =	smov.u32 s12;
	v14 =	vadd.f32 v16, v14;
	v15 =	vadd.f32 v63, v15  }
.LBB2_24:
0x1fa: {  	s31 =	sshra.s32 s29, $0x2  }
0x1fb: {  	v16 =	vld [tilespmem:s31+$0x6000];
	_ =	sdelay $0x7  }
0x1fc: {  	v17 =	vld.idx.msk [tilespmem:v16+s17+$0x0], $0xffff;
	_ =	sdelay $0x4  }
0x1fd: {  	v17 =	vadd.s32 s30, v17  }
0x1fe: {  	v17 =	vadd.s32 v4, v17  }
0x1ff: {  	[tilespmem:s31+$0x8080] =	vst v17  }
0x200: {  	[tilespmem:v16+s18+$0x0] =	vst.idx.add.f32.msk $0xffff, v6  }
0x201: {  	v16 =	vld [tilespmem:s31+$0x6010];
	_ =	sdelay $0x7  }
0x202: {  	v17 =	vld.idx.msk [tilespmem:v16+s17+$0x0], $0xffff;
	_ =	sdelay $0x4  }
0x203: {  	v17 =	vadd.s32 s30, v17  }
0x204: {  	v17 =	vadd.s32 v7, v17  }
0x205: {  	[tilespmem:s31+$0x8090] =	vst v17  }
0x206: {  	[tilespmem:v16+s18+$0x0] =	vst.idx.add.f32.msk $0xffff, v6  }
0x207: {  	v16 =	vld [tilespmem:s31+$0x6020];
	_ =	sdelay $0x7  }
0x208: {  	v17 =	vld.idx.msk [tilespmem:v16+s17+$0x0], $0xffff;
	_ =	sdelay $0x4  }
0x209: {  	v17 =	vadd.s32 s30, v17  }
0x20a: {  	v17 =	vadd.s32 v8, v17  }
0x20b: {  	[tilespmem:s31+$0x80A0] =	vst v17  }
0x20c: {  	[tilespmem:v16+s18+$0x0] =	vst.idx.add.f32.msk $0xffff, v6  }
0x20d: {  	v16 =	vld [tilespmem:s31+$0x6030];
	_ =	sdelay $0x7  }
0x20e: {  	v17 =	vld.idx.msk [tilespmem:v16+s17+$0x0], $0xffff;
	_ =	sdelay $0x4  }
0x20f: {  	v17 =	vadd.s32 s30, v17  }
0x210: {  	v17 =	vadd.s32 v9, v17  }
0x211: {  	[tilespmem:s31+$0x80B0] =	vst v17  }
0x212: {  	[tilespmem:v16+s18+$0x0] =	vst.idx.add.f32.msk $0xffff, v6  }
0x213: {  	v16 =	vld [tilespmem:s31+$0x6040];
	_ =	sdelay $0x7  }
0x214: {  	v17 =	vld.idx.msk [tilespmem:v16+s17+$0x0], $0xffff;
	_ =	sdelay $0x4  }
0x215: {  	v17 =	vadd.s32 s30, v17  }
0x216: {  	v17 =	vadd.s32 v10, v17  }
0x217: {  	[tilespmem:s31+$0x80C0] =	vst v17  }
0x218: {  	[tilespmem:v16+s18+$0x0] =	vst.idx.add.f32.msk $0xffff, v6  }
0x219: {  	v16 =	vld [tilespmem:s31+$0x6050];
	_ =	sdelay $0x7  }
0x21a: {  	v17 =	vld.idx.msk [tilespmem:v16+s17+$0x0], $0xffff;
	_ =	sdelay $0x4  }
0x21b: {  	v17 =	vadd.s32 s30, v17  }
0x21c: {  	v17 =	vadd.s32 v11, v17  }
0x21d: {  	[tilespmem:s31+$0x80D0] =	vst v17  }
0x21e: {  	[tilespmem:v16+s18+$0x0] =	vst.idx.add.f32.msk $0xffff, v6  }
0x21f: {  	v16 =	vld [tilespmem:s31+$0x6060];
	_ =	sdelay $0x7  }
0x220: {  	v17 =	vld.idx.msk [tilespmem:v16+s17+$0x0], $0xffff;
	_ =	sdelay $0x4  }
0x221: {  	v17 =	vadd.s32 s30, v17  }
0x222: {  	v17 =	vadd.s32 v12, v17  }
0x223: {  	[tilespmem:s31+$0x80E0] =	vst v17  }
0x224: {  	[tilespmem:v16+s18+$0x0] =	vst.idx.add.f32.msk $0xffff, v6  }
0x225: {  	v16 =	vld [tilespmem:s31+$0x6070];
	_ =	sdelay $0x7  }
0x226: {  	v17 =	vld.idx.msk [tilespmem:v16+s17+$0x0], $0xffff;
	_ =	sdelay $0x2  }
0x227: {  	p0 =	sne.s32 s29, $0x3E00  }
.Ltmp11:
0x228: {  	_ = 	snop;
	(pc) =	sbr.rel @p0 .LBB2_24-.Ltmp11, $4  }
0x229: {  	v17 =	vadd.s32 s30, v17  }
0x22a: {  	v17 =	vadd.s32 v13, v17  }
0x22b: {  	[tilespmem:s31+$0x80F0] =	vst v17  }
0x22c: {  	s29 =	sadd.s32 $0x200, s29;
	s30 =	sadd.s32 $0x400, s30;
	[tilespmem:v16+s18+$0x0] =	vst.idx.add.f32.msk $0xffff, v6  }
0x22d: {  	[tilespmem:s21], [sflag:$0x1] =	stream.indirect.gather [hbm4b:s0+s19], $0x1, s20, s19, $0xb8;
	[tilespmem:$0xC180] =	vst v63  }
0x22e: {  	_ =	swait.ge [sflag:s25], $0x1000  }
0x22f: {  	[sflag:s25] =	ssyncset.done $0x0  }
0x230: {  	s29 =	simm.s32 $0x0;
	[sflag:s25] =	ssyncadd.s32 $0xFFFFF000  }
0x231: {  	v18 =	vld [tilespmem:s29+$0xB080]  }
0x232: {  	v19 =	vld [tilespmem:s29+$0xB090]  }
0x233: {  	v20 =	vld [tilespmem:s29+$0xB0A0]  }
0x234: {  	v21 =	vld [tilespmem:s29+$0xB0B0]  }
0x235: {  	v16 =	vld [tilespmem:s29+$0xB0C0]  }
0x236: {  	v17 =	vld [tilespmem:s29+$0xB0D0]  }
0x237: {  	v22 =	vadd.f32 v18, v14;
	v23 =	vadd.f32 v19, v15;
	v14 =	vld [tilespmem:s29+$0xB0E0]  }
0x238: {  	s30 =	simm.s32 $0x80;
	v18 =	vld [tilespmem:s29+$0xB0F0]  }
0x239: {  	s31 =	simm.s32 $0x400;
	s29 =	simm.s32 $0x0;
	v15 =	vld [tilespmem:s30+$0xB080];
	v19 =	vadd.f32 v20, v22;
	v20 =	vadd.f32 v21, v23  }
.LBB2_26:
0x23a: {  	p0 =	sne.s32 s31, $0x3E00;
	v21 =	vld [tilespmem:s30+$0xB090]  }
0x23b: {  	v22 =	vld [tilespmem:s30+$0xB0A0];
	v19 =	vadd.f32 v16, v19;
	v17 =	vadd.f32 v17, v20  }
0x23c: {  	v20 =	vld [tilespmem:s30+$0xB0B0]  }
.Ltmp12:
0x23d: {  	v16 =	vld [tilespmem:s30+$0xB0C0];
	v14 =	vadd.f32 v14, v19;
	v18 =	vadd.f32 v18, v17;
	(pc) =	sbr.rel @p0 .LBB2_26-.Ltmp12, $4  }
0x23e: {  	v17 =	vld [tilespmem:s30+$0xB0D0]  }
0x23f: {  	v19 =	vadd.f32 v15, v14;
	v21 =	vadd.f32 v21, v18;
	v14 =	vld [tilespmem:s30+$0xB0E0]  }
0x240: {  	v18 =	vld [tilespmem:s30+$0xB0F0];
	s30 =	sshra.s32 s31, $0x2  }
0x241: {  	s31 =	sadd.s32 $0x200, s31;
	v15 =	vld [tilespmem:s30+$0xB080];
	v19 =	vadd.f32 v22, v19;
	v20 =	vadd.f32 v20, v21  }
0x242: {  	v21 =	vld [tilespmem:s30+$0xB090]  }
0x243: {  	v22 =	vld [tilespmem:s30+$0xB0A0];
	v16 =	vadd.f32 v16, v19;
	v17 =	vadd.f32 v17, v20  }
0x244: {  	v61 =	vld [tilespmem:s30+$0xB0B0]  }
0x245: {  	v62 =	vld [tilespmem:s30+$0xB0C0];
	v14 =	vadd.f32 v14, v16;
	v16 =	vadd.f32 v18, v17  }
0x246: {  	v17 =	vld [tilespmem:s30+$0xB0D0]  }
0x247: {  	v63 =	vld [tilespmem:s30+$0xB0F0];
	v14 =	vadd.f32 v15, v14;
	v15 =	vadd.f32 v21, v16  }
0x248: {  	v16 =	vld [tilespmem:s30+$0xB0E0]  }
0x249: {  	v14 =	vadd.f32 v22, v14;
	v15 =	vadd.f32 v61, v15;
	_ =	sdelay $0x1  }
0x24a: {  	v14 =	vadd.f32 v62, v14;
	v15 =	vadd.f32 v17, v15;
	_ =	sdelay $0x1  }
0x24b: {  	s30 =	smov.u32 s13;
	v14 =	vadd.f32 v16, v14;
	v15 =	vadd.f32 v63, v15  }
.LBB2_28:
0x24c: {  	s31 =	sshra.s32 s29, $0x2  }
0x24d: {  	v16 =	vld [tilespmem:s31+$0x7000];
	_ =	sdelay $0x7  }
0x24e: {  	v17 =	vld.idx.msk [tilespmem:v16+s17+$0x0], $0xffff;
	_ =	sdelay $0x4  }
0x24f: {  	v17 =	vadd.s32 s30, v17  }
0x250: {  	v17 =	vadd.s32 v4, v17  }
0x251: {  	[tilespmem:s31+$0x9080] =	vst v17  }
0x252: {  	[tilespmem:v16+s18+$0x0] =	vst.idx.add.f32.msk $0xffff, v6  }
0x253: {  	v16 =	vld [tilespmem:s31+$0x7010];
	_ =	sdelay $0x7  }
0x254: {  	v17 =	vld.idx.msk [tilespmem:v16+s17+$0x0], $0xffff;
	_ =	sdelay $0x4  }
0x255: {  	v17 =	vadd.s32 s30, v17  }
0x256: {  	v17 =	vadd.s32 v7, v17  }
0x257: {  	[tilespmem:s31+$0x9090] =	vst v17  }
0x258: {  	[tilespmem:v16+s18+$0x0] =	vst.idx.add.f32.msk $0xffff, v6  }
0x259: {  	v16 =	vld [tilespmem:s31+$0x7020];
	_ =	sdelay $0x7  }
0x25a: {  	v17 =	vld.idx.msk [tilespmem:v16+s17+$0x0], $0xffff;
	_ =	sdelay $0x4  }
0x25b: {  	v17 =	vadd.s32 s30, v17  }
0x25c: {  	v17 =	vadd.s32 v8, v17  }
0x25d: {  	[tilespmem:s31+$0x90A0] =	vst v17  }
0x25e: {  	[tilespmem:v16+s18+$0x0] =	vst.idx.add.f32.msk $0xffff, v6  }
0x25f: {  	v16 =	vld [tilespmem:s31+$0x7030];
	_ =	sdelay $0x7  }
0x260: {  	v17 =	vld.idx.msk [tilespmem:v16+s17+$0x0], $0xffff;
	_ =	sdelay $0x4  }
0x261: {  	v17 =	vadd.s32 s30, v17  }
0x262: {  	v17 =	vadd.s32 v9, v17  }
0x263: {  	[tilespmem:s31+$0x90B0] =	vst v17  }
0x264: {  	[tilespmem:v16+s18+$0x0] =	vst.idx.add.f32.msk $0xffff, v6  }
0x265: {  	v16 =	vld [tilespmem:s31+$0x7040];
	_ =	sdelay $0x7  }
0x266: {  	v17 =	vld.idx.msk [tilespmem:v16+s17+$0x0], $0xffff;
	_ =	sdelay $0x4  }
0x267: {  	v17 =	vadd.s32 s30, v17  }
0x268: {  	v17 =	vadd.s32 v10, v17  }
0x269: {  	[tilespmem:s31+$0x90C0] =	vst v17  }
0x26a: {  	[tilespmem:v16+s18+$0x0] =	vst.idx.add.f32.msk $0xffff, v6  }
0x26b: {  	v16 =	vld [tilespmem:s31+$0x7050];
	_ =	sdelay $0x7  }
0x26c: {  	v17 =	vld.idx.msk [tilespmem:v16+s17+$0x0], $0xffff;
	_ =	sdelay $0x4  }
0x26d: {  	v17 =	vadd.s32 s30, v17  }
0x26e: {  	v17 =	vadd.s32 v11, v17  }
0x26f: {  	[tilespmem:s31+$0x90D0] =	vst v17  }
0x270: {  	[tilespmem:v16+s18+$0x0] =	vst.idx.add.f32.msk $0xffff, v6  }
0x271: {  	v16 =	vld [tilespmem:s31+$0x7060];
	_ =	sdelay $0x7  }
0x272: {  	v17 =	vld.idx.msk [tilespmem:v16+s17+$0x0], $0xffff;
	_ =	sdelay $0x4  }
0x273: {  	v17 =	vadd.s32 s30, v17  }
0x274: {  	v17 =	vadd.s32 v12, v17  }
0x275: {  	[tilespmem:s31+$0x90E0] =	vst v17  }
0x276: {  	[tilespmem:v16+s18+$0x0] =	vst.idx.add.f32.msk $0xffff, v6  }
0x277: {  	v16 =	vld [tilespmem:s31+$0x7070];
	_ =	sdelay $0x7  }
0x278: {  	v17 =	vld.idx.msk [tilespmem:v16+s17+$0x0], $0xffff;
	_ =	sdelay $0x2  }
0x279: {  	p0 =	sne.s32 s29, $0x3E00  }
.Ltmp13:
0x27a: {  	_ = 	snop;
	(pc) =	sbr.rel @p0 .LBB2_28-.Ltmp13, $4  }
0x27b: {  	v17 =	vadd.s32 s30, v17  }
0x27c: {  	v17 =	vadd.s32 v13, v17  }
0x27d: {  	[tilespmem:s31+$0x90F0] =	vst v17  }
0x27e: {  	s29 =	sadd.s32 $0x200, s29;
	s30 =	sadd.s32 $0x400, s30;
	[tilespmem:v16+s18+$0x0] =	vst.idx.add.f32.msk $0xffff, v6  }
0x27f: {  	[tilespmem:s23], [sflag:$0x2] =	stream.indirect.gather [hbm4b:s0+s19], $0x1, s22, s19, $0xb8;
	[tilespmem:$0xC180] =	vst v63  }
0x280: {  	_ =	swait.ge [sflag:s24], $0x1000  }
0x281: {  	[sflag:s24] =	ssyncset.done $0x0  }
0x282: {  	s30 =	simm.s32 $0x0;
	[sflag:s24] =	ssyncadd.s32 $0xFFFFF000  }
0x283: {  	v18 =	vld [tilespmem:s30+$0xA080]  }
0x284: {  	v19 =	vld [tilespmem:s30+$0xA090]  }
0x285: {  	v20 =	vld [tilespmem:s30+$0xA0A0]  }
0x286: {  	v21 =	vld [tilespmem:s30+$0xA0B0]  }
0x287: {  	v16 =	vld [tilespmem:s30+$0xA0C0]  }
0x288: {  	v17 =	vld [tilespmem:s30+$0xA0D0]  }
0x289: {  	v22 =	vadd.f32 v18, v14;
	v23 =	vadd.f32 v19, v15;
	v15 =	vld [tilespmem:s30+$0xA0E0]  }
0x28a: {  	s29 =	simm.s32 $0x80;
	v18 =	vld [tilespmem:s30+$0xA0F0]  }
0x28b: {  	v14 =	vld [tilespmem:s29+$0xA080];
	s30 =	simm.s32 $0x400;
	v19 =	vadd.f32 v20, v22;
	v20 =	vadd.f32 v21, v23  }
.LBB2_30:
0x28c: {  	p0 =	sne.s32 s30, $0x3E00;
	v21 =	vld [tilespmem:s29+$0xA090]  }
0x28d: {  	v22 =	vld [tilespmem:s29+$0xA0A0];
	v19 =	vadd.f32 v16, v19;
	v17 =	vadd.f32 v17, v20  }
0x28e: {  	v20 =	vld [tilespmem:s29+$0xA0B0]  }
.Ltmp14:
0x28f: {  	v16 =	vld [tilespmem:s29+$0xA0C0];
	v15 =	vadd.f32 v15, v19;
	v18 =	vadd.f32 v18, v17;
	(pc) =	sbr.rel @p0 .LBB2_30-.Ltmp14, $4  }
0x290: {  	v17 =	vld [tilespmem:s29+$0xA0D0]  }
0x291: {  	v19 =	vadd.f32 v14, v15;
	v21 =	vadd.f32 v21, v18;
	v15 =	vld [tilespmem:s29+$0xA0E0]  }
0x292: {  	v18 =	vld [tilespmem:s29+$0xA0F0];
	s29 =	sshra.s32 s30, $0x2  }
0x293: {  	s30 =	sadd.s32 $0x200, s30;
	v14 =	vld [tilespmem:s29+$0xA080];
	v19 =	vadd.f32 v22, v19;
	v20 =	vadd.f32 v20, v21  }
0x294: {  	v21 =	vld [tilespmem:s29+$0xA090]  }
0x295: {  	v22 =	vld [tilespmem:s29+$0xA0A0]  }
0x296: {  	v23 =	vld [tilespmem:s29+$0xA0B0]  }
0x297: {  	v24 =	vld [tilespmem:s29+$0xA0C0];
	v16 =	vadd.f32 v16, v19;
	v17 =	vadd.f32 v17, v20  }
0x298: {  	v19 =	vld [tilespmem:s29+$0xA0D0]  }
0x299: {  	v20 =	vld [tilespmem:s29+$0xA0E0];
	v15 =	vadd.f32 v15, v16;
	v16 =	vadd.f32 v18, v17  }
0x29a: {  	v17 =	vld [tilespmem:s29+$0xA0F0];
	_ =	swait.ge [sflag:s25], $0x1000  }
0x29b: {  	[sflag:s25] =	ssyncset.done $0x0;
	v14 =	vadd.f32 v14, v15;
	v15 =	vadd.f32 v21, v16  }
0x29c: {  	s30 =	simm.s32 $0x0;
	[sflag:s25] =	ssyncadd.s32 $0xFFFFF000  }
0x29d: {  	v16 =	vld [tilespmem:s30+$0xB080];
	v14 =	vadd.f32 v22, v14;
	v15 =	vadd.f32 v23, v15  }
0x29e: {  	v18 =	vld [tilespmem:s30+$0xB090]  }
0x29f: {  	v21 =	vld [tilespmem:s30+$0xB0B0];
	v14 =	vadd.f32 v24, v14;
	v15 =	vadd.f32 v19, v15  }
0x2a0: {  	v19 =	vld [tilespmem:s30+$0xB0A0]  }
0x2a1: {  	v20 =	vadd.f32 v20, v14;
	v15 =	vadd.f32 v17, v15;
	v14 =	vld [tilespmem:s30+$0xB0C0]  }
0x2a2: {  	v17 =	vld [tilespmem:s30+$0xB0D0]  }
0x2a3: {  	v20 =	vadd.f32 v16, v20;
	v22 =	vadd.f32 v18, v15;
	v15 =	vld [tilespmem:s30+$0xB0E0]  }
0x2a4: {  	s29 =	simm.s32 $0x80;
	v18 =	vld [tilespmem:s30+$0xB0F0]  }
0x2a5: {  	v16 =	vld [tilespmem:s29+$0xB080];
	s30 =	simm.s32 $0x400;
	v19 =	vadd.f32 v19, v20;
	v20 =	vadd.f32 v21, v22  }
.LBB2_32:
0x2a6: {  	p0 =	sne.s32 s30, $0x3E00;
	v21 =	vld [tilespmem:s29+$0xB090]  }
0x2a7: {  	v22 =	vld [tilespmem:s29+$0xB0A0];
	v19 =	vadd.f32 v14, v19;
	v17 =	vadd.f32 v17, v20  }
0x2a8: {  	v20 =	vld [tilespmem:s29+$0xB0B0]  }
.Ltmp15:
0x2a9: {  	v14 =	vld [tilespmem:s29+$0xB0C0];
	v15 =	vadd.f32 v15, v19;
	v18 =	vadd.f32 v18, v17;
	(pc) =	sbr.rel @p0 .LBB2_32-.Ltmp15, $4  }
0x2aa: {  	v17 =	vld [tilespmem:s29+$0xB0D0]  }
0x2ab: {  	v19 =	vadd.f32 v16, v15;
	v21 =	vadd.f32 v21, v18;
	v15 =	vld [tilespmem:s29+$0xB0E0]  }
0x2ac: {  	v18 =	vld [tilespmem:s29+$0xB0F0];
	s29 =	sshra.s32 s30, $0x2  }
0x2ad: {  	s30 =	sadd.s32 $0x200, s30;
	v16 =	vld [tilespmem:s29+$0xB080];
	v19 =	vadd.f32 v22, v19;
	v20 =	vadd.f32 v20, v21  }
0x2ae: {  	v21 =	vld [tilespmem:s29+$0xB090]  }
0x2af: {  	v22 =	vld [tilespmem:s29+$0xB0A0];
	v14 =	vadd.f32 v14, v19;
	v17 =	vadd.f32 v17, v20  }
0x2b0: {  	v59 =	vld [tilespmem:s29+$0xB0B0]  }
0x2b1: {  	v60 =	vld [tilespmem:s29+$0xB0C0];
	v14 =	vadd.f32 v15, v14;
	v15 =	vadd.f32 v18, v17  }
0x2b2: {  	v61 =	vld [tilespmem:s29+$0xB0D0]  }
0x2b3: {  	v62 =	vld [tilespmem:s29+$0xB0E0];
	v14 =	vadd.f32 v16, v14;
	v15 =	vadd.f32 v21, v15  }
0x2b4: {  	v63 =	vld [tilespmem:s29+$0xB0F0]  }
0x2b5: {  	v14 =	vadd.f32 v22, v14;
	v15 =	vadd.f32 v59, v15;
	_ =	sdelay $0x1  }
0x2b6: {  	v14 =	vadd.f32 v60, v14;
	v15 =	vadd.f32 v61, v15;
	_ =	sdelay $0x1  }
0x2b7: {  	v14 =	vadd.f32 v62, v14;
	v15 =	vadd.f32 v63, v15;
	_ =	sdelay $0x1  }
0x2b8: {  	v14 =	vadd.f32 v15, v14;
	_ =	sdelay $0x1  }
0x2b9: {  	[tilespmem:$0xC100] =	vst v14  }
0x2ba: {  	[hbm4b:s4+s3] =	stream.linear.scatter [tilespmem:s26], [sflag:$0x3], $0x80, $0x38;
	[tilespmem:$0xC180] =	vst v63  }
0x2bb: {  	s28 =	sadd.s32 $0x1, s28;
	_ =	swait.ge [sflag:s16], $0x80  }
0x2bc: {  	p0 =	sne.s32 s28, s15;
	[sflag:s16] =	ssyncset.done $0x0  }
.Ltmp16:
0x2bd: {  	[sflag:s16] =	ssyncadd.s32 $0xFFFFFF80;
	(pc) =	sbr.rel @p0 .LBB2_1-.Ltmp16, $4  }
0x2be: {  	[hbm4b:s6+s3] =	stream.linear.scatter [tilespmem:s18], [sflag:$0x3], $0x80, $0x38;
	[tilespmem:$0xC180] =	vst v63  }
0x2bf: {  	_ =	swait.ge [sflag:s16], $0x80  }
0x2c0: {  	[sflag:s16] =	ssyncset.done $0x0  }
0x2c1: {  	[sflag:s16] =	ssyncadd.s32 $0xFFFFFF80  }
0x2c2: {  	_ =	sfence.sel $0x180000  }
0x2c3: {  	[bflag:$0x0] =	sbarrier.arrive $0xFFFF  }
0x2c4: {  	p0 =	sne.s32 s2, $0x0;
	_ =	strace $0x90000047  }
0x2c5: {  	s0 =	sadd.s32 @!p0 $0x100000, s1;
	[bflag:$0x2] =	sbarrier.arrive $0xFFFF  }
0x2c6: {  	[sflag:s0] =	ssyncadd.tile.s32 @!p0 $0x1;
	_ =	shalt  }
.Lfunc_end2:
_tile_overlayer_lowered:
.L_overlay_start_2:
0x2c7: {  	(tag) =	ssettag $0x2  }
0x2c8: {  	s0 =	rddreg [dreg:$0x0];
	s2 =	stileid.u32  }
0x2c9: {  	s1 =	rddreg [dreg:$0x1];
	p0 =	sne.s32 s2, $0x0  }
0x2ca: {  	s3 =	rddreg [dreg:$0x2];
	[bflag:$0x3] =	sbarrier.arrive $0xFFFF;
	s2 =	simm.s32 @!p0 $0x1C03  }
0x2cb: {  	[timem:s3], [sflag:s2] =	dma.local @!p0 [hbm:s0], s1  }
0x2cc: {  	s0 =	simm.s32 @!p0 $0x3  }
0x2cd: {  	_ =	swait.ge @!p0 [sflag:s0], s1  }
0x2ce: {  	s1 =	ssub.s32 @!p0 $0x0, s1;
	[sflag:s0] =	ssyncset.done @!p0 $0x0  }
0x2cf: {  	[sflag:s0] =	ssyncadd.s32 @!p0 s1  }
0x2d0: {  	[bflag:$0x3] =	sbarrier.arrive $0xFFFF  }
0x2d1: {  	_ =	shalt  }

</sc_bundles>
